<compile_context>
chip_gen: v7x
topology: tpu7x:2x2x1
jax: 0.10.2.dev20260603
libtpu: 0.0.44.dev20260713+nightly
codegen_flags: <defaults>
</compile_context>

<pallas_src>
import functools

import jax
import jax.numpy as jnp
from jax import lax
from jax.experimental import pallas as pl
from jax.experimental.pallas import tpu as pltpu
from jax.experimental.pallas import tpu_sc as plsc

B = 16384
L = 200
EMB = 64
OUT = 128

NC = 2
NS = 16
NW = NC * NS
RW = B // NW
HALF = L // 2
ACC = 8
QI = 256
NQ = (2 * RW) // QI
VB = RW // 4

_sc_mesh = plsc.VectorSubcoreMesh(core_axis_name="c", subcore_axis_name="s")

VOCAB = 1000000
NBLK = VOCAB // 128
TAILV = NBLK * 128
GG = 123


@functools.partial(
    pl.kernel,
    mesh=_sc_mesh,
    out_type=jax.ShapeDtypeStruct((VOCAB * EMB,), jnp.float32),
    scratch_types=[
        pltpu.VMEM((EMB, 128), jnp.float32),
        pltpu.VMEM((EMB, 128), jnp.float32),
        pltpu.VMEM((128 * EMB,), jnp.float32),
        pltpu.VMEM((128 * EMB,), jnp.float32),
        pltpu.VMEM((64 * EMB,), jnp.float32),
        pltpu.SemaphoreType.DMA,
        pltpu.SemaphoreType.DMA,
        pltpu.SemaphoreType.DMA,
        pltpu.SemaphoreType.DMA,
    ],
    compiler_params=pltpu.CompilerParams(
        use_tc_tiling_on_sc=True, needs_layout_passes=False),
)
def _sc_repack(tt_hbm, tail_hbm, out_hbm, in0, in1, ot0, ot1, tb,
               semi0, semi1, semo0, semo1):
    wid = lax.axis_index("s") * NC + lax.axis_index("c")
    ins = (in0, in1)
    ots = (ot0, ot1)
    semis = (semi0, semi1)
    semos = (semo0, semo1)
    ibase = lax.iota(jnp.int32, 16) * EMB

    def in_fire(blk, side):
        pltpu.async_copy(tt_hbm.at[pl.ds(0, EMB), pl.ds(blk * 128, 128)],
                         ins[side], semis[side])

    def in_drain(side):
        pltpu.make_async_copy(
            tt_hbm.at[pl.ds(0, EMB), pl.ds(0, 128)], ins[side],
            semis[side]).wait()

    def out_fire(blk, side):
        pltpu.async_copy(ots[side], out_hbm.at[pl.ds(blk * 128 * EMB,
                                                     128 * EMB)], semos[side])

    def out_drain(side):
        pltpu.make_async_copy(
            ots[side], out_hbm.at[pl.ds(0, 128 * EMB)], semos[side]).wait()

    def transpose_block(side):
        def fbody(f, _):
            for l0 in range(0, 128, 16):
                x = ins[side][f, pl.ds(l0, 16)]
                plsc.store_scatter(ots[side], [ibase + (l0 * EMB + f)], x)
            return 0
        lax.fori_loop(0, EMB, fbody, 0)

    in_fire(wid, 0)
    in_fire(wid + 32, 1)

    def body(gg, _):
        blk0 = 64 * gg + wid
        blk1 = blk0 + 32

        @pl.when(blk0 < NBLK)
        def _():
            in_drain(0)

            @pl.when(gg >= 1)
            def _():
                out_drain(0)

            transpose_block(0)
            out_fire(blk0, 0)

        @pl.when(blk0 + 64 < NBLK)
        def _():
            in_fire(blk0 + 64, 0)

        @pl.when(blk1 < NBLK)
        def _():
            in_drain(1)

            @pl.when(gg >= 1)
            def _():
                out_drain(1)

            transpose_block(1)
            out_fire(blk1, 1)

        @pl.when(blk1 + 64 < NBLK)
        def _():
            in_fire(blk1 + 64, 1)

        return 0

    lax.fori_loop(0, GG, body, 0)
    out_drain(0)
    out_drain(1)

    @pl.when(wid == 0)
    def _():
        pltpu.sync_copy(tail_hbm, tb)
        pltpu.sync_copy(tb, out_hbm.at[pl.ds(TAILV * EMB, 64 * EMB)])


def _accumulate(buf_ref):
    zero = jnp.zeros((16,), jnp.float32)

    def body(j, accs):
        res = list(accs)
        for jj in range(8):
            row = j * 8 + jj
            for k in range(4):
                res[(jj % 2) * 4 + k] = (
                    res[(jj % 2) * 4 + k] + buf_ref[row, pl.ds(16 * k, 16)])
        return tuple(res)

    accs = lax.fori_loop(0, L // 8, body, (zero,) * 8)
    return [accs[k] + accs[k + 4] for k in range(4)]


@functools.partial(
    pl.kernel,
    mesh=_sc_mesh,
    out_type=jax.ShapeDtypeStruct((B, EMB), jnp.float32),
    scratch_types=[
        pltpu.VMEM((2, QI, HALF), jnp.int32),
        pltpu.VMEM((L, EMB), jnp.float32),
        pltpu.VMEM((L, EMB), jnp.float32),
        pltpu.VMEM((L, EMB), jnp.float32),
        pltpu.VMEM((L, EMB), jnp.float32),
        pltpu.VMEM((ACC, EMB), jnp.float32),
        pltpu.SemaphoreType.DMA,
        pltpu.SemaphoreType.DMA,
        pltpu.SemaphoreType.DMA,
        pltpu.SemaphoreType.DMA,
        pltpu.SemaphoreType.DMA,
        pltpu.SemaphoreType.DMA,
    ],
    compiler_params=pltpu.CompilerParams(use_tc_tiling_on_sc=False),
)
def _sc_pool(idx_hbm, table_hbm, out_hbm, idxq, buf0, buf1, buf2, buf3, accv,
             sem0, sem1, sem2, sem3, semi, semo):
    wid = lax.axis_index("s") * NC + lax.axis_index("c")
    inv_l = jnp.float32(1.0 / L)
    bufs = (buf0, buf1, buf2, buf3)
    sems = (sem0, sem1, sem2, sem3)

    def fire(row, slot):
        for h in range(2):
            i = 2 * row + h
            pltpu.async_copy(
                table_hbm.at[idxq.at[(i // QI) % 2, i % QI]],
                bufs[slot].at[pl.ds(h * HALF, HALF)], sems[slot])

    def drain(slot):
        pltpu.make_async_copy(
            table_hbm.at[pl.ds(0, L)], bufs[slot], sems[slot]).wait()

    def finish(row, slot):
        acc = _accumulate(bufs[slot])
        for k in range(4):
            accv[row % ACC, pl.ds(16 * k, 16)] = acc[k] * inv_l

    def drain_out():
        pltpu.make_async_copy(
            accv.at[pl.ds(0, ACC // 2)],
            out_hbm.at[pl.ds(wid * RW, ACC // 2)], semo).wait()

    pltpu.sync_copy(idx_hbm.at[wid, pl.ds(0, QI)], idxq.at[0])
    pltpu.async_copy(idx_hbm.at[wid, pl.ds(QI, QI)], idxq.at[1], semi)
    for s in range(3):
        fire(s, s)

    def body2(v, _):
        r0 = 4 * v

        @pl.when(v >= 2)
        def _():
            drain_out()

        @pl.when(jnp.logical_and(v % 32 == 0,
                                 jnp.logical_and(v > 0, v < 96)))
        def _():
            qq = v // 32 + 1
            pltpu.async_copy(
                idx_hbm.at[wid, pl.ds(QI * qq, QI)], idxq.at[qq % 2], semi)

        @pl.when(jnp.logical_and(v % 32 == 31, v < VB - 1))
        def _():
            pltpu.make_async_copy(
                idx_hbm.at[wid, pl.ds(0, QI)], idxq.at[0], semi).wait()

        fire(r0 + 3, 3)
        drain(0)
        finish(r0, 0)

        @pl.when(v < VB - 1)
        def _():
            fire(r0 + 4, 0)

        drain(1)
        finish(r0 + 1, 1)

        @pl.when(v < VB - 1)
        def _():
            fire(r0 + 5, 1)

        drain(2)
        finish(r0 + 2, 2)

        @pl.when(v < VB - 1)
        def _():
            fire(r0 + 6, 2)

        drain(3)
        finish(r0 + 3, 3)

        pltpu.async_copy(
            accv.at[pl.ds((v % 2) * (ACC // 2), ACC // 2)],
            out_hbm.at[pl.ds(wid * RW + r0, ACC // 2)], semo)
        return 0

    lax.fori_loop(0, VB, body2, 0)
    drain_out()
    drain_out()


def _mlp_body(p_ref, w1_ref, b1_ref, w2_ref, b2_ref, w3_ref, b3_ref, o_ref):
    h = jnp.dot(p_ref[...], w1_ref[...], preferred_element_type=jnp.float32)
    h = jnp.maximum(h + b1_ref[...], 0.0)
    h = jnp.dot(h, w2_ref[...], preferred_element_type=jnp.float32)
    h = jnp.maximum(h + b2_ref[...], 0.0)
    o_ref[...] = (
        jnp.dot(h, w3_ref[...], preferred_element_type=jnp.float32)
        + b3_ref[...])


_BT = 1024


def _mlp(pooled, W1, b1, W2, b2, W3, b3):
    full = lambda shape: pl.BlockSpec(shape, lambda i: (0, 0))
    return pl.pallas_call(
        _mlp_body,
        grid=(B // _BT,),
        in_specs=[
            pl.BlockSpec((_BT, EMB), lambda i: (i, 0)),
            full(W1.shape), full((1, 512)),
            full(W2.shape), full((1, 256)),
            full(W3.shape), full((1, OUT)),
        ],
        out_specs=pl.BlockSpec((_BT, OUT), lambda i: (i, 0)),
        out_shape=jax.ShapeDtypeStruct((B, OUT), jnp.float32),
    )(pooled, W1, b1.reshape(1, 512), W2, b2.reshape(1, 256),
      W3, b3.reshape(1, OUT))


def kernel(x, table, W1, b1, W2, b2, W3, b3):
    tail = table[TAILV:].reshape(64 * EMB)
    packed = _sc_repack(table.T, tail).reshape(VOCAB, EMB)
    idx = x.astype(jnp.int32).reshape(NW, 2 * RW, HALF)
    pooled = _sc_pool(idx, packed)
    return _mlp(pooled, W1, b1, W2, b2, W3, b3)

# --- scband reference (transcript-rebuilt; emitter-appended) ---
"""Pipeline reference for scband-deep-recipe-encoder-11312943857777 (READ-ONLY COPY).

The authoritative reference and input builder live on the scoring server;
editing this copy changes nothing except your own understanding.
"""

import jax, jax.numpy as jnp
import numpy as np

VOCAB = 1000000
EMB = 64
OUT = 128
B = 16384
L = 200

def setup_inputs(seed: int = 0) -> dict:
    key = jax.random.key(seed)
    ks = jax.random.split(key, 8)
    x = jax.random.randint(ks[0], (B, L), 0, VOCAB, dtype=jnp.int64 if jax.config.read('jax_enable_x64') else jnp.int32)
    table = jax.random.normal(ks[1], (VOCAB, EMB), dtype=jnp.float32) * 0.02
    W1 = jax.random.normal(ks[2], (EMB, 512), dtype=jnp.float32) * (1.0 / np.sqrt(EMB))
    b1 = jnp.zeros((512,), dtype=jnp.float32)
    W2 = jax.random.normal(ks[3], (512, 256), dtype=jnp.float32) * (1.0 / np.sqrt(512))
    b2 = jnp.zeros((256,), dtype=jnp.float32)
    W3 = jax.random.normal(ks[4], (256, OUT), dtype=jnp.float32) * (1.0 / np.sqrt(256))
    b3 = jnp.zeros((OUT,), dtype=jnp.float32)
    return {"x": x, "table": table, "W1": W1, "b1": b1, "W2": W2, "b2": b2, "W3": W3, "b3": b3}

def reference(x, table, W1, b1, W2, b2, W3, b3):
    # embedding lookup (gather) + mean pool over sequence dim
    embedded = jnp.take(table, x, axis=0)  # [B, L, EMB]
    pooled = embedded.mean(axis=1)         # [B, EMB]
    # MLP (dropout is identity in eval mode)
    h = jax.nn.relu(pooled @ W1 + b1)
    h = jax.nn.relu(h @ W2 + b2)
    out = h @ W3 + b3
    return out

if __name__ == "__main__":
    import jax
    _d = setup_inputs()
    print(jax.jit(kernel)(*tuple(_d.values())))

</pallas_src>

<mosaic_0001>
#map = affine_map<(d0, d1) -> (0, 0)>
#map1 = affine_map<(d0, d1) -> (0)>
module attributes {stable_mosaic.version = 14 : i64} {
  func.func @_sc_repack(%arg0: i32, %arg1: i32, %arg2: memref<64x1000000xf32, #tpu.memory_space<hbm>>, %arg3: memref<4096xf32, #tpu.memory_space<hbm>>, %arg4: memref<64000000xf32, #tpu.memory_space<hbm>>, %arg5: memref<64x128xf32, #tpu.memory_space<vmem>>, %arg6: memref<64x128xf32, #tpu.memory_space<vmem>>, %arg7: memref<8192xf32, #tpu.memory_space<vmem>>, %arg8: memref<8192xf32, #tpu.memory_space<vmem>>, %arg9: memref<4096xf32, #tpu.memory_space<vmem>>, %arg10: memref<!tpu.dma_semaphore, #tpu.memory_space<semaphore_mem>>, %arg11: memref<!tpu.dma_semaphore, #tpu.memory_space<semaphore_mem>>, %arg12: memref<!tpu.dma_semaphore, #tpu.memory_space<semaphore_mem>>, %arg13: memref<!tpu.dma_semaphore, #tpu.memory_space<semaphore_mem>>) attributes {dimension_semantics = [#tpu.dimension_semantics<core_parallel>, #tpu.dimension_semantics<subcore_parallel>], iteration_bounds = array<i64: 2, 16>, scalar_prefetch = 0 : i64, scratch_operands = 9 : i64, tpu.core_type = #tpu.core_type<sc_vector_subcore>, window_params = [{transform_indices = #map}, {transform_indices = #map1}, {transform_indices = #map1}]} {
    %mul3A = arith.constant 2 : i32
    %mul3A_0 = arith.muli %arg1, %mul3A : i32
    %add3A = arith.addi %mul3A_0, %arg0 : i32
    %iota3A = tpu.iota {dimensions = array<i32: 0>} : vector<16xi32>
    %mul3A_1 = arith.constant 64 : i32
    %mul3A_2 = vector.broadcast %mul3A_1 : i32 to vector<16xi32>
    %mul3A_3 = arith.muli %iota3A, %mul3A_2 : vector<16xi32>
    %mul3A_4 = arith.constant 128 : i32
    %mul3A_5 = arith.muli %add3A, %mul3A_4 : i32
    %dma_start3A = arith.constant 0 : i32
    %dma_start3A_6 = tpu.memref_slice %arg2[%dma_start3A, %mul3A_5] : memref<64x1000000xf32, #tpu.memory_space<hbm>> -> memref<64x128xf32, #tpu.memory_space<hbm>>
    %dma_start3A_7 = arith.constant 0 : i32
    %dma_start3A_8 = tpu.memref_slice %arg2[%dma_start3A_7, %mul3A_5] : memref<64x1000000xf32, #tpu.memory_space<hbm>> -> memref<64x128xf32, #tpu.memory_space<hbm>>
    tpu.enqueue_dma source(%dma_start3A_8 : memref<64x128xf32, #tpu.memory_space<hbm>>) target(%arg5 : memref<64x128xf32, #tpu.memory_space<vmem>>) target_semaphore(%arg10 : memref<!tpu.dma_semaphore, #tpu.memory_space<semaphore_mem>>)
    %add3A_9 = arith.constant 32 : i32
    %add3A_10 = arith.addi %add3A, %add3A_9 : i32
    %mul3A_11 = arith.constant 128 : i32
    %mul3A_12 = arith.muli %add3A_10, %mul3A_11 : i32
    %dma_start3A_13 = arith.constant 0 : i32
    %dma_start3A_14 = tpu.memref_slice %arg2[%dma_start3A_13, %mul3A_12] : memref<64x1000000xf32, #tpu.memory_space<hbm>> -> memref<64x128xf32, #tpu.memory_space<hbm>>
    %dma_start3A_15 = arith.constant 0 : i32
    %dma_start3A_16 = tpu.memref_slice %arg2[%dma_start3A_15, %mul3A_12] : memref<64x1000000xf32, #tpu.memory_space<hbm>> -> memref<64x128xf32, #tpu.memory_space<hbm>>
    tpu.enqueue_dma source(%dma_start3A_16 : memref<64x128xf32, #tpu.memory_space<hbm>>) target(%arg6 : memref<64x128xf32, #tpu.memory_space<vmem>>) target_semaphore(%arg11 : memref<!tpu.dma_semaphore, #tpu.memory_space<semaphore_mem>>)
    %scan3A = arith.constant 0 : i32
    %scan3A_17 = arith.constant 0 : i32
    %scan3A_18 = arith.constant 123 : i32
    %scan3A_19 = arith.addi %scan3A_17, %scan3A_18 : i32
    %scan3A_20 = arith.constant 1 : i32
    %scan3A_21 = scf.for %scan3A_32 = %scan3A_17 to %scan3A_19 step %scan3A_20 iter_args(%scan3A_33 = %scan3A) -> (i32)  : i32 {
      %mul3A_34 = arith.constant 64 : i32
      %mul3A_35 = arith.muli %mul3A_34, %scan3A_32 : i32
      %add3A_36 = arith.addi %mul3A_35, %add3A : i32
      %add3A_37 = arith.constant 32 : i32
      %add3A_38 = arith.addi %add3A_36, %add3A_37 : i32
      %lt3A = arith.constant 7812 : i32
      %lt3A_39 = arith.cmpi slt, %add3A_36, %lt3A : i32
      %convert_element_type3A_40 = arith.extui %lt3A_39 : i1 to i32
      %cond3A_41 = arith.constant 0 : i32
      %cond3A_42 = arith.cmpi ne, %convert_element_type3A_40, %cond3A_41 : i32
      scf.if %cond3A_42 {
        %dma_wait3A_63 = arith.constant 0 : i32
        %dma_wait3A_64 = arith.constant 0 : i32
        %dma_wait3A_65 = tpu.memref_slice %arg2[%dma_wait3A_63, %dma_wait3A_64] : memref<64x1000000xf32, #tpu.memory_space<hbm>> -> memref<64x128xf32, #tpu.memory_space<hbm>>
        %dma_wait3A_66 = arith.constant 0 : i32
        %dma_wait3A_67 = arith.constant 0 : i32
        %dma_wait3A_68 = tpu.memref_slice %arg2[%dma_wait3A_66, %dma_wait3A_67] : memref<64x1000000xf32, #tpu.memory_space<hbm>> -> memref<64x128xf32, #tpu.memory_space<hbm>>
        tpu.wait_dma2 semaphore(%arg10 : memref<!tpu.dma_semaphore, #tpu.memory_space<semaphore_mem>>) src(%dma_wait3A_68 : memref<64x128xf32, #tpu.memory_space<hbm>>) dst(%arg5 : memref<64x128xf32, #tpu.memory_space<vmem>>)
        %ge3A = arith.constant 1 : i32
        %ge3A_69 = arith.cmpi sge, %scan3A_32, %ge3A : i32
        %convert_element_type3A_70 = arith.extui %ge3A_69 : i1 to i32
        %cond3A_71 = arith.constant 0 : i32
        %cond3A_72 = arith.cmpi ne, %convert_element_type3A_70, %cond3A_71 : i32
        scf.if %cond3A_72 {
          %dma_wait3A_86 = arith.constant 0 : i32
          %dma_wait3A_87 = tpu.memref_slice %arg4[%dma_wait3A_86] : memref<64000000xf32, #tpu.memory_space<hbm>> -> memref<8192xf32, #tpu.memory_space<hbm>>
          %dma_wait3A_88 = arith.constant 0 : i32
          %dma_wait3A_89 = tpu.memref_slice %arg4[%dma_wait3A_88] : memref<64000000xf32, #tpu.memory_space<hbm>> -> memref<8192xf32, #tpu.memory_space<hbm>>
          tpu.wait_dma2 semaphore(%arg12 : memref<!tpu.dma_semaphore, #tpu.memory_space<semaphore_mem>>) src(%arg7 : memref<8192xf32, #tpu.memory_space<vmem>>) dst(%dma_wait3A_89 : memref<8192xf32, #tpu.memory_space<hbm>>)
        } else {
        }
        %scan3A_73 = arith.constant 0 : i32
        %scan3A_74 = arith.constant 0 : i32
        %scan3A_75 = arith.constant 64 : i32
        %scan3A_76 = arith.addi %scan3A_74, %scan3A_75 : i32
        %scan3A_77 = arith.constant 1 : i32
        %scan3A_78 = scf.for %scan3A_86 = %scan3A_74 to %scan3A_76 step %scan3A_77 iter_args(%scan3A_87 = %scan3A_73) -> (i32)  : i32 {
          %get3A = arith.index_cast %scan3A_86 : i32 to index
          %get3A_88 = arith.constant 0 : index
          %get3A_89 = tpu.vector_load %arg5[%get3A, %get3A_88] {strides = array<i32>} : memref<64x128xf32, #tpu.memory_space<vmem>>, vector<16xf32>,
          %add3A_90 = arith.constant 0 : i32
          %add3A_91 = arith.addi %add3A_90, %scan3A_86 : i32
          %add3A_92 = vector.broadcast %add3A_91 : i32 to vector<16xi32>
          %add3A_93 = arith.addi %mul3A_3, %add3A_92 : vector<16xi32>
          tpu.vector_store_idx %arg7[%add3A_93], %get3A_89 : memref<8192xf32, #tpu.memory_space<vmem>>[vector<16xi32>], vector<16xf32>,
          %get3A_94 = arith.index_cast %scan3A_86 : i32 to index
          %get3A_95 = arith.constant 16 : index
          %get3A_96 = tpu.vector_load %arg5[%get3A_94, %get3A_95] {strides = array<i32>} : memref<64x128xf32, #tpu.memory_space<vmem>>, vector<16xf32>,
          %add3A_97 = arith.constant 1024 : i32
          %add3A_98 = arith.addi %add3A_97, %scan3A_86 : i32
          %add3A_99 = vector.broadcast %add3A_98 : i32 to vector<16xi32>
          %add3A_100 = arith.addi %mul3A_3, %add3A_99 : vector<16xi32>
          tpu.vector_store_idx %arg7[%add3A_100], %get3A_96 : memref<8192xf32, #tpu.memory_space<vmem>>[vector<16xi32>], vector<16xf32>,
          %get3A_101 = arith.index_cast %scan3A_86 : i32 to index
          %get3A_102 = arith.constant 32 : index
          %get3A_103 = tpu.vector_load %arg5[%get3A_101, %get3A_102] {strides = array<i32>} : memref<64x128xf32, #tpu.memory_space<vmem>>, vector<16xf32>,
          %add3A_104 = arith.constant 2048 : i32
          %add3A_105 = arith.addi %add3A_104, %scan3A_86 : i32
          %add3A_106 = vector.broadcast %add3A_105 : i32 to vector<16xi32>
          %add3A_107 = arith.addi %mul3A_3, %add3A_106 : vector<16xi32>
          tpu.vector_store_idx %arg7[%add3A_107], %get3A_103 : memref<8192xf32, #tpu.memory_space<vmem>>[vector<16xi32>], vector<16xf32>,
          %get3A_108 = arith.index_cast %scan3A_86 : i32 to index
          %get3A_109 = arith.constant 48 : index
          %get3A_110 = tpu.vector_load %arg5[%get3A_108, %get3A_109] {strides = array<i32>} : memref<64x128xf32, #tpu.memory_space<vmem>>, vector<16xf32>,
          %add3A_111 = arith.constant 3072 : i32
          %add3A_112 = arith.addi %add3A_111, %scan3A_86 : i32
          %add3A_113 = vector.broadcast %add3A_112 : i32 to vector<16xi32>
          %add3A_114 = arith.addi %mul3A_3, %add3A_113 : vector<16xi32>
          tpu.vector_store_idx %arg7[%add3A_114], %get3A_110 : memref<8192xf32, #tpu.memory_space<vmem>>[vector<16xi32>], vector<16xf32>,
          %get3A_115 = arith.index_cast %scan3A_86 : i32 to index
          %get3A_116 = arith.constant 64 : index
          %get3A_117 = tpu.vector_load %arg5[%get3A_115, %get3A_116] {strides = array<i32>} : memref<64x128xf32, #tpu.memory_space<vmem>>, vector<16xf32>,
          %add3A_118 = arith.constant 4096 : i32
          %add3A_119 = arith.addi %add3A_118, %scan3A_86 : i32
          %add3A_120 = vector.broadcast %add3A_119 : i32 to vector<16xi32>
          %add3A_121 = arith.addi %mul3A_3, %add3A_120 : vector<16xi32>
          tpu.vector_store_idx %arg7[%add3A_121], %get3A_117 : memref<8192xf32, #tpu.memory_space<vmem>>[vector<16xi32>], vector<16xf32>,
          %get3A_122 = arith.index_cast %scan3A_86 : i32 to index
          %get3A_123 = arith.constant 80 : index
          %get3A_124 = tpu.vector_load %arg5[%get3A_122, %get3A_123] {strides = array<i32>} : memref<64x128xf32, #tpu.memory_space<vmem>>, vector<16xf32>,
          %add3A_125 = arith.constant 5120 : i32
          %add3A_126 = arith.addi %add3A_125, %scan3A_86 : i32
          %add3A_127 = vector.broadcast %add3A_126 : i32 to vector<16xi32>
          %add3A_128 = arith.addi %mul3A_3, %add3A_127 : vector<16xi32>
          tpu.vector_store_idx %arg7[%add3A_128], %get3A_124 : memref<8192xf32, #tpu.memory_space<vmem>>[vector<16xi32>], vector<16xf32>,
          %get3A_129 = arith.index_cast %scan3A_86 : i32 to index
          %get3A_130 = arith.constant 96 : index
          %get3A_131 = tpu.vector_load %arg5[%get3A_129, %get3A_130] {strides = array<i32>} : memref<64x128xf32, #tpu.memory_space<vmem>>, vector<16xf32>,
          %add3A_132 = arith.constant 6144 : i32
          %add3A_133 = arith.addi %add3A_132, %scan3A_86 : i32
          %add3A_134 = vector.broadcast %add3A_133 : i32 to vector<16xi32>
          %add3A_135 = arith.addi %mul3A_3, %add3A_134 : vector<16xi32>
          tpu.vector_store_idx %arg7[%add3A_135], %get3A_131 : memref<8192xf32, #tpu.memory_space<vmem>>[vector<16xi32>], vector<16xf32>,
          %get3A_136 = arith.index_cast %scan3A_86 : i32 to index
          %get3A_137 = arith.constant 112 : index
          %get3A_138 = tpu.vector_load %arg5[%get3A_136, %get3A_137] {strides = array<i32>} : memref<64x128xf32, #tpu.memory_space<vmem>>, vector<16xf32>,
          %add3A_139 = arith.constant 7168 : i32
          %add3A_140 = arith.addi %add3A_139, %scan3A_86 : i32
          %add3A_141 = vector.broadcast %add3A_140 : i32 to vector<16xi32>
          %add3A_142 = arith.addi %mul3A_3, %add3A_141 : vector<16xi32>
          tpu.vector_store_idx %arg7[%add3A_142], %get3A_138 : memref<8192xf32, #tpu.memory_space<vmem>>[vector<16xi32>], vector<16xf32>,
          %scan3A_143 = arith.constant 0 : i32
          scf.yield %scan3A_143 : i32
        }
        %scan3A_79 = arith.constant 64 : i32
        %mul3A_80 = arith.constant 128 : i32
        %mul3A_81 = arith.muli %add3A_36, %mul3A_80 : i32
        %mul3A_82 = arith.constant 64 : i32
        %mul3A_83 = arith.muli %mul3A_81, %mul3A_82 : i32
        %dma_start3A_84 = tpu.memref_slice %arg4[%mul3A_83] : memref<64000000xf32, #tpu.memory_space<hbm>> -> memref<8192xf32, #tpu.memory_space<hbm>>
        %dma_start3A_85 = tpu.memref_slice %arg4[%mul3A_83] : memref<64000000xf32, #tpu.memory_space<hbm>> -> memref<8192xf32, #tpu.memory_space<hbm>>
        tpu.enqueue_dma source(%arg7 : memref<8192xf32, #tpu.memory_space<vmem>>) target(%dma_start3A_85 : memref<8192xf32, #tpu.memory_space<hbm>>) target_semaphore(%arg12 : memref<!tpu.dma_semaphore, #tpu.memory_space<semaphore_mem>>)
      } else {
      }
      %add3A_43 = arith.constant 64 : i32
      %add3A_44 = arith.addi %add3A_36, %add3A_43 : i32
      %lt3A_45 = arith.constant 7812 : i32
      %lt3A_46 = arith.cmpi slt, %add3A_44, %lt3A_45 : i32
      %convert_element_type3A_47 = arith.extui %lt3A_46 : i1 to i32
      %cond3A_48 = arith.constant 0 : i32
      %cond3A_49 = arith.cmpi ne, %convert_element_type3A_47, %cond3A_48 : i32
      scf.if %cond3A_49 {
        %add3A_63 = arith.constant 64 : i32
        %add3A_64 = arith.addi %add3A_36, %add3A_63 : i32
        %mul3A_65 = arith.constant 128 : i32
        %mul3A_66 = arith.muli %add3A_64, %mul3A_65 : i32
        %dma_start3A_67 = arith.constant 0 : i32
        %dma_start3A_68 = tpu.memref_slice %arg2[%dma_start3A_67, %mul3A_66] : memref<64x1000000xf32, #tpu.memory_space<hbm>> -> memref<64x128xf32, #tpu.memory_space<hbm>>
        %dma_start3A_69 = arith.constant 0 : i32
        %dma_start3A_70 = tpu.memref_slice %arg2[%dma_start3A_69, %mul3A_66] : memref<64x1000000xf32, #tpu.memory_space<hbm>> -> memref<64x128xf32, #tpu.memory_space<hbm>>
        tpu.enqueue_dma source(%dma_start3A_70 : memref<64x128xf32, #tpu.memory_space<hbm>>) target(%arg5 : memref<64x128xf32, #tpu.memory_space<vmem>>) target_semaphore(%arg10 : memref<!tpu.dma_semaphore, #tpu.memory_space<semaphore_mem>>)
      } else {
      }
      %lt3A_50 = arith.constant 7812 : i32
      %lt3A_51 = arith.cmpi slt, %add3A_38, %lt3A_50 : i32
      %convert_element_type3A_52 = arith.extui %lt3A_51 : i1 to i32
      %cond3A_53 = arith.constant 0 : i32
      %cond3A_54 = arith.cmpi ne, %convert_element_type3A_52, %cond3A_53 : i32
      scf.if %cond3A_54 {
        %dma_wait3A_63 = arith.constant 0 : i32
        %dma_wait3A_64 = arith.constant 0 : i32
        %dma_wait3A_65 = tpu.memref_slice %arg2[%dma_wait3A_63, %dma_wait3A_64] : memref<64x1000000xf32, #tpu.memory_space<hbm>> -> memref<64x128xf32, #tpu.memory_space<hbm>>
        %dma_wait3A_66 = arith.constant 0 : i32
        %dma_wait3A_67 = arith.constant 0 : i32
        %dma_wait3A_68 = tpu.memref_slice %arg2[%dma_wait3A_66, %dma_wait3A_67] : memref<64x1000000xf32, #tpu.memory_space<hbm>> -> memref<64x128xf32, #tpu.memory_space<hbm>>
        tpu.wait_dma2 semaphore(%arg11 : memref<!tpu.dma_semaphore, #tpu.memory_space<semaphore_mem>>) src(%dma_wait3A_68 : memref<64x128xf32, #tpu.memory_space<hbm>>) dst(%arg6 : memref<64x128xf32, #tpu.memory_space<vmem>>)
        %ge3A = arith.constant 1 : i32
        %ge3A_69 = arith.cmpi sge, %scan3A_32, %ge3A : i32
        %convert_element_type3A_70 = arith.extui %ge3A_69 : i1 to i32
        %cond3A_71 = arith.constant 0 : i32
        %cond3A_72 = arith.cmpi ne, %convert_element_type3A_70, %cond3A_71 : i32
        scf.if %cond3A_72 {
          %dma_wait3A_86 = arith.constant 0 : i32
          %dma_wait3A_87 = tpu.memref_slice %arg4[%dma_wait3A_86] : memref<64000000xf32, #tpu.memory_space<hbm>> -> memref<8192xf32, #tpu.memory_space<hbm>>
          %dma_wait3A_88 = arith.constant 0 : i32
          %dma_wait3A_89 = tpu.memref_slice %arg4[%dma_wait3A_88] : memref<64000000xf32, #tpu.memory_space<hbm>> -> memref<8192xf32, #tpu.memory_space<hbm>>
          tpu.wait_dma2 semaphore(%arg13 : memref<!tpu.dma_semaphore, #tpu.memory_space<semaphore_mem>>) src(%arg8 : memref<8192xf32, #tpu.memory_space<vmem>>) dst(%dma_wait3A_89 : memref<8192xf32, #tpu.memory_space<hbm>>)
        } else {
        }
        %scan3A_73 = arith.constant 0 : i32
        %scan3A_74 = arith.constant 0 : i32
        %scan3A_75 = arith.constant 64 : i32
        %scan3A_76 = arith.addi %scan3A_74, %scan3A_75 : i32
        %scan3A_77 = arith.constant 1 : i32
        %scan3A_78 = scf.for %scan3A_86 = %scan3A_74 to %scan3A_76 step %scan3A_77 iter_args(%scan3A_87 = %scan3A_73) -> (i32)  : i32 {
          %get3A = arith.index_cast %scan3A_86 : i32 to index
          %get3A_88 = arith.constant 0 : index
          %get3A_89 = tpu.vector_load %arg6[%get3A, %get3A_88] {strides = array<i32>} : memref<64x128xf32, #tpu.memory_space<vmem>>, vector<16xf32>,
          %add3A_90 = arith.constant 0 : i32
          %add3A_91 = arith.addi %add3A_90, %scan3A_86 : i32
          %add3A_92 = vector.broadcast %add3A_91 : i32 to vector<16xi32>
          %add3A_93 = arith.addi %mul3A_3, %add3A_92 : vector<16xi32>
          tpu.vector_store_idx %arg8[%add3A_93], %get3A_89 : memref<8192xf32, #tpu.memory_space<vmem>>[vector<16xi32>], vector<16xf32>,
          %get3A_94 = arith.index_cast %scan3A_86 : i32 to index
          %get3A_95 = arith.constant 16 : index
          %get3A_96 = tpu.vector_load %arg6[%get3A_94, %get3A_95] {strides = array<i32>} : memref<64x128xf32, #tpu.memory_space<vmem>>, vector<16xf32>,
          %add3A_97 = arith.constant 1024 : i32
          %add3A_98 = arith.addi %add3A_97, %scan3A_86 : i32
          %add3A_99 = vector.broadcast %add3A_98 : i32 to vector<16xi32>
          %add3A_100 = arith.addi %mul3A_3, %add3A_99 : vector<16xi32>
          tpu.vector_store_idx %arg8[%add3A_100], %get3A_96 : memref<8192xf32, #tpu.memory_space<vmem>>[vector<16xi32>], vector<16xf32>,
          %get3A_101 = arith.index_cast %scan3A_86 : i32 to index
          %get3A_102 = arith.constant 32 : index
          %get3A_103 = tpu.vector_load %arg6[%get3A_101, %get3A_102] {strides = array<i32>} : memref<64x128xf32, #tpu.memory_space<vmem>>, vector<16xf32>,
          %add3A_104 = arith.constant 2048 : i32
          %add3A_105 = arith.addi %add3A_104, %scan3A_86 : i32
          %add3A_106 = vector.broadcast %add3A_105 : i32 to vector<16xi32>
          %add3A_107 = arith.addi %mul3A_3, %add3A_106 : vector<16xi32>
          tpu.vector_store_idx %arg8[%add3A_107], %get3A_103 : memref<8192xf32, #tpu.memory_space<vmem>>[vector<16xi32>], vector<16xf32>,
          %get3A_108 = arith.index_cast %scan3A_86 : i32 to index
          %get3A_109 = arith.constant 48 : index
          %get3A_110 = tpu.vector_load %arg6[%get3A_108, %get3A_109] {strides = array<i32>} : memref<64x128xf32, #tpu.memory_space<vmem>>, vector<16xf32>,
          %add3A_111 = arith.constant 3072 : i32
          %add3A_112 = arith.addi %add3A_111, %scan3A_86 : i32
          %add3A_113 = vector.broadcast %add3A_112 : i32 to vector<16xi32>
          %add3A_114 = arith.addi %mul3A_3, %add3A_113 : vector<16xi32>
          tpu.vector_store_idx %arg8[%add3A_114], %get3A_110 : memref<8192xf32, #tpu.memory_space<vmem>>[vector<16xi32>], vector<16xf32>,
          %get3A_115 = arith.index_cast %scan3A_86 : i32 to index
          %get3A_116 = arith.constant 64 : index
          %get3A_117 = tpu.vector_load %arg6[%get3A_115, %get3A_116] {strides = array<i32>} : memref<64x128xf32, #tpu.memory_space<vmem>>, vector<16xf32>,
          %add3A_118 = arith.constant 4096 : i32
          %add3A_119 = arith.addi %add3A_118, %scan3A_86 : i32
          %add3A_120 = vector.broadcast %add3A_119 : i32 to vector<16xi32>
          %add3A_121 = arith.addi %mul3A_3, %add3A_120 : vector<16xi32>
          tpu.vector_store_idx %arg8[%add3A_121], %get3A_117 : memref<8192xf32, #tpu.memory_space<vmem>>[vector<16xi32>], vector<16xf32>,
          %get3A_122 = arith.index_cast %scan3A_86 : i32 to index
          %get3A_123 = arith.constant 80 : index
          %get3A_124 = tpu.vector_load %arg6[%get3A_122, %get3A_123] {strides = array<i32>} : memref<64x128xf32, #tpu.memory_space<vmem>>, vector<16xf32>,
          %add3A_125 = arith.constant 5120 : i32
          %add3A_126 = arith.addi %add3A_125, %scan3A_86 : i32
          %add3A_127 = vector.broadcast %add3A_126 : i32 to vector<16xi32>
          %add3A_128 = arith.addi %mul3A_3, %add3A_127 : vector<16xi32>
          tpu.vector_store_idx %arg8[%add3A_128], %get3A_124 : memref<8192xf32, #tpu.memory_space<vmem>>[vector<16xi32>], vector<16xf32>,
          %get3A_129 = arith.index_cast %scan3A_86 : i32 to index
          %get3A_130 = arith.constant 96 : index
          %get3A_131 = tpu.vector_load %arg6[%get3A_129, %get3A_130] {strides = array<i32>} : memref<64x128xf32, #tpu.memory_space<vmem>>, vector<16xf32>,
          %add3A_132 = arith.constant 6144 : i32
          %add3A_133 = arith.addi %add3A_132, %scan3A_86 : i32
          %add3A_134 = vector.broadcast %add3A_133 : i32 to vector<16xi32>
          %add3A_135 = arith.addi %mul3A_3, %add3A_134 : vector<16xi32>
          tpu.vector_store_idx %arg8[%add3A_135], %get3A_131 : memref<8192xf32, #tpu.memory_space<vmem>>[vector<16xi32>], vector<16xf32>,
          %get3A_136 = arith.index_cast %scan3A_86 : i32 to index
          %get3A_137 = arith.constant 112 : index
          %get3A_138 = tpu.vector_load %arg6[%get3A_136, %get3A_137] {strides = array<i32>} : memref<64x128xf32, #tpu.memory_space<vmem>>, vector<16xf32>,
          %add3A_139 = arith.constant 7168 : i32
          %add3A_140 = arith.addi %add3A_139, %scan3A_86 : i32
          %add3A_141 = vector.broadcast %add3A_140 : i32 to vector<16xi32>
          %add3A_142 = arith.addi %mul3A_3, %add3A_141 : vector<16xi32>
          tpu.vector_store_idx %arg8[%add3A_142], %get3A_138 : memref<8192xf32, #tpu.memory_space<vmem>>[vector<16xi32>], vector<16xf32>,
          %scan3A_143 = arith.constant 0 : i32
          scf.yield %scan3A_143 : i32
        }
        %scan3A_79 = arith.constant 64 : i32
        %mul3A_80 = arith.constant 128 : i32
        %mul3A_81 = arith.muli %add3A_38, %mul3A_80 : i32
        %mul3A_82 = arith.constant 64 : i32
        %mul3A_83 = arith.muli %mul3A_81, %mul3A_82 : i32
        %dma_start3A_84 = tpu.memref_slice %arg4[%mul3A_83] : memref<64000000xf32, #tpu.memory_space<hbm>> -> memref<8192xf32, #tpu.memory_space<hbm>>
        %dma_start3A_85 = tpu.memref_slice %arg4[%mul3A_83] : memref<64000000xf32, #tpu.memory_space<hbm>> -> memref<8192xf32, #tpu.memory_space<hbm>>
        tpu.enqueue_dma source(%arg8 : memref<8192xf32, #tpu.memory_space<vmem>>) target(%dma_start3A_85 : memref<8192xf32, #tpu.memory_space<hbm>>) target_semaphore(%arg13 : memref<!tpu.dma_semaphore, #tpu.memory_space<semaphore_mem>>)
      } else {
      }
      %add3A_55 = arith.constant 64 : i32
      %add3A_56 = arith.addi %add3A_38, %add3A_55 : i32
      %lt3A_57 = arith.constant 7812 : i32
      %lt3A_58 = arith.cmpi slt, %add3A_56, %lt3A_57 : i32
      %convert_element_type3A_59 = arith.extui %lt3A_58 : i1 to i32
      %cond3A_60 = arith.constant 0 : i32
      %cond3A_61 = arith.cmpi ne, %convert_element_type3A_59, %cond3A_60 : i32
      scf.if %cond3A_61 {
        %add3A_63 = arith.constant 64 : i32
        %add3A_64 = arith.addi %add3A_38, %add3A_63 : i32
        %mul3A_65 = arith.constant 128 : i32
        %mul3A_66 = arith.muli %add3A_64, %mul3A_65 : i32
        %dma_start3A_67 = arith.constant 0 : i32
        %dma_start3A_68 = tpu.memref_slice %arg2[%dma_start3A_67, %mul3A_66] : memref<64x1000000xf32, #tpu.memory_space<hbm>> -> memref<64x128xf32, #tpu.memory_space<hbm>>
        %dma_start3A_69 = arith.constant 0 : i32
        %dma_start3A_70 = tpu.memref_slice %arg2[%dma_start3A_69, %mul3A_66] : memref<64x1000000xf32, #tpu.memory_space<hbm>> -> memref<64x128xf32, #tpu.memory_space<hbm>>
        tpu.enqueue_dma source(%dma_start3A_70 : memref<64x128xf32, #tpu.memory_space<hbm>>) target(%arg6 : memref<64x128xf32, #tpu.memory_space<vmem>>) target_semaphore(%arg11 : memref<!tpu.dma_semaphore, #tpu.memory_space<semaphore_mem>>)
      } else {
      }
      %scan3A_62 = arith.constant 0 : i32
      scf.yield %scan3A_62 : i32
    }
    %scan3A_22 = arith.constant 123 : i32
    %dma_wait3A = arith.constant 0 : i32
    %dma_wait3A_23 = tpu.memref_slice %arg4[%dma_wait3A] : memref<64000000xf32, #tpu.memory_space<hbm>> -> memref<8192xf32, #tpu.memory_space<hbm>>
    %dma_wait3A_24 = arith.constant 0 : i32
    %dma_wait3A_25 = tpu.memref_slice %arg4[%dma_wait3A_24] : memref<64000000xf32, #tpu.memory_space<hbm>> -> memref<8192xf32, #tpu.memory_space<hbm>>
    tpu.wait_dma2 semaphore(%arg12 : memref<!tpu.dma_semaphore, #tpu.memory_space<semaphore_mem>>) src(%arg7 : memref<8192xf32, #tpu.memory_space<vmem>>) dst(%dma_wait3A_25 : memref<8192xf32, #tpu.memory_space<hbm>>)
    %dma_wait3A_26 = arith.constant 0 : i32
    %dma_wait3A_27 = tpu.memref_slice %arg4[%dma_wait3A_26] : memref<64000000xf32, #tpu.memory_space<hbm>> -> memref<8192xf32, #tpu.memory_space<hbm>>
    %dma_wait3A_28 = arith.constant 0 : i32
    %dma_wait3A_29 = tpu.memref_slice %arg4[%dma_wait3A_28] : memref<64000000xf32, #tpu.memory_space<hbm>> -> memref<8192xf32, #tpu.memory_space<hbm>>
    tpu.wait_dma2 semaphore(%arg13 : memref<!tpu.dma_semaphore, #tpu.memory_space<semaphore_mem>>) src(%arg8 : memref<8192xf32, #tpu.memory_space<vmem>>) dst(%dma_wait3A_29 : memref<8192xf32, #tpu.memory_space<hbm>>)
    %eq3A = arith.constant 0 : i32
    %eq3A_30 = arith.cmpi eq, %add3A, %eq3A : i32
    %convert_element_type3A = arith.extui %eq3A_30 : i1 to i32
    %cond3A = arith.constant 0 : i32
    %cond3A_31 = arith.cmpi ne, %convert_element_type3A, %cond3A : i32
    scf.if %cond3A_31 {
      "tpu.region"() ({
        %run_scoped3A = tpu.sem_alloc : memref<!tpu.dma_semaphore, #tpu.memory_space<semaphore_mem>>
        tpu.enqueue_dma source(%arg3 : memref<4096xf32, #tpu.memory_space<hbm>>) target(%arg9 : memref<4096xf32, #tpu.memory_space<vmem>>) target_semaphore(%run_scoped3A : memref<!tpu.dma_semaphore, #tpu.memory_space<semaphore_mem>>)
        tpu.wait_dma2 semaphore(%run_scoped3A : memref<!tpu.dma_semaphore, #tpu.memory_space<semaphore_mem>>) src(%arg3 : memref<4096xf32, #tpu.memory_space<hbm>>) dst(%arg9 : memref<4096xf32, #tpu.memory_space<vmem>>)
        tpu.yield
      }) : () -> ()
      "tpu.region"() ({
        %run_scoped3A = tpu.sem_alloc : memref<!tpu.dma_semaphore, #tpu.memory_space<semaphore_mem>>
        %dma_start3A_32 = arith.constant 63995904 : i32
        %dma_start3A_33 = tpu.memref_slice %arg4[%dma_start3A_32] : memref<64000000xf32, #tpu.memory_space<hbm>> -> memref<4096xf32, #tpu.memory_space<hbm>>
        %dma_start3A_34 = arith.constant 63995904 : i32
        %dma_start3A_35 = tpu.memref_slice %arg4[%dma_start3A_34] : memref<64000000xf32, #tpu.memory_space<hbm>> -> memref<4096xf32, #tpu.memory_space<hbm>>
        tpu.enqueue_dma source(%arg9 : memref<4096xf32, #tpu.memory_space<vmem>>) target(%dma_start3A_35 : memref<4096xf32, #tpu.memory_space<hbm>>) target_semaphore(%run_scoped3A : memref<!tpu.dma_semaphore, #tpu.memory_space<semaphore_mem>>)
        %dma_wait3A_36 = arith.constant 63995904 : i32
        %dma_wait3A_37 = tpu.memref_slice %arg4[%dma_wait3A_36] : memref<64000000xf32, #tpu.memory_space<hbm>> -> memref<4096xf32, #tpu.memory_space<hbm>>
        %dma_wait3A_38 = arith.constant 63995904 : i32
        %dma_wait3A_39 = tpu.memref_slice %arg4[%dma_wait3A_38] : memref<64000000xf32, #tpu.memory_space<hbm>> -> memref<4096xf32, #tpu.memory_space<hbm>>
        tpu.wait_dma2 semaphore(%run_scoped3A : memref<!tpu.dma_semaphore, #tpu.memory_space<semaphore_mem>>) src(%arg9 : memref<4096xf32, #tpu.memory_space<vmem>>) dst(%dma_wait3A_39 : memref<4096xf32, #tpu.memory_space<hbm>>)
        tpu.yield
      }) : () -> ()
    } else {
    }
    return
  }
}

#map = affine_map<(d0, d1) -> (0, 0, 0)>
#map1 = affine_map<(d0, d1) -> (0, 0)>
module attributes {stable_mosaic.version = 14 : i64} {
  func.func @_sc_pool(%arg0: i32, %arg1: i32, %arg2: memref<32x1024x100xi32, #tpu.memory_space<hbm>>, %arg3: memref<1000000x64xf32, #tpu.memory_space<hbm>>, %arg4: memref<16384x64xf32, #tpu.memory_space<hbm>>, %arg5: memref<2x256x100xi32, #tpu.memory_space<vmem>>, %arg6: memref<200x64xf32, #tpu.memory_space<vmem>>, %arg7: memref<200x64xf32, #tpu.memory_space<vmem>>, %arg8: memref<200x64xf32, #tpu.memory_space<vmem>>, %arg9: memref<200x64xf32, #tpu.memory_space<vmem>>, %arg10: memref<8x64xf32, #tpu.memory_space<vmem>>, %arg11: memref<!tpu.dma_semaphore, #tpu.memory_space<semaphore_mem>>, %arg12: memref<!tpu.dma_semaphore, #tpu.memory_space<semaphore_mem>>, %arg13: memref<!tpu.dma_semaphore, #tpu.memory_space<semaphore_mem>>, %arg14: memref<!tpu.dma_semaphore, #tpu.memory_space<semaphore_mem>>, %arg15: memref<!tpu.dma_semaphore, #tpu.memory_space<semaphore_mem>>, %arg16: memref<!tpu.dma_semaphore, #tpu.memory_space<semaphore_mem>>) attributes {dimension_semantics = [#tpu.dimension_semantics<core_parallel>, #tpu.dimension_semantics<subcore_parallel>], iteration_bounds = array<i64: 2, 16>, scalar_prefetch = 0 : i64, scratch_operands = 12 : i64, tpu.core_type = #tpu.core_type<sc_vector_subcore>, window_params = [{transform_indices = #map}, {transform_indices = #map1}, {transform_indices = #map1}]} {
    %mul3A = arith.constant 2 : i32
    %mul3A_0 = arith.muli %arg1, %mul3A : i32
    %add3A = arith.addi %mul3A_0, %arg0 : i32
    %run_scoped3A = arith.constant 0 : i32
    "tpu.region"() ({
      %run_scoped3A_113 = tpu.sem_alloc : memref<!tpu.dma_semaphore, #tpu.memory_space<semaphore_mem>>
      %dma_start3A_114 = arith.constant 0 : i32
      %dma_start3A_115 = arith.constant 0 : i32
      %dma_start3A_116 = tpu.memref_slice %arg5[%run_scoped3A, %dma_start3A_114, %dma_start3A_115] : memref<2x256x100xi32, #tpu.memory_space<vmem>> -> memref<1x256x100xi32, #tpu.memory_space<vmem>>
      %dma_start3A_117 = tpu.memref_squeeze %dma_start3A_116 : memref<1x256x100xi32, #tpu.memory_space<vmem>> -> memref<256x100xi32, #tpu.memory_space<vmem>>
      %dma_start3A_118 = arith.constant 0 : i32
      %dma_start3A_119 = arith.constant 0 : i32
      %dma_start3A_120 = tpu.memref_slice %arg2[%add3A, %dma_start3A_118, %dma_start3A_119] : memref<32x1024x100xi32, #tpu.memory_space<hbm>> -> memref<1x256x100xi32, #tpu.memory_space<hbm>>
      %dma_start3A_121 = tpu.memref_squeeze %dma_start3A_120 : memref<1x256x100xi32, #tpu.memory_space<hbm>> -> memref<256x100xi32, #tpu.memory_space<hbm>>
      %dma_start3A_122 = arith.constant 0 : i32
      %dma_start3A_123 = arith.constant 0 : i32
      %dma_start3A_124 = tpu.memref_slice %arg5[%run_scoped3A, %dma_start3A_122, %dma_start3A_123] : memref<2x256x100xi32, #tpu.memory_space<vmem>> -> memref<1x256x100xi32, #tpu.memory_space<vmem>>
      %dma_start3A_125 = tpu.memref_squeeze %dma_start3A_124 : memref<1x256x100xi32, #tpu.memory_space<vmem>> -> memref<256x100xi32, #tpu.memory_space<vmem>>
      %dma_start3A_126 = arith.constant 0 : i32
      %dma_start3A_127 = arith.constant 0 : i32
      %dma_start3A_128 = tpu.memref_slice %arg2[%add3A, %dma_start3A_126, %dma_start3A_127] : memref<32x1024x100xi32, #tpu.memory_space<hbm>> -> memref<1x256x100xi32, #tpu.memory_space<hbm>>
      %dma_start3A_129 = tpu.memref_squeeze %dma_start3A_128 : memref<1x256x100xi32, #tpu.memory_space<hbm>> -> memref<256x100xi32, #tpu.memory_space<hbm>>
      tpu.enqueue_dma source(%dma_start3A_129 : memref<256x100xi32, #tpu.memory_space<hbm>>) target(%dma_start3A_125 : memref<256x100xi32, #tpu.memory_space<vmem>>) target_semaphore(%run_scoped3A_113 : memref<!tpu.dma_semaphore, #tpu.memory_space<semaphore_mem>>)
      %dma_wait3A_130 = arith.constant 0 : i32
      %dma_wait3A_131 = arith.constant 0 : i32
      %dma_wait3A_132 = tpu.memref_slice %arg5[%run_scoped3A, %dma_wait3A_130, %dma_wait3A_131] : memref<2x256x100xi32, #tpu.memory_space<vmem>> -> memref<1x256x100xi32, #tpu.memory_space<vmem>>
      %dma_wait3A_133 = tpu.memref_squeeze %dma_wait3A_132 : memref<1x256x100xi32, #tpu.memory_space<vmem>> -> memref<256x100xi32, #tpu.memory_space<vmem>>
      %dma_wait3A_134 = arith.constant 0 : i32
      %dma_wait3A_135 = arith.constant 0 : i32
      %dma_wait3A_136 = tpu.memref_slice %arg2[%add3A, %dma_wait3A_134, %dma_wait3A_135] : memref<32x1024x100xi32, #tpu.memory_space<hbm>> -> memref<1x256x100xi32, #tpu.memory_space<hbm>>
      %dma_wait3A_137 = tpu.memref_squeeze %dma_wait3A_136 : memref<1x256x100xi32, #tpu.memory_space<hbm>> -> memref<256x100xi32, #tpu.memory_space<hbm>>
      %dma_wait3A_138 = arith.constant 0 : i32
      %dma_wait3A_139 = arith.constant 0 : i32
      %dma_wait3A_140 = tpu.memref_slice %arg5[%run_scoped3A, %dma_wait3A_138, %dma_wait3A_139] : memref<2x256x100xi32, #tpu.memory_space<vmem>> -> memref<1x256x100xi32, #tpu.memory_space<vmem>>
      %dma_wait3A_141 = tpu.memref_squeeze %dma_wait3A_140 : memref<1x256x100xi32, #tpu.memory_space<vmem>> -> memref<256x100xi32, #tpu.memory_space<vmem>>
      %dma_wait3A_142 = arith.constant 0 : i32
      %dma_wait3A_143 = arith.constant 0 : i32
      %dma_wait3A_144 = tpu.memref_slice %arg2[%add3A, %dma_wait3A_142, %dma_wait3A_143] : memref<32x1024x100xi32, #tpu.memory_space<hbm>> -> memref<1x256x100xi32, #tpu.memory_space<hbm>>
      %dma_wait3A_145 = tpu.memref_squeeze %dma_wait3A_144 : memref<1x256x100xi32, #tpu.memory_space<hbm>> -> memref<256x100xi32, #tpu.memory_space<hbm>>
      tpu.wait_dma2 semaphore(%run_scoped3A_113 : memref<!tpu.dma_semaphore, #tpu.memory_space<semaphore_mem>>) src(%dma_wait3A_145 : memref<256x100xi32, #tpu.memory_space<hbm>>) dst(%dma_wait3A_141 : memref<256x100xi32, #tpu.memory_space<vmem>>)
      tpu.yield
    }) : () -> ()
    %dma_start3A = arith.constant 1 : i32
    %dma_start3A_1 = arith.constant 0 : i32
    %dma_start3A_2 = arith.constant 0 : i32
    %dma_start3A_3 = tpu.memref_slice %arg5[%dma_start3A, %dma_start3A_1, %dma_start3A_2] : memref<2x256x100xi32, #tpu.memory_space<vmem>> -> memref<1x256x100xi32, #tpu.memory_space<vmem>>
    %dma_start3A_4 = tpu.memref_squeeze %dma_start3A_3 : memref<1x256x100xi32, #tpu.memory_space<vmem>> -> memref<256x100xi32, #tpu.memory_space<vmem>>
    %dma_start3A_5 = arith.constant 256 : i32
    %dma_start3A_6 = arith.constant 0 : i32
    %dma_start3A_7 = tpu.memref_slice %arg2[%add3A, %dma_start3A_5, %dma_start3A_6] : memref<32x1024x100xi32, #tpu.memory_space<hbm>> -> memref<1x256x100xi32, #tpu.memory_space<hbm>>
    %dma_start3A_8 = tpu.memref_squeeze %dma_start3A_7 : memref<1x256x100xi32, #tpu.memory_space<hbm>> -> memref<256x100xi32, #tpu.memory_space<hbm>>
    %dma_start3A_9 = arith.constant 0 : i32
    %dma_start3A_10 = arith.constant 0 : i32
    %dma_start3A_11 = tpu.memref_slice %arg5[%dma_start3A, %dma_start3A_9, %dma_start3A_10] : memref<2x256x100xi32, #tpu.memory_space<vmem>> -> memref<1x256x100xi32, #tpu.memory_space<vmem>>
    %dma_start3A_12 = tpu.memref_squeeze %dma_start3A_11 : memref<1x256x100xi32, #tpu.memory_space<vmem>> -> memref<256x100xi32, #tpu.memory_space<vmem>>
    %dma_start3A_13 = arith.constant 256 : i32
    %dma_start3A_14 = arith.constant 0 : i32
    %dma_start3A_15 = tpu.memref_slice %arg2[%add3A, %dma_start3A_13, %dma_start3A_14] : memref<32x1024x100xi32, #tpu.memory_space<hbm>> -> memref<1x256x100xi32, #tpu.memory_space<hbm>>
    %dma_start3A_16 = tpu.memref_squeeze %dma_start3A_15 : memref<1x256x100xi32, #tpu.memory_space<hbm>> -> memref<256x100xi32, #tpu.memory_space<hbm>>
    tpu.enqueue_dma source(%dma_start3A_16 : memref<256x100xi32, #tpu.memory_space<hbm>>) target(%dma_start3A_12 : memref<256x100xi32, #tpu.memory_space<vmem>>) target_semaphore(%arg15 : memref<!tpu.dma_semaphore, #tpu.memory_space<semaphore_mem>>)
    %dma_start3A_17 = arith.constant 0 : i32
    %dma_start3A_18 = arith.constant 0 : i32
    %dma_start3A_19 = arith.constant 0 : i32
    %dma_start3A_20 = arith.constant 0 : i32
    %dma_start3A_21 = tpu.memref_slice %arg6[%dma_start3A_19, %dma_start3A_20] : memref<200x64xf32, #tpu.memory_space<vmem>> -> memref<100x64xf32, #tpu.memory_space<vmem>>
    %dma_start3A_22 = arith.constant 0 : i32
    %dma_start3A_23 = tpu.memref_slice %arg5[%dma_start3A_17, %dma_start3A_18, %dma_start3A_22] : memref<2x256x100xi32, #tpu.memory_space<vmem>> -> memref<1x1x100xi32, #tpu.memory_space<vmem>>
    %dma_start3A_24 = tpu.memref_squeeze %dma_start3A_23 : memref<1x1x100xi32, #tpu.memory_space<vmem>> -> memref<100xi32, #tpu.memory_space<vmem>>
    %dma_start3A_25 = arith.constant 0 : i32
    %dma_start3A_26 = arith.constant 0 : i32
    %dma_start3A_27 = tpu.memref_slice %arg3[%dma_start3A_25, %dma_start3A_26] : memref<1000000x64xf32, #tpu.memory_space<hbm>> -> memref<1000000x64xf32, #tpu.memory_space<hbm>>
    tpu.enqueue_indirect_dma source(%dma_start3A_27 : memref<1000000x64xf32, #tpu.memory_space<hbm>>) target(%dma_start3A_21 : memref<100x64xf32, #tpu.memory_space<vmem>>) offsets(%dma_start3A_24 : memref<100xi32, #tpu.memory_space<vmem>>) semaphore(%arg11 : memref<!tpu.dma_semaphore, #tpu.memory_space<semaphore_mem>>)
    %dma_start3A_28 = arith.constant 0 : i32
    %dma_start3A_29 = arith.constant 1 : i32
    %dma_start3A_30 = arith.constant 100 : i32
    %dma_start3A_31 = arith.constant 0 : i32
    %dma_start3A_32 = tpu.memref_slice %arg6[%dma_start3A_30, %dma_start3A_31] : memref<200x64xf32, #tpu.memory_space<vmem>> -> memref<100x64xf32, #tpu.memory_space<vmem>>
    %dma_start3A_33 = arith.constant 0 : i32
    %dma_start3A_34 = tpu.memref_slice %arg5[%dma_start3A_28, %dma_start3A_29, %dma_start3A_33] : memref<2x256x100xi32, #tpu.memory_space<vmem>> -> memref<1x1x100xi32, #tpu.memory_space<vmem>>
    %dma_start3A_35 = tpu.memref_squeeze %dma_start3A_34 : memref<1x1x100xi32, #tpu.memory_space<vmem>> -> memref<100xi32, #tpu.memory_space<vmem>>
    %dma_start3A_36 = arith.constant 0 : i32
    %dma_start3A_37 = arith.constant 0 : i32
    %dma_start3A_38 = tpu.memref_slice %arg3[%dma_start3A_36, %dma_start3A_37] : memref<1000000x64xf32, #tpu.memory_space<hbm>> -> memref<1000000x64xf32, #tpu.memory_space<hbm>>
    tpu.enqueue_indirect_dma source(%dma_start3A_38 : memref<1000000x64xf32, #tpu.memory_space<hbm>>) target(%dma_start3A_32 : memref<100x64xf32, #tpu.memory_space<vmem>>) offsets(%dma_start3A_35 : memref<100xi32, #tpu.memory_space<vmem>>) semaphore(%arg11 : memref<!tpu.dma_semaphore, #tpu.memory_space<semaphore_mem>>)
    %dma_start3A_39 = arith.constant 0 : i32
    %dma_start3A_40 = arith.constant 2 : i32
    %dma_start3A_41 = arith.constant 0 : i32
    %dma_start3A_42 = arith.constant 0 : i32
    %dma_start3A_43 = tpu.memref_slice %arg7[%dma_start3A_41, %dma_start3A_42] : memref<200x64xf32, #tpu.memory_space<vmem>> -> memref<100x64xf32, #tpu.memory_space<vmem>>
    %dma_start3A_44 = arith.constant 0 : i32
    %dma_start3A_45 = tpu.memref_slice %arg5[%dma_start3A_39, %dma_start3A_40, %dma_start3A_44] : memref<2x256x100xi32, #tpu.memory_space<vmem>> -> memref<1x1x100xi32, #tpu.memory_space<vmem>>
    %dma_start3A_46 = tpu.memref_squeeze %dma_start3A_45 : memref<1x1x100xi32, #tpu.memory_space<vmem>> -> memref<100xi32, #tpu.memory_space<vmem>>
    %dma_start3A_47 = arith.constant 0 : i32
    %dma_start3A_48 = arith.constant 0 : i32
    %dma_start3A_49 = tpu.memref_slice %arg3[%dma_start3A_47, %dma_start3A_48] : memref<1000000x64xf32, #tpu.memory_space<hbm>> -> memref<1000000x64xf32, #tpu.memory_space<hbm>>
    tpu.enqueue_indirect_dma source(%dma_start3A_49 : memref<1000000x64xf32, #tpu.memory_space<hbm>>) target(%dma_start3A_43 : memref<100x64xf32, #tpu.memory_space<vmem>>) offsets(%dma_start3A_46 : memref<100xi32, #tpu.memory_space<vmem>>) semaphore(%arg12 : memref<!tpu.dma_semaphore, #tpu.memory_space<semaphore_mem>>)
    %dma_start3A_50 = arith.constant 0 : i32
    %dma_start3A_51 = arith.constant 3 : i32
    %dma_start3A_52 = arith.constant 100 : i32
    %dma_start3A_53 = arith.constant 0 : i32
    %dma_start3A_54 = tpu.memref_slice %arg7[%dma_start3A_52, %dma_start3A_53] : memref<200x64xf32, #tpu.memory_space<vmem>> -> memref<100x64xf32, #tpu.memory_space<vmem>>
    %dma_start3A_55 = arith.constant 0 : i32
    %dma_start3A_56 = tpu.memref_slice %arg5[%dma_start3A_50, %dma_start3A_51, %dma_start3A_55] : memref<2x256x100xi32, #tpu.memory_space<vmem>> -> memref<1x1x100xi32, #tpu.memory_space<vmem>>
    %dma_start3A_57 = tpu.memref_squeeze %dma_start3A_56 : memref<1x1x100xi32, #tpu.memory_space<vmem>> -> memref<100xi32, #tpu.memory_space<vmem>>
    %dma_start3A_58 = arith.constant 0 : i32
    %dma_start3A_59 = arith.constant 0 : i32
    %dma_start3A_60 = tpu.memref_slice %arg3[%dma_start3A_58, %dma_start3A_59] : memref<1000000x64xf32, #tpu.memory_space<hbm>> -> memref<1000000x64xf32, #tpu.memory_space<hbm>>
    tpu.enqueue_indirect_dma source(%dma_start3A_60 : memref<1000000x64xf32, #tpu.memory_space<hbm>>) target(%dma_start3A_54 : memref<100x64xf32, #tpu.memory_space<vmem>>) offsets(%dma_start3A_57 : memref<100xi32, #tpu.memory_space<vmem>>) semaphore(%arg12 : memref<!tpu.dma_semaphore, #tpu.memory_space<semaphore_mem>>)
    %dma_start3A_61 = arith.constant 0 : i32
    %dma_start3A_62 = arith.constant 4 : i32
    %dma_start3A_63 = arith.constant 0 : i32
    %dma_start3A_64 = arith.constant 0 : i32
    %dma_start3A_65 = tpu.memref_slice %arg8[%dma_start3A_63, %dma_start3A_64] : memref<200x64xf32, #tpu.memory_space<vmem>> -> memref<100x64xf32, #tpu.memory_space<vmem>>
    %dma_start3A_66 = arith.constant 0 : i32
    %dma_start3A_67 = tpu.memref_slice %arg5[%dma_start3A_61, %dma_start3A_62, %dma_start3A_66] : memref<2x256x100xi32, #tpu.memory_space<vmem>> -> memref<1x1x100xi32, #tpu.memory_space<vmem>>
    %dma_start3A_68 = tpu.memref_squeeze %dma_start3A_67 : memref<1x1x100xi32, #tpu.memory_space<vmem>> -> memref<100xi32, #tpu.memory_space<vmem>>
    %dma_start3A_69 = arith.constant 0 : i32
    %dma_start3A_70 = arith.constant 0 : i32
    %dma_start3A_71 = tpu.memref_slice %arg3[%dma_start3A_69, %dma_start3A_70] : memref<1000000x64xf32, #tpu.memory_space<hbm>> -> memref<1000000x64xf32, #tpu.memory_space<hbm>>
    tpu.enqueue_indirect_dma source(%dma_start3A_71 : memref<1000000x64xf32, #tpu.memory_space<hbm>>) target(%dma_start3A_65 : memref<100x64xf32, #tpu.memory_space<vmem>>) offsets(%dma_start3A_68 : memref<100xi32, #tpu.memory_space<vmem>>) semaphore(%arg13 : memref<!tpu.dma_semaphore, #tpu.memory_space<semaphore_mem>>)
    %dma_start3A_72 = arith.constant 0 : i32
    %dma_start3A_73 = arith.constant 5 : i32
    %dma_start3A_74 = arith.constant 100 : i32
    %dma_start3A_75 = arith.constant 0 : i32
    %dma_start3A_76 = tpu.memref_slice %arg8[%dma_start3A_74, %dma_start3A_75] : memref<200x64xf32, #tpu.memory_space<vmem>> -> memref<100x64xf32, #tpu.memory_space<vmem>>
    %dma_start3A_77 = arith.constant 0 : i32
    %dma_start3A_78 = tpu.memref_slice %arg5[%dma_start3A_72, %dma_start3A_73, %dma_start3A_77] : memref<2x256x100xi32, #tpu.memory_space<vmem>> -> memref<1x1x100xi32, #tpu.memory_space<vmem>>
    %dma_start3A_79 = tpu.memref_squeeze %dma_start3A_78 : memref<1x1x100xi32, #tpu.memory_space<vmem>> -> memref<100xi32, #tpu.memory_space<vmem>>
    %dma_start3A_80 = arith.constant 0 : i32
    %dma_start3A_81 = arith.constant 0 : i32
    %dma_start3A_82 = tpu.memref_slice %arg3[%dma_start3A_80, %dma_start3A_81] : memref<1000000x64xf32, #tpu.memory_space<hbm>> -> memref<1000000x64xf32, #tpu.memory_space<hbm>>
    tpu.enqueue_indirect_dma source(%dma_start3A_82 : memref<1000000x64xf32, #tpu.memory_space<hbm>>) target(%dma_start3A_76 : memref<100x64xf32, #tpu.memory_space<vmem>>) offsets(%dma_start3A_79 : memref<100xi32, #tpu.memory_space<vmem>>) semaphore(%arg13 : memref<!tpu.dma_semaphore, #tpu.memory_space<semaphore_mem>>)
    %scan3A = arith.constant 5.000000e-03 : f32
    %scan3A_83 = arith.constant 0 : i32
    %scan3A_84 = arith.constant 0 : i32
    %scan3A_85 = arith.constant 128 : i32
    %scan3A_86 = arith.addi %scan3A_84, %scan3A_85 : i32
    %scan3A_87 = arith.constant 1 : i32
    %scan3A_88 = scf.for %scan3A_113 = %scan3A_84 to %scan3A_86 step %scan3A_87 iter_args(%scan3A_114 = %scan3A_83) -> (i32)  : i32 {
      %mul3A_115 = arith.constant 4 : i32
      %mul3A_116 = arith.muli %mul3A_115, %scan3A_113 : i32
      %ge3A = arith.constant 2 : i32
      %ge3A_117 = arith.cmpi sge, %scan3A_113, %ge3A : i32
      %convert_element_type3A = arith.extui %ge3A_117 : i1 to i32
      %cond3A = arith.constant 0 : i32
      %cond3A_118 = arith.cmpi ne, %convert_element_type3A, %cond3A : i32
      scf.if %cond3A_118 {
        %mul3A_788 = arith.constant 512 : i32
        %mul3A_789 = arith.muli %add3A, %mul3A_788 : i32
        %dma_wait3A_790 = arith.constant 0 : i32
        %dma_wait3A_791 = arith.constant 0 : i32
        %dma_wait3A_792 = tpu.memref_slice %arg10[%dma_wait3A_790, %dma_wait3A_791] : memref<8x64xf32, #tpu.memory_space<vmem>> -> memref<4x64xf32, #tpu.memory_space<vmem>>
        %dma_wait3A_793 = arith.constant 0 : i32
        %dma_wait3A_794 = tpu.memref_slice %arg4[%mul3A_789, %dma_wait3A_793] : memref<16384x64xf32, #tpu.memory_space<hbm>> -> memref<4x64xf32, #tpu.memory_space<hbm>>
        %dma_wait3A_795 = arith.constant 0 : i32
        %dma_wait3A_796 = tpu.memref_slice %arg4[%mul3A_789, %dma_wait3A_795] : memref<16384x64xf32, #tpu.memory_space<hbm>> -> memref<4x64xf32, #tpu.memory_space<hbm>>
        %dma_wait3A_797 = arith.constant 0 : i32
        %dma_wait3A_798 = arith.constant 0 : i32
        %dma_wait3A_799 = tpu.memref_slice %arg10[%dma_wait3A_797, %dma_wait3A_798] : memref<8x64xf32, #tpu.memory_space<vmem>> -> memref<4x64xf32, #tpu.memory_space<vmem>>
        tpu.wait_dma2 semaphore(%arg16 : memref<!tpu.dma_semaphore, #tpu.memory_space<semaphore_mem>>) src(%dma_wait3A_799 : memref<4x64xf32, #tpu.memory_space<vmem>>) dst(%dma_wait3A_796 : memref<4x64xf32, #tpu.memory_space<hbm>>)
      } else {
      }
      %jit3A = arith.constant 32 : i32
      %eq3A = arith.constant 0 : i32
      %eq3A_119 = arith.cmpi eq, %jit3A, %eq3A : i32
      %jit3A_120 = arith.constant 1 : i32
      %select_n3A = arith.select %eq3A_119, %jit3A_120, %jit3A : i32
      %rem3A = arith.remsi %scan3A_113, %select_n3A : i32
      %ne3A = arith.constant 0 : i32
      %ne3A_121 = arith.cmpi ne, %rem3A, %ne3A : i32
      %lt3A = arith.constant 0 : i32
      %lt3A_122 = arith.cmpi slt, %rem3A, %lt3A : i32
      %lt3A_123 = arith.constant 0 : i32
      %lt3A_124 = arith.cmpi slt, %select_n3A, %lt3A_123 : i32
      %ne3A_125 = arith.xori %lt3A_122, %lt3A_124 : i1
      %and3A = arith.andi %ne3A_125, %ne3A_121 : i1
      %add3A_126 = arith.addi %rem3A, %select_n3A : i32
      %select_n3A_127 = arith.select %and3A, %add3A_126, %rem3A : i32
      %eq3A_128 = arith.constant 0 : i32
      %eq3A_129 = arith.cmpi eq, %select_n3A_127, %eq3A_128 : i32
      %gt3A = arith.constant 0 : i32
      %gt3A_130 = arith.cmpi sgt, %scan3A_113, %gt3A : i32
      %lt3A_131 = arith.constant 96 : i32
      %lt3A_132 = arith.cmpi slt, %scan3A_113, %lt3A_131 : i32
      %and3A_133 = arith.andi %gt3A_130, %lt3A_132 : i1
      %and3A_134 = arith.andi %eq3A_129, %and3A_133 : i1
      %convert_element_type3A_135 = arith.extui %and3A_134 : i1 to i32
      %cond3A_136 = arith.constant 0 : i32
      %cond3A_137 = arith.cmpi ne, %convert_element_type3A_135, %cond3A_136 : i32
      scf.if %cond3A_137 {
        %jit3A_788 = arith.constant 32 : i32
        %div3A_789 = arith.divsi %scan3A_113, %jit3A_788 : i32
        %sign3A_790 = arith.constant 0 : i32
        %sign3A_791 = arith.cmpi sgt, %scan3A_113, %sign3A_790 : i32
        %sign3A_792 = arith.extui %sign3A_791 : i1 to i32
        %sign3A_793 = arith.constant 0 : i32
        %sign3A_794 = arith.cmpi slt, %scan3A_113, %sign3A_793 : i32
        %sign3A_795 = arith.extui %sign3A_794 : i1 to i32
        %sign3A_796 = arith.subi %sign3A_792, %sign3A_795 : i32
        %sign3A_797 = arith.constant 0 : i32
        %sign3A_798 = arith.cmpi sgt, %jit3A_788, %sign3A_797 : i32
        %sign3A_799 = arith.extui %sign3A_798 : i1 to i32
        %sign3A_800 = arith.constant 0 : i32
        %sign3A_801 = arith.cmpi slt, %jit3A_788, %sign3A_800 : i32
        %sign3A_802 = arith.extui %sign3A_801 : i1 to i32
        %sign3A_803 = arith.subi %sign3A_799, %sign3A_802 : i32
        %ne3A_804 = arith.cmpi ne, %sign3A_796, %sign3A_803 : i32
        %rem3A_805 = arith.remsi %scan3A_113, %jit3A_788 : i32
        %ne3A_806 = arith.constant 0 : i32
        %ne3A_807 = arith.cmpi ne, %rem3A_805, %ne3A_806 : i32
        %and3A_808 = arith.andi %ne3A_804, %ne3A_807 : i1
        %sub3A_809 = arith.constant 1 : i32
        %sub3A_810 = arith.subi %div3A_789, %sub3A_809 : i32
        %select_n3A_811 = arith.select %and3A_808, %sub3A_810, %div3A_789 : i32
        %add3A_812 = arith.constant 1 : i32
        %add3A_813 = arith.addi %select_n3A_811, %add3A_812 : i32
        %mul3A_814 = arith.constant 256 : i32
        %mul3A_815 = arith.muli %mul3A_814, %add3A_813 : i32
        %jit3A_816 = arith.constant 2 : i32
        %eq3A_817 = arith.constant 0 : i32
        %eq3A_818 = arith.cmpi eq, %jit3A_816, %eq3A_817 : i32
        %jit3A_819 = arith.constant 1 : i32
        %select_n3A_820 = arith.select %eq3A_818, %jit3A_819, %jit3A_816 : i32
        %rem3A_821 = arith.remsi %add3A_813, %select_n3A_820 : i32
        %ne3A_822 = arith.constant 0 : i32
        %ne3A_823 = arith.cmpi ne, %rem3A_821, %ne3A_822 : i32
        %lt3A_824 = arith.constant 0 : i32
        %lt3A_825 = arith.cmpi slt, %rem3A_821, %lt3A_824 : i32
        %lt3A_826 = arith.constant 0 : i32
        %lt3A_827 = arith.cmpi slt, %select_n3A_820, %lt3A_826 : i32
        %ne3A_828 = arith.xori %lt3A_825, %lt3A_827 : i1
        %and3A_829 = arith.andi %ne3A_828, %ne3A_823 : i1
        %add3A_830 = arith.addi %rem3A_821, %select_n3A_820 : i32
        %select_n3A_831 = arith.select %and3A_829, %add3A_830, %rem3A_821 : i32
        %dma_start3A_832 = arith.constant 0 : i32
        %dma_start3A_833 = arith.constant 0 : i32
        %dma_start3A_834 = tpu.memref_slice %arg5[%select_n3A_831, %dma_start3A_832, %dma_start3A_833] : memref<2x256x100xi32, #tpu.memory_space<vmem>> -> memref<1x256x100xi32, #tpu.memory_space<vmem>>
        %dma_start3A_835 = tpu.memref_squeeze %dma_start3A_834 : memref<1x256x100xi32, #tpu.memory_space<vmem>> -> memref<256x100xi32, #tpu.memory_space<vmem>>
        %dma_start3A_836 = arith.constant 0 : i32
        %dma_start3A_837 = tpu.memref_slice %arg2[%add3A, %mul3A_815, %dma_start3A_836] : memref<32x1024x100xi32, #tpu.memory_space<hbm>> -> memref<1x256x100xi32, #tpu.memory_space<hbm>>
        %dma_start3A_838 = tpu.memref_squeeze %dma_start3A_837 : memref<1x256x100xi32, #tpu.memory_space<hbm>> -> memref<256x100xi32, #tpu.memory_space<hbm>>
        %dma_start3A_839 = arith.constant 0 : i32
        %dma_start3A_840 = arith.constant 0 : i32
        %dma_start3A_841 = tpu.memref_slice %arg5[%select_n3A_831, %dma_start3A_839, %dma_start3A_840] : memref<2x256x100xi32, #tpu.memory_space<vmem>> -> memref<1x256x100xi32, #tpu.memory_space<vmem>>
        %dma_start3A_842 = tpu.memref_squeeze %dma_start3A_841 : memref<1x256x100xi32, #tpu.memory_space<vmem>> -> memref<256x100xi32, #tpu.memory_space<vmem>>
        %dma_start3A_843 = arith.constant 0 : i32
        %dma_start3A_844 = tpu.memref_slice %arg2[%add3A, %mul3A_815, %dma_start3A_843] : memref<32x1024x100xi32, #tpu.memory_space<hbm>> -> memref<1x256x100xi32, #tpu.memory_space<hbm>>
        %dma_start3A_845 = tpu.memref_squeeze %dma_start3A_844 : memref<1x256x100xi32, #tpu.memory_space<hbm>> -> memref<256x100xi32, #tpu.memory_space<hbm>>
        tpu.enqueue_dma source(%dma_start3A_845 : memref<256x100xi32, #tpu.memory_space<hbm>>) target(%dma_start3A_842 : memref<256x100xi32, #tpu.memory_space<vmem>>) target_semaphore(%arg15 : memref<!tpu.dma_semaphore, #tpu.memory_space<semaphore_mem>>)
      } else {
      }
      %jit3A_138 = arith.constant 32 : i32
      %eq3A_139 = arith.constant 0 : i32
      %eq3A_140 = arith.cmpi eq, %jit3A_138, %eq3A_139 : i32
      %jit3A_141 = arith.constant 1 : i32
      %select_n3A_142 = arith.select %eq3A_140, %jit3A_141, %jit3A_138 : i32
      %rem3A_143 = arith.remsi %scan3A_113, %select_n3A_142 : i32
      %ne3A_144 = arith.constant 0 : i32
      %ne3A_145 = arith.cmpi ne, %rem3A_143, %ne3A_144 : i32
      %lt3A_146 = arith.constant 0 : i32
      %lt3A_147 = arith.cmpi slt, %rem3A_143, %lt3A_146 : i32
      %lt3A_148 = arith.constant 0 : i32
      %lt3A_149 = arith.cmpi slt, %select_n3A_142, %lt3A_148 : i32
      %ne3A_150 = arith.xori %lt3A_147, %lt3A_149 : i1
      %and3A_151 = arith.andi %ne3A_150, %ne3A_145 : i1
      %add3A_152 = arith.addi %rem3A_143, %select_n3A_142 : i32
      %select_n3A_153 = arith.select %and3A_151, %add3A_152, %rem3A_143 : i32
      %eq3A_154 = arith.constant 31 : i32
      %eq3A_155 = arith.cmpi eq, %select_n3A_153, %eq3A_154 : i32
      %lt3A_156 = arith.constant 127 : i32
      %lt3A_157 = arith.cmpi slt, %scan3A_113, %lt3A_156 : i32
      %and3A_158 = arith.andi %eq3A_155, %lt3A_157 : i1
      %convert_element_type3A_159 = arith.extui %and3A_158 : i1 to i32
      %cond3A_160 = arith.constant 0 : i32
      %cond3A_161 = arith.cmpi ne, %convert_element_type3A_159, %cond3A_160 : i32
      scf.if %cond3A_161 {
        %dma_wait3A_788 = arith.constant 0 : i32
        %dma_wait3A_789 = arith.constant 0 : i32
        %dma_wait3A_790 = arith.constant 0 : i32
        %dma_wait3A_791 = tpu.memref_slice %arg5[%dma_wait3A_788, %dma_wait3A_789, %dma_wait3A_790] : memref<2x256x100xi32, #tpu.memory_space<vmem>> -> memref<1x256x100xi32, #tpu.memory_space<vmem>>
        %dma_wait3A_792 = tpu.memref_squeeze %dma_wait3A_791 : memref<1x256x100xi32, #tpu.memory_space<vmem>> -> memref<256x100xi32, #tpu.memory_space<vmem>>
        %dma_wait3A_793 = arith.constant 0 : i32
        %dma_wait3A_794 = arith.constant 0 : i32
        %dma_wait3A_795 = tpu.memref_slice %arg2[%add3A, %dma_wait3A_793, %dma_wait3A_794] : memref<32x1024x100xi32, #tpu.memory_space<hbm>> -> memref<1x256x100xi32, #tpu.memory_space<hbm>>
        %dma_wait3A_796 = tpu.memref_squeeze %dma_wait3A_795 : memref<1x256x100xi32, #tpu.memory_space<hbm>> -> memref<256x100xi32, #tpu.memory_space<hbm>>
        %dma_wait3A_797 = arith.constant 0 : i32
        %dma_wait3A_798 = arith.constant 0 : i32
        %dma_wait3A_799 = tpu.memref_slice %arg5[%dma_wait3A_788, %dma_wait3A_797, %dma_wait3A_798] : memref<2x256x100xi32, #tpu.memory_space<vmem>> -> memref<1x256x100xi32, #tpu.memory_space<vmem>>
        %dma_wait3A_800 = tpu.memref_squeeze %dma_wait3A_799 : memref<1x256x100xi32, #tpu.memory_space<vmem>> -> memref<256x100xi32, #tpu.memory_space<vmem>>
        %dma_wait3A_801 = arith.constant 0 : i32
        %dma_wait3A_802 = arith.constant 0 : i32
        %dma_wait3A_803 = tpu.memref_slice %arg2[%add3A, %dma_wait3A_801, %dma_wait3A_802] : memref<32x1024x100xi32, #tpu.memory_space<hbm>> -> memref<1x256x100xi32, #tpu.memory_space<hbm>>
        %dma_wait3A_804 = tpu.memref_squeeze %dma_wait3A_803 : memref<1x256x100xi32, #tpu.memory_space<hbm>> -> memref<256x100xi32, #tpu.memory_space<hbm>>
        tpu.wait_dma2 semaphore(%arg15 : memref<!tpu.dma_semaphore, #tpu.memory_space<semaphore_mem>>) src(%dma_wait3A_804 : memref<256x100xi32, #tpu.memory_space<hbm>>) dst(%dma_wait3A_800 : memref<256x100xi32, #tpu.memory_space<vmem>>)
      } else {
      }
      %add3A_162 = arith.constant 3 : i32
      %add3A_163 = arith.addi %mul3A_116, %add3A_162 : i32
      %mul3A_164 = arith.constant 2 : i32
      %mul3A_165 = arith.muli %mul3A_164, %add3A_163 : i32
      %add3A_166 = arith.constant 0 : i32
      %add3A_167 = arith.addi %mul3A_165, %add3A_166 : i32
      %jit3A_168 = arith.constant 256 : i32
      %div3A = arith.divsi %add3A_167, %jit3A_168 : i32
      %sign3A = arith.constant 0 : i32
      %sign3A_169 = arith.cmpi sgt, %add3A_167, %sign3A : i32
      %sign3A_170 = arith.extui %sign3A_169 : i1 to i32
      %sign3A_171 = arith.constant 0 : i32
      %sign3A_172 = arith.cmpi slt, %add3A_167, %sign3A_171 : i32
      %sign3A_173 = arith.extui %sign3A_172 : i1 to i32
      %sign3A_174 = arith.subi %sign3A_170, %sign3A_173 : i32
      %sign3A_175 = arith.constant 0 : i32
      %sign3A_176 = arith.cmpi sgt, %jit3A_168, %sign3A_175 : i32
      %sign3A_177 = arith.extui %sign3A_176 : i1 to i32
      %sign3A_178 = arith.constant 0 : i32
      %sign3A_179 = arith.cmpi slt, %jit3A_168, %sign3A_178 : i32
      %sign3A_180 = arith.extui %sign3A_179 : i1 to i32
      %sign3A_181 = arith.subi %sign3A_177, %sign3A_180 : i32
      %ne3A_182 = arith.cmpi ne, %sign3A_174, %sign3A_181 : i32
      %rem3A_183 = arith.remsi %add3A_167, %jit3A_168 : i32
      %ne3A_184 = arith.constant 0 : i32
      %ne3A_185 = arith.cmpi ne, %rem3A_183, %ne3A_184 : i32
      %and3A_186 = arith.andi %ne3A_182, %ne3A_185 : i1
      %sub3A = arith.constant 1 : i32
      %sub3A_187 = arith.subi %div3A, %sub3A : i32
      %select_n3A_188 = arith.select %and3A_186, %sub3A_187, %div3A : i32
      %jit3A_189 = arith.constant 2 : i32
      %eq3A_190 = arith.constant 0 : i32
      %eq3A_191 = arith.cmpi eq, %jit3A_189, %eq3A_190 : i32
      %jit3A_192 = arith.constant 1 : i32
      %select_n3A_193 = arith.select %eq3A_191, %jit3A_192, %jit3A_189 : i32
      %rem3A_194 = arith.remsi %select_n3A_188, %select_n3A_193 : i32
      %ne3A_195 = arith.constant 0 : i32
      %ne3A_196 = arith.cmpi ne, %rem3A_194, %ne3A_195 : i32
      %lt3A_197 = arith.constant 0 : i32
      %lt3A_198 = arith.cmpi slt, %rem3A_194, %lt3A_197 : i32
      %lt3A_199 = arith.constant 0 : i32
      %lt3A_200 = arith.cmpi slt, %select_n3A_193, %lt3A_199 : i32
      %ne3A_201 = arith.xori %lt3A_198, %lt3A_200 : i1
      %and3A_202 = arith.andi %ne3A_201, %ne3A_196 : i1
      %add3A_203 = arith.addi %rem3A_194, %select_n3A_193 : i32
      %select_n3A_204 = arith.select %and3A_202, %add3A_203, %rem3A_194 : i32
      %jit3A_205 = arith.constant 256 : i32
      %eq3A_206 = arith.constant 0 : i32
      %eq3A_207 = arith.cmpi eq, %jit3A_205, %eq3A_206 : i32
      %jit3A_208 = arith.constant 1 : i32
      %select_n3A_209 = arith.select %eq3A_207, %jit3A_208, %jit3A_205 : i32
      %rem3A_210 = arith.remsi %add3A_167, %select_n3A_209 : i32
      %ne3A_211 = arith.constant 0 : i32
      %ne3A_212 = arith.cmpi ne, %rem3A_210, %ne3A_211 : i32
      %lt3A_213 = arith.constant 0 : i32
      %lt3A_214 = arith.cmpi slt, %rem3A_210, %lt3A_213 : i32
      %lt3A_215 = arith.constant 0 : i32
      %lt3A_216 = arith.cmpi slt, %select_n3A_209, %lt3A_215 : i32
      %ne3A_217 = arith.xori %lt3A_214, %lt3A_216 : i1
      %and3A_218 = arith.andi %ne3A_217, %ne3A_212 : i1
      %add3A_219 = arith.addi %rem3A_210, %select_n3A_209 : i32
      %select_n3A_220 = arith.select %and3A_218, %add3A_219, %rem3A_210 : i32
      %dma_start3A_221 = arith.constant 0 : i32
      %dma_start3A_222 = arith.constant 0 : i32
      %dma_start3A_223 = tpu.memref_slice %arg9[%dma_start3A_221, %dma_start3A_222] : memref<200x64xf32, #tpu.memory_space<vmem>> -> memref<100x64xf32, #tpu.memory_space<vmem>>
      %dma_start3A_224 = arith.constant 0 : i32
      %dma_start3A_225 = tpu.memref_slice %arg5[%select_n3A_204, %select_n3A_220, %dma_start3A_224] : memref<2x256x100xi32, #tpu.memory_space<vmem>> -> memref<1x1x100xi32, #tpu.memory_space<vmem>>
      %dma_start3A_226 = tpu.memref_squeeze %dma_start3A_225 : memref<1x1x100xi32, #tpu.memory_space<vmem>> -> memref<100xi32, #tpu.memory_space<vmem>>
      %dma_start3A_227 = arith.constant 0 : i32
      %dma_start3A_228 = arith.constant 0 : i32
      %dma_start3A_229 = tpu.memref_slice %arg3[%dma_start3A_227, %dma_start3A_228] : memref<1000000x64xf32, #tpu.memory_space<hbm>> -> memref<1000000x64xf32, #tpu.memory_space<hbm>>
      tpu.enqueue_indirect_dma source(%dma_start3A_229 : memref<1000000x64xf32, #tpu.memory_space<hbm>>) target(%dma_start3A_223 : memref<100x64xf32, #tpu.memory_space<vmem>>) offsets(%dma_start3A_226 : memref<100xi32, #tpu.memory_space<vmem>>) semaphore(%arg14 : memref<!tpu.dma_semaphore, #tpu.memory_space<semaphore_mem>>)
      %mul3A_230 = arith.constant 2 : i32
      %mul3A_231 = arith.muli %mul3A_230, %add3A_163 : i32
      %add3A_232 = arith.constant 1 : i32
      %add3A_233 = arith.addi %mul3A_231, %add3A_232 : i32
      %jit3A_234 = arith.constant 256 : i32
      %div3A_235 = arith.divsi %add3A_233, %jit3A_234 : i32
      %sign3A_236 = arith.constant 0 : i32
      %sign3A_237 = arith.cmpi sgt, %add3A_233, %sign3A_236 : i32
      %sign3A_238 = arith.extui %sign3A_237 : i1 to i32
      %sign3A_239 = arith.constant 0 : i32
      %sign3A_240 = arith.cmpi slt, %add3A_233, %sign3A_239 : i32
      %sign3A_241 = arith.extui %sign3A_240 : i1 to i32
      %sign3A_242 = arith.subi %sign3A_238, %sign3A_241 : i32
      %sign3A_243 = arith.constant 0 : i32
      %sign3A_244 = arith.cmpi sgt, %jit3A_234, %sign3A_243 : i32
      %sign3A_245 = arith.extui %sign3A_244 : i1 to i32
      %sign3A_246 = arith.constant 0 : i32
      %sign3A_247 = arith.cmpi slt, %jit3A_234, %sign3A_246 : i32
      %sign3A_248 = arith.extui %sign3A_247 : i1 to i32
      %sign3A_249 = arith.subi %sign3A_245, %sign3A_248 : i32
      %ne3A_250 = arith.cmpi ne, %sign3A_242, %sign3A_249 : i32
      %rem3A_251 = arith.remsi %add3A_233, %jit3A_234 : i32
      %ne3A_252 = arith.constant 0 : i32
      %ne3A_253 = arith.cmpi ne, %rem3A_251, %ne3A_252 : i32
      %and3A_254 = arith.andi %ne3A_250, %ne3A_253 : i1
      %sub3A_255 = arith.constant 1 : i32
      %sub3A_256 = arith.subi %div3A_235, %sub3A_255 : i32
      %select_n3A_257 = arith.select %and3A_254, %sub3A_256, %div3A_235 : i32
      %jit3A_258 = arith.constant 2 : i32
      %eq3A_259 = arith.constant 0 : i32
      %eq3A_260 = arith.cmpi eq, %jit3A_258, %eq3A_259 : i32
      %jit3A_261 = arith.constant 1 : i32
      %select_n3A_262 = arith.select %eq3A_260, %jit3A_261, %jit3A_258 : i32
      %rem3A_263 = arith.remsi %select_n3A_257, %select_n3A_262 : i32
      %ne3A_264 = arith.constant 0 : i32
      %ne3A_265 = arith.cmpi ne, %rem3A_263, %ne3A_264 : i32
      %lt3A_266 = arith.constant 0 : i32
      %lt3A_267 = arith.cmpi slt, %rem3A_263, %lt3A_266 : i32
      %lt3A_268 = arith.constant 0 : i32
      %lt3A_269 = arith.cmpi slt, %select_n3A_262, %lt3A_268 : i32
      %ne3A_270 = arith.xori %lt3A_267, %lt3A_269 : i1
      %and3A_271 = arith.andi %ne3A_270, %ne3A_265 : i1
      %add3A_272 = arith.addi %rem3A_263, %select_n3A_262 : i32
      %select_n3A_273 = arith.select %and3A_271, %add3A_272, %rem3A_263 : i32
      %jit3A_274 = arith.constant 256 : i32
      %eq3A_275 = arith.constant 0 : i32
      %eq3A_276 = arith.cmpi eq, %jit3A_274, %eq3A_275 : i32
      %jit3A_277 = arith.constant 1 : i32
      %select_n3A_278 = arith.select %eq3A_276, %jit3A_277, %jit3A_274 : i32
      %rem3A_279 = arith.remsi %add3A_233, %select_n3A_278 : i32
      %ne3A_280 = arith.constant 0 : i32
      %ne3A_281 = arith.cmpi ne, %rem3A_279, %ne3A_280 : i32
      %lt3A_282 = arith.constant 0 : i32
      %lt3A_283 = arith.cmpi slt, %rem3A_279, %lt3A_282 : i32
      %lt3A_284 = arith.constant 0 : i32
      %lt3A_285 = arith.cmpi slt, %select_n3A_278, %lt3A_284 : i32
      %ne3A_286 = arith.xori %lt3A_283, %lt3A_285 : i1
      %and3A_287 = arith.andi %ne3A_286, %ne3A_281 : i1
      %add3A_288 = arith.addi %rem3A_279, %select_n3A_278 : i32
      %select_n3A_289 = arith.select %and3A_287, %add3A_288, %rem3A_279 : i32
      %dma_start3A_290 = arith.constant 100 : i32
      %dma_start3A_291 = arith.constant 0 : i32
      %dma_start3A_292 = tpu.memref_slice %arg9[%dma_start3A_290, %dma_start3A_291] : memref<200x64xf32, #tpu.memory_space<vmem>> -> memref<100x64xf32, #tpu.memory_space<vmem>>
      %dma_start3A_293 = arith.constant 0 : i32
      %dma_start3A_294 = tpu.memref_slice %arg5[%select_n3A_273, %select_n3A_289, %dma_start3A_293] : memref<2x256x100xi32, #tpu.memory_space<vmem>> -> memref<1x1x100xi32, #tpu.memory_space<vmem>>
      %dma_start3A_295 = tpu.memref_squeeze %dma_start3A_294 : memref<1x1x100xi32, #tpu.memory_space<vmem>> -> memref<100xi32, #tpu.memory_space<vmem>>
      %dma_start3A_296 = arith.constant 0 : i32
      %dma_start3A_297 = arith.constant 0 : i32
      %dma_start3A_298 = tpu.memref_slice %arg3[%dma_start3A_296, %dma_start3A_297] : memref<1000000x64xf32, #tpu.memory_space<hbm>> -> memref<1000000x64xf32, #tpu.memory_space<hbm>>
      tpu.enqueue_indirect_dma source(%dma_start3A_298 : memref<1000000x64xf32, #tpu.memory_space<hbm>>) target(%dma_start3A_292 : memref<100x64xf32, #tpu.memory_space<vmem>>) offsets(%dma_start3A_295 : memref<100xi32, #tpu.memory_space<vmem>>) semaphore(%arg14 : memref<!tpu.dma_semaphore, #tpu.memory_space<semaphore_mem>>)
      %dma_wait3A_299 = arith.constant 0 : i32
      %dma_wait3A_300 = arith.constant 0 : i32
      %dma_wait3A_301 = tpu.memref_slice %arg3[%dma_wait3A_299, %dma_wait3A_300] : memref<1000000x64xf32, #tpu.memory_space<hbm>> -> memref<200x64xf32, #tpu.memory_space<hbm>>
      %dma_wait3A_302 = arith.constant 0 : i32
      %dma_wait3A_303 = arith.constant 0 : i32
      %dma_wait3A_304 = tpu.memref_slice %arg3[%dma_wait3A_302, %dma_wait3A_303] : memref<1000000x64xf32, #tpu.memory_space<hbm>> -> memref<200x64xf32, #tpu.memory_space<hbm>>
      tpu.wait_dma2 semaphore(%arg11 : memref<!tpu.dma_semaphore, #tpu.memory_space<semaphore_mem>>) src(%dma_wait3A_304 : memref<200x64xf32, #tpu.memory_space<hbm>>) dst(%arg6 : memref<200x64xf32, #tpu.memory_space<vmem>>)
      %broadcast_in_dim3A = arith.constant 0.000000e+00 : f32
      %broadcast_in_dim3A_305 = vector.broadcast %broadcast_in_dim3A : f32 to vector<16xf32>
      %scan3A_306 = arith.constant 0 : i32
      %scan3A_307 = arith.constant 25 : i32
      %scan3A_308 = arith.addi %scan3A_306, %scan3A_307 : i32
      %scan3A_309 = arith.constant 1 : i32
      %scan3A_310:8 = scf.for %scan3A_788 = %scan3A_306 to %scan3A_308 step %scan3A_309 iter_args(%scan3A_789 = %broadcast_in_dim3A_305, %scan3A_790 = %broadcast_in_dim3A_305, %scan3A_791 = %broadcast_in_dim3A_305, %scan3A_792 = %broadcast_in_dim3A_305, %scan3A_793 = %broadcast_in_dim3A_305, %scan3A_794 = %broadcast_in_dim3A_305, %scan3A_795 = %broadcast_in_dim3A_305, %scan3A_796 = %broadcast_in_dim3A_305) -> (vector<16xf32>, vector<16xf32>, vector<16xf32>, vector<16xf32>, vector<16xf32>, vector<16xf32>, vector<16xf32>, vector<16xf32>)  : i32 {
        %mul3A_797 = arith.constant 8 : i32
        %mul3A_798 = arith.muli %scan3A_788, %mul3A_797 : i32
        %add3A_799 = arith.constant 0 : i32
        %add3A_800 = arith.addi %mul3A_798, %add3A_799 : i32
        %get3A = arith.index_cast %add3A_800 : i32 to index
        %get3A_801 = arith.constant 0 : index
        %get3A_802 = tpu.vector_load %arg6[%get3A, %get3A_801] {strides = array<i32>} : memref<200x64xf32, #tpu.memory_space<vmem>>, vector<1x16xf32>,
        %get3A_803 = vector.shape_cast %get3A_802 : vector<1x16xf32> to vector<16xf32>
        %add3A_804 = arith.addf %scan3A_789, %get3A_803 : vector<16xf32>
        %get3A_805 = arith.index_cast %add3A_800 : i32 to index
        %get3A_806 = arith.constant 16 : index
        %get3A_807 = tpu.vector_load %arg6[%get3A_805, %get3A_806] {strides = array<i32>} : memref<200x64xf32, #tpu.memory_space<vmem>>, vector<1x16xf32>,
        %get3A_808 = vector.shape_cast %get3A_807 : vector<1x16xf32> to vector<16xf32>
        %add3A_809 = arith.addf %scan3A_790, %get3A_808 : vector<16xf32>
        %get3A_810 = arith.index_cast %add3A_800 : i32 to index
        %get3A_811 = arith.constant 32 : index
        %get3A_812 = tpu.vector_load %arg6[%get3A_810, %get3A_811] {strides = array<i32>} : memref<200x64xf32, #tpu.memory_space<vmem>>, vector<1x16xf32>,
        %get3A_813 = vector.shape_cast %get3A_812 : vector<1x16xf32> to vector<16xf32>
        %add3A_814 = arith.addf %scan3A_791, %get3A_813 : vector<16xf32>
        %get3A_815 = arith.index_cast %add3A_800 : i32 to index
        %get3A_816 = arith.constant 48 : index
        %get3A_817 = tpu.vector_load %arg6[%get3A_815, %get3A_816] {strides = array<i32>} : memref<200x64xf32, #tpu.memory_space<vmem>>, vector<1x16xf32>,
        %get3A_818 = vector.shape_cast %get3A_817 : vector<1x16xf32> to vector<16xf32>
        %add3A_819 = arith.addf %scan3A_792, %get3A_818 : vector<16xf32>
        %mul3A_820 = arith.constant 8 : i32
        %mul3A_821 = arith.muli %scan3A_788, %mul3A_820 : i32
        %add3A_822 = arith.constant 1 : i32
        %add3A_823 = arith.addi %mul3A_821, %add3A_822 : i32
        %get3A_824 = arith.index_cast %add3A_823 : i32 to index
        %get3A_825 = arith.constant 0 : index
        %get3A_826 = tpu.vector_load %arg6[%get3A_824, %get3A_825] {strides = array<i32>} : memref<200x64xf32, #tpu.memory_space<vmem>>, vector<1x16xf32>,
        %get3A_827 = vector.shape_cast %get3A_826 : vector<1x16xf32> to vector<16xf32>
        %add3A_828 = arith.addf %scan3A_793, %get3A_827 : vector<16xf32>
        %get3A_829 = arith.index_cast %add3A_823 : i32 to index
        %get3A_830 = arith.constant 16 : index
        %get3A_831 = tpu.vector_load %arg6[%get3A_829, %get3A_830] {strides = array<i32>} : memref<200x64xf32, #tpu.memory_space<vmem>>, vector<1x16xf32>,
        %get3A_832 = vector.shape_cast %get3A_831 : vector<1x16xf32> to vector<16xf32>
        %add3A_833 = arith.addf %scan3A_794, %get3A_832 : vector<16xf32>
        %get3A_834 = arith.index_cast %add3A_823 : i32 to index
        %get3A_835 = arith.constant 32 : index
        %get3A_836 = tpu.vector_load %arg6[%get3A_834, %get3A_835] {strides = array<i32>} : memref<200x64xf32, #tpu.memory_space<vmem>>, vector<1x16xf32>,
        %get3A_837 = vector.shape_cast %get3A_836 : vector<1x16xf32> to vector<16xf32>
        %add3A_838 = arith.addf %scan3A_795, %get3A_837 : vector<16xf32>
        %get3A_839 = arith.index_cast %add3A_823 : i32 to index
        %get3A_840 = arith.constant 48 : index
        %get3A_841 = tpu.vector_load %arg6[%get3A_839, %get3A_840] {strides = array<i32>} : memref<200x64xf32, #tpu.memory_space<vmem>>, vector<1x16xf32>,
        %get3A_842 = vector.shape_cast %get3A_841 : vector<1x16xf32> to vector<16xf32>
        %add3A_843 = arith.addf %scan3A_796, %get3A_842 : vector<16xf32>
        %mul3A_844 = arith.constant 8 : i32
        %mul3A_845 = arith.muli %scan3A_788, %mul3A_844 : i32
        %add3A_846 = arith.constant 2 : i32
        %add3A_847 = arith.addi %mul3A_845, %add3A_846 : i32
        %get3A_848 = arith.index_cast %add3A_847 : i32 to index
        %get3A_849 = arith.constant 0 : index
        %get3A_850 = tpu.vector_load %arg6[%get3A_848, %get3A_849] {strides = array<i32>} : memref<200x64xf32, #tpu.memory_space<vmem>>, vector<1x16xf32>,
        %get3A_851 = vector.shape_cast %get3A_850 : vector<1x16xf32> to vector<16xf32>
        %add3A_852 = arith.addf %add3A_804, %get3A_851 : vector<16xf32>
        %get3A_853 = arith.index_cast %add3A_847 : i32 to index
        %get3A_854 = arith.constant 16 : index
        %get3A_855 = tpu.vector_load %arg6[%get3A_853, %get3A_854] {strides = array<i32>} : memref<200x64xf32, #tpu.memory_space<vmem>>, vector<1x16xf32>,
        %get3A_856 = vector.shape_cast %get3A_855 : vector<1x16xf32> to vector<16xf32>
        %add3A_857 = arith.addf %add3A_809, %get3A_856 : vector<16xf32>
        %get3A_858 = arith.index_cast %add3A_847 : i32 to index
        %get3A_859 = arith.constant 32 : index
        %get3A_860 = tpu.vector_load %arg6[%get3A_858, %get3A_859] {strides = array<i32>} : memref<200x64xf32, #tpu.memory_space<vmem>>, vector<1x16xf32>,
        %get3A_861 = vector.shape_cast %get3A_860 : vector<1x16xf32> to vector<16xf32>
        %add3A_862 = arith.addf %add3A_814, %get3A_861 : vector<16xf32>
        %get3A_863 = arith.index_cast %add3A_847 : i32 to index
        %get3A_864 = arith.constant 48 : index
        %get3A_865 = tpu.vector_load %arg6[%get3A_863, %get3A_864] {strides = array<i32>} : memref<200x64xf32, #tpu.memory_space<vmem>>, vector<1x16xf32>,
        %get3A_866 = vector.shape_cast %get3A_865 : vector<1x16xf32> to vector<16xf32>
        %add3A_867 = arith.addf %add3A_819, %get3A_866 : vector<16xf32>
        %mul3A_868 = arith.constant 8 : i32
        %mul3A_869 = arith.muli %scan3A_788, %mul3A_868 : i32
        %add3A_870 = arith.constant 3 : i32
        %add3A_871 = arith.addi %mul3A_869, %add3A_870 : i32
        %get3A_872 = arith.index_cast %add3A_871 : i32 to index
        %get3A_873 = arith.constant 0 : index
        %get3A_874 = tpu.vector_load %arg6[%get3A_872, %get3A_873] {strides = array<i32>} : memref<200x64xf32, #tpu.memory_space<vmem>>, vector<1x16xf32>,
        %get3A_875 = vector.shape_cast %get3A_874 : vector<1x16xf32> to vector<16xf32>
        %add3A_876 = arith.addf %add3A_828, %get3A_875 : vector<16xf32>
        %get3A_877 = arith.index_cast %add3A_871 : i32 to index
        %get3A_878 = arith.constant 16 : index
        %get3A_879 = tpu.vector_load %arg6[%get3A_877, %get3A_878] {strides = array<i32>} : memref<200x64xf32, #tpu.memory_space<vmem>>, vector<1x16xf32>,
        %get3A_880 = vector.shape_cast %get3A_879 : vector<1x16xf32> to vector<16xf32>
        %add3A_881 = arith.addf %add3A_833, %get3A_880 : vector<16xf32>
        %get3A_882 = arith.index_cast %add3A_871 : i32 to index
        %get3A_883 = arith.constant 32 : index
        %get3A_884 = tpu.vector_load %arg6[%get3A_882, %get3A_883] {strides = array<i32>} : memref<200x64xf32, #tpu.memory_space<vmem>>, vector<1x16xf32>,
        %get3A_885 = vector.shape_cast %get3A_884 : vector<1x16xf32> to vector<16xf32>
        %add3A_886 = arith.addf %add3A_838, %get3A_885 : vector<16xf32>
        %get3A_887 = arith.index_cast %add3A_871 : i32 to index
        %get3A_888 = arith.constant 48 : index
        %get3A_889 = tpu.vector_load %arg6[%get3A_887, %get3A_888] {strides = array<i32>} : memref<200x64xf32, #tpu.memory_space<vmem>>, vector<1x16xf32>,
        %get3A_890 = vector.shape_cast %get3A_889 : vector<1x16xf32> to vector<16xf32>
        %add3A_891 = arith.addf %add3A_843, %get3A_890 : vector<16xf32>
        %mul3A_892 = arith.constant 8 : i32
        %mul3A_893 = arith.muli %scan3A_788, %mul3A_892 : i32
        %add3A_894 = arith.constant 4 : i32
        %add3A_895 = arith.addi %mul3A_893, %add3A_894 : i32
        %get3A_896 = arith.index_cast %add3A_895 : i32 to index
        %get3A_897 = arith.constant 0 : index
        %get3A_898 = tpu.vector_load %arg6[%get3A_896, %get3A_897] {strides = array<i32>} : memref<200x64xf32, #tpu.memory_space<vmem>>, vector<1x16xf32>,
        %get3A_899 = vector.shape_cast %get3A_898 : vector<1x16xf32> to vector<16xf32>
        %add3A_900 = arith.addf %add3A_852, %get3A_899 : vector<16xf32>
        %get3A_901 = arith.index_cast %add3A_895 : i32 to index
        %get3A_902 = arith.constant 16 : index
        %get3A_903 = tpu.vector_load %arg6[%get3A_901, %get3A_902] {strides = array<i32>} : memref<200x64xf32, #tpu.memory_space<vmem>>, vector<1x16xf32>,
        %get3A_904 = vector.shape_cast %get3A_903 : vector<1x16xf32> to vector<16xf32>
        %add3A_905 = arith.addf %add3A_857, %get3A_904 : vector<16xf32>
        %get3A_906 = arith.index_cast %add3A_895 : i32 to index
        %get3A_907 = arith.constant 32 : index
        %get3A_908 = tpu.vector_load %arg6[%get3A_906, %get3A_907] {strides = array<i32>} : memref<200x64xf32, #tpu.memory_space<vmem>>, vector<1x16xf32>,
        %get3A_909 = vector.shape_cast %get3A_908 : vector<1x16xf32> to vector<16xf32>
        %add3A_910 = arith.addf %add3A_862, %get3A_909 : vector<16xf32>
        %get3A_911 = arith.index_cast %add3A_895 : i32 to index
        %get3A_912 = arith.constant 48 : index
        %get3A_913 = tpu.vector_load %arg6[%get3A_911, %get3A_912] {strides = array<i32>} : memref<200x64xf32, #tpu.memory_space<vmem>>, vector<1x16xf32>,
        %get3A_914 = vector.shape_cast %get3A_913 : vector<1x16xf32> to vector<16xf32>
        %add3A_915 = arith.addf %add3A_867, %get3A_914 : vector<16xf32>
        %mul3A_916 = arith.constant 8 : i32
        %mul3A_917 = arith.muli %scan3A_788, %mul3A_916 : i32
        %add3A_918 = arith.constant 5 : i32
        %add3A_919 = arith.addi %mul3A_917, %add3A_918 : i32
        %get3A_920 = arith.index_cast %add3A_919 : i32 to index
        %get3A_921 = arith.constant 0 : index
        %get3A_922 = tpu.vector_load %arg6[%get3A_920, %get3A_921] {strides = array<i32>} : memref<200x64xf32, #tpu.memory_space<vmem>>, vector<1x16xf32>,
        %get3A_923 = vector.shape_cast %get3A_922 : vector<1x16xf32> to vector<16xf32>
        %add3A_924 = arith.addf %add3A_876, %get3A_923 : vector<16xf32>
        %get3A_925 = arith.index_cast %add3A_919 : i32 to index
        %get3A_926 = arith.constant 16 : index
        %get3A_927 = tpu.vector_load %arg6[%get3A_925, %get3A_926] {strides = array<i32>} : memref<200x64xf32, #tpu.memory_space<vmem>>, vector<1x16xf32>,
        %get3A_928 = vector.shape_cast %get3A_927 : vector<1x16xf32> to vector<16xf32>
        %add3A_929 = arith.addf %add3A_881, %get3A_928 : vector<16xf32>
        %get3A_930 = arith.index_cast %add3A_919 : i32 to index
        %get3A_931 = arith.constant 32 : index
        %get3A_932 = tpu.vector_load %arg6[%get3A_930, %get3A_931] {strides = array<i32>} : memref<200x64xf32, #tpu.memory_space<vmem>>, vector<1x16xf32>,
        %get3A_933 = vector.shape_cast %get3A_932 : vector<1x16xf32> to vector<16xf32>
        %add3A_934 = arith.addf %add3A_886, %get3A_933 : vector<16xf32>
        %get3A_935 = arith.index_cast %add3A_919 : i32 to index
        %get3A_936 = arith.constant 48 : index
        %get3A_937 = tpu.vector_load %arg6[%get3A_935, %get3A_936] {strides = array<i32>} : memref<200x64xf32, #tpu.memory_space<vmem>>, vector<1x16xf32>,
        %get3A_938 = vector.shape_cast %get3A_937 : vector<1x16xf32> to vector<16xf32>
        %add3A_939 = arith.addf %add3A_891, %get3A_938 : vector<16xf32>
        %mul3A_940 = arith.constant 8 : i32
        %mul3A_941 = arith.muli %scan3A_788, %mul3A_940 : i32
        %add3A_942 = arith.constant 6 : i32
        %add3A_943 = arith.addi %mul3A_941, %add3A_942 : i32
        %get3A_944 = arith.index_cast %add3A_943 : i32 to index
        %get3A_945 = arith.constant 0 : index
        %get3A_946 = tpu.vector_load %arg6[%get3A_944, %get3A_945] {strides = array<i32>} : memref<200x64xf32, #tpu.memory_space<vmem>>, vector<1x16xf32>,
        %get3A_947 = vector.shape_cast %get3A_946 : vector<1x16xf32> to vector<16xf32>
        %add3A_948 = arith.addf %add3A_900, %get3A_947 : vector<16xf32>
        %get3A_949 = arith.index_cast %add3A_943 : i32 to index
        %get3A_950 = arith.constant 16 : index
        %get3A_951 = tpu.vector_load %arg6[%get3A_949, %get3A_950] {strides = array<i32>} : memref<200x64xf32, #tpu.memory_space<vmem>>, vector<1x16xf32>,
        %get3A_952 = vector.shape_cast %get3A_951 : vector<1x16xf32> to vector<16xf32>
        %add3A_953 = arith.addf %add3A_905, %get3A_952 : vector<16xf32>
        %get3A_954 = arith.index_cast %add3A_943 : i32 to index
        %get3A_955 = arith.constant 32 : index
        %get3A_956 = tpu.vector_load %arg6[%get3A_954, %get3A_955] {strides = array<i32>} : memref<200x64xf32, #tpu.memory_space<vmem>>, vector<1x16xf32>,
        %get3A_957 = vector.shape_cast %get3A_956 : vector<1x16xf32> to vector<16xf32>
        %add3A_958 = arith.addf %add3A_910, %get3A_957 : vector<16xf32>
        %get3A_959 = arith.index_cast %add3A_943 : i32 to index
        %get3A_960 = arith.constant 48 : index
        %get3A_961 = tpu.vector_load %arg6[%get3A_959, %get3A_960] {strides = array<i32>} : memref<200x64xf32, #tpu.memory_space<vmem>>, vector<1x16xf32>,
        %get3A_962 = vector.shape_cast %get3A_961 : vector<1x16xf32> to vector<16xf32>
        %add3A_963 = arith.addf %add3A_915, %get3A_962 : vector<16xf32>
        %mul3A_964 = arith.constant 8 : i32
        %mul3A_965 = arith.muli %scan3A_788, %mul3A_964 : i32
        %add3A_966 = arith.constant 7 : i32
        %add3A_967 = arith.addi %mul3A_965, %add3A_966 : i32
        %get3A_968 = arith.index_cast %add3A_967 : i32 to index
        %get3A_969 = arith.constant 0 : index
        %get3A_970 = tpu.vector_load %arg6[%get3A_968, %get3A_969] {strides = array<i32>} : memref<200x64xf32, #tpu.memory_space<vmem>>, vector<1x16xf32>,
        %get3A_971 = vector.shape_cast %get3A_970 : vector<1x16xf32> to vector<16xf32>
        %add3A_972 = arith.addf %add3A_924, %get3A_971 : vector<16xf32>
        %get3A_973 = arith.index_cast %add3A_967 : i32 to index
        %get3A_974 = arith.constant 16 : index
        %get3A_975 = tpu.vector_load %arg6[%get3A_973, %get3A_974] {strides = array<i32>} : memref<200x64xf32, #tpu.memory_space<vmem>>, vector<1x16xf32>,
        %get3A_976 = vector.shape_cast %get3A_975 : vector<1x16xf32> to vector<16xf32>
        %add3A_977 = arith.addf %add3A_929, %get3A_976 : vector<16xf32>
        %get3A_978 = arith.index_cast %add3A_967 : i32 to index
        %get3A_979 = arith.constant 32 : index
        %get3A_980 = tpu.vector_load %arg6[%get3A_978, %get3A_979] {strides = array<i32>} : memref<200x64xf32, #tpu.memory_space<vmem>>, vector<1x16xf32>,
        %get3A_981 = vector.shape_cast %get3A_980 : vector<1x16xf32> to vector<16xf32>
        %add3A_982 = arith.addf %add3A_934, %get3A_981 : vector<16xf32>
        %get3A_983 = arith.index_cast %add3A_967 : i32 to index
        %get3A_984 = arith.constant 48 : index
        %get3A_985 = tpu.vector_load %arg6[%get3A_983, %get3A_984] {strides = array<i32>} : memref<200x64xf32, #tpu.memory_space<vmem>>, vector<1x16xf32>,
        %get3A_986 = vector.shape_cast %get3A_985 : vector<1x16xf32> to vector<16xf32>
        %add3A_987 = arith.addf %add3A_939, %get3A_986 : vector<16xf32>
        scf.yield %add3A_948, %add3A_953, %add3A_958, %add3A_963, %add3A_972, %add3A_977, %add3A_982, %add3A_987 : vector<16xf32>, vector<16xf32>, vector<16xf32>, vector<16xf32>, vector<16xf32>, vector<16xf32>, vector<16xf32>, vector<16xf32>
      }
      %scan3A_311 = arith.constant 25 : i32
      %add3A_312 = arith.addf %scan3A_310#0, %scan3A_310#4 : vector<16xf32>
      %add3A_313 = arith.addf %scan3A_310#1, %scan3A_310#5 : vector<16xf32>
      %add3A_314 = arith.addf %scan3A_310#2, %scan3A_310#6 : vector<16xf32>
      %add3A_315 = arith.addf %scan3A_310#3, %scan3A_310#7 : vector<16xf32>
      %mul3A_316 = vector.broadcast %scan3A : f32 to vector<16xf32>
      %mul3A_317 = arith.mulf %add3A_312, %mul3A_316 : vector<16xf32>
      %jit3A_318 = arith.constant 8 : i32
      %eq3A_319 = arith.constant 0 : i32
      %eq3A_320 = arith.cmpi eq, %jit3A_318, %eq3A_319 : i32
      %jit3A_321 = arith.constant 1 : i32
      %select_n3A_322 = arith.select %eq3A_320, %jit3A_321, %jit3A_318 : i32
      %rem3A_323 = arith.remsi %mul3A_116, %select_n3A_322 : i32
      %ne3A_324 = arith.constant 0 : i32
      %ne3A_325 = arith.cmpi ne, %rem3A_323, %ne3A_324 : i32
      %lt3A_326 = arith.constant 0 : i32
      %lt3A_327 = arith.cmpi slt, %rem3A_323, %lt3A_326 : i32
      %lt3A_328 = arith.constant 0 : i32
      %lt3A_329 = arith.cmpi slt, %select_n3A_322, %lt3A_328 : i32
      %ne3A_330 = arith.xori %lt3A_327, %lt3A_329 : i1
      %and3A_331 = arith.andi %ne3A_330, %ne3A_325 : i1
      %add3A_332 = arith.addi %rem3A_323, %select_n3A_322 : i32
      %select_n3A_333 = arith.select %and3A_331, %add3A_332, %rem3A_323 : i32
      %swap3A = arith.index_cast %select_n3A_333 : i32 to index
      %swap3A_334 = arith.constant 0 : index
      %swap3A_335 = tpu.vector_load %arg10[%swap3A, %swap3A_334] {strides = array<i32>} : memref<8x64xf32, #tpu.memory_space<vmem>>, vector<1x16xf32>,
      %swap3A_336 = vector.shape_cast %swap3A_335 : vector<1x16xf32> to vector<16xf32>
      %swap3A_337 = vector.shape_cast %mul3A_317 : vector<16xf32> to vector<1x16xf32>
      tpu.vector_store %arg10[%swap3A, %swap3A_334], %swap3A_337 {strides = array<i32>} : memref<8x64xf32, #tpu.memory_space<vmem>>, vector<1x16xf32>,
      %mul3A_338 = vector.broadcast %scan3A : f32 to vector<16xf32>
      %mul3A_339 = arith.mulf %add3A_313, %mul3A_338 : vector<16xf32>
      %jit3A_340 = arith.constant 8 : i32
      %eq3A_341 = arith.constant 0 : i32
      %eq3A_342 = arith.cmpi eq, %jit3A_340, %eq3A_341 : i32
      %jit3A_343 = arith.constant 1 : i32
      %select_n3A_344 = arith.select %eq3A_342, %jit3A_343, %jit3A_340 : i32
      %rem3A_345 = arith.remsi %mul3A_116, %select_n3A_344 : i32
      %ne3A_346 = arith.constant 0 : i32
      %ne3A_347 = arith.cmpi ne, %rem3A_345, %ne3A_346 : i32
      %lt3A_348 = arith.constant 0 : i32
      %lt3A_349 = arith.cmpi slt, %rem3A_345, %lt3A_348 : i32
      %lt3A_350 = arith.constant 0 : i32
      %lt3A_351 = arith.cmpi slt, %select_n3A_344, %lt3A_350 : i32
      %ne3A_352 = arith.xori %lt3A_349, %lt3A_351 : i1
      %and3A_353 = arith.andi %ne3A_352, %ne3A_347 : i1
      %add3A_354 = arith.addi %rem3A_345, %select_n3A_344 : i32
      %select_n3A_355 = arith.select %and3A_353, %add3A_354, %rem3A_345 : i32
      %swap3A_356 = arith.index_cast %select_n3A_355 : i32 to index
      %swap3A_357 = arith.constant 16 : index
      %swap3A_358 = tpu.vector_load %arg10[%swap3A_356, %swap3A_357] {strides = array<i32>} : memref<8x64xf32, #tpu.memory_space<vmem>>, vector<1x16xf32>,
      %swap3A_359 = vector.shape_cast %swap3A_358 : vector<1x16xf32> to vector<16xf32>
      %swap3A_360 = vector.shape_cast %mul3A_339 : vector<16xf32> to vector<1x16xf32>
      tpu.vector_store %arg10[%swap3A_356, %swap3A_357], %swap3A_360 {strides = array<i32>} : memref<8x64xf32, #tpu.memory_space<vmem>>, vector<1x16xf32>,
      %mul3A_361 = vector.broadcast %scan3A : f32 to vector<16xf32>
      %mul3A_362 = arith.mulf %add3A_314, %mul3A_361 : vector<16xf32>
      %jit3A_363 = arith.constant 8 : i32
      %eq3A_364 = arith.constant 0 : i32
      %eq3A_365 = arith.cmpi eq, %jit3A_363, %eq3A_364 : i32
      %jit3A_366 = arith.constant 1 : i32
      %select_n3A_367 = arith.select %eq3A_365, %jit3A_366, %jit3A_363 : i32
      %rem3A_368 = arith.remsi %mul3A_116, %select_n3A_367 : i32
      %ne3A_369 = arith.constant 0 : i32
      %ne3A_370 = arith.cmpi ne, %rem3A_368, %ne3A_369 : i32
      %lt3A_371 = arith.constant 0 : i32
      %lt3A_372 = arith.cmpi slt, %rem3A_368, %lt3A_371 : i32
      %lt3A_373 = arith.constant 0 : i32
      %lt3A_374 = arith.cmpi slt, %select_n3A_367, %lt3A_373 : i32
      %ne3A_375 = arith.xori %lt3A_372, %lt3A_374 : i1
      %and3A_376 = arith.andi %ne3A_375, %ne3A_370 : i1
      %add3A_377 = arith.addi %rem3A_368, %select_n3A_367 : i32
      %select_n3A_378 = arith.select %and3A_376, %add3A_377, %rem3A_368 : i32
      %swap3A_379 = arith.index_cast %select_n3A_378 : i32 to index
      %swap3A_380 = arith.constant 32 : index
      %swap3A_381 = tpu.vector_load %arg10[%swap3A_379, %swap3A_380] {strides = array<i32>} : memref<8x64xf32, #tpu.memory_space<vmem>>, vector<1x16xf32>,
      %swap3A_382 = vector.shape_cast %swap3A_381 : vector<1x16xf32> to vector<16xf32>
      %swap3A_383 = vector.shape_cast %mul3A_362 : vector<16xf32> to vector<1x16xf32>
      tpu.vector_store %arg10[%swap3A_379, %swap3A_380], %swap3A_383 {strides = array<i32>} : memref<8x64xf32, #tpu.memory_space<vmem>>, vector<1x16xf32>,
      %mul3A_384 = vector.broadcast %scan3A : f32 to vector<16xf32>
      %mul3A_385 = arith.mulf %add3A_315, %mul3A_384 : vector<16xf32>
      %jit3A_386 = arith.constant 8 : i32
      %eq3A_387 = arith.constant 0 : i32
      %eq3A_388 = arith.cmpi eq, %jit3A_386, %eq3A_387 : i32
      %jit3A_389 = arith.constant 1 : i32
      %select_n3A_390 = arith.select %eq3A_388, %jit3A_389, %jit3A_386 : i32
      %rem3A_391 = arith.remsi %mul3A_116, %select_n3A_390 : i32
      %ne3A_392 = arith.constant 0 : i32
      %ne3A_393 = arith.cmpi ne, %rem3A_391, %ne3A_392 : i32
      %lt3A_394 = arith.constant 0 : i32
      %lt3A_395 = arith.cmpi slt, %rem3A_391, %lt3A_394 : i32
      %lt3A_396 = arith.constant 0 : i32
      %lt3A_397 = arith.cmpi slt, %select_n3A_390, %lt3A_396 : i32
      %ne3A_398 = arith.xori %lt3A_395, %lt3A_397 : i1
      %and3A_399 = arith.andi %ne3A_398, %ne3A_393 : i1
      %add3A_400 = arith.addi %rem3A_391, %select_n3A_390 : i32
      %select_n3A_401 = arith.select %and3A_399, %add3A_400, %rem3A_391 : i32
      %swap3A_402 = arith.index_cast %select_n3A_401 : i32 to index
      %swap3A_403 = arith.constant 48 : index
      %swap3A_404 = tpu.vector_load %arg10[%swap3A_402, %swap3A_403] {strides = array<i32>} : memref<8x64xf32, #tpu.memory_space<vmem>>, vector<1x16xf32>,
      %swap3A_405 = vector.shape_cast %swap3A_404 : vector<1x16xf32> to vector<16xf32>
      %swap3A_406 = vector.shape_cast %mul3A_385 : vector<16xf32> to vector<1x16xf32>
      tpu.vector_store %arg10[%swap3A_402, %swap3A_403], %swap3A_406 {strides = array<i32>} : memref<8x64xf32, #tpu.memory_space<vmem>>, vector<1x16xf32>,
      %lt3A_407 = arith.constant 127 : i32
      %lt3A_408 = arith.cmpi slt, %scan3A_113, %lt3A_407 : i32
      %convert_element_type3A_409 = arith.extui %lt3A_408 : i1 to i32
      %cond3A_410 = arith.constant 0 : i32
      %cond3A_411 = arith.cmpi ne, %convert_element_type3A_409, %cond3A_410 : i32
      scf.if %cond3A_411 {
        %add3A_788 = arith.constant 4 : i32
        %add3A_789 = arith.addi %mul3A_116, %add3A_788 : i32
        %mul3A_790 = arith.constant 2 : i32
        %mul3A_791 = arith.muli %mul3A_790, %add3A_789 : i32
        %add3A_792 = arith.constant 0 : i32
        %add3A_793 = arith.addi %mul3A_791, %add3A_792 : i32
        %jit3A_794 = arith.constant 256 : i32
        %div3A_795 = arith.divsi %add3A_793, %jit3A_794 : i32
        %sign3A_796 = arith.constant 0 : i32
        %sign3A_797 = arith.cmpi sgt, %add3A_793, %sign3A_796 : i32
        %sign3A_798 = arith.extui %sign3A_797 : i1 to i32
        %sign3A_799 = arith.constant 0 : i32
        %sign3A_800 = arith.cmpi slt, %add3A_793, %sign3A_799 : i32
        %sign3A_801 = arith.extui %sign3A_800 : i1 to i32
        %sign3A_802 = arith.subi %sign3A_798, %sign3A_801 : i32
        %sign3A_803 = arith.constant 0 : i32
        %sign3A_804 = arith.cmpi sgt, %jit3A_794, %sign3A_803 : i32
        %sign3A_805 = arith.extui %sign3A_804 : i1 to i32
        %sign3A_806 = arith.constant 0 : i32
        %sign3A_807 = arith.cmpi slt, %jit3A_794, %sign3A_806 : i32
        %sign3A_808 = arith.extui %sign3A_807 : i1 to i32
        %sign3A_809 = arith.subi %sign3A_805, %sign3A_808 : i32
        %ne3A_810 = arith.cmpi ne, %sign3A_802, %sign3A_809 : i32
        %rem3A_811 = arith.remsi %add3A_793, %jit3A_794 : i32
        %ne3A_812 = arith.constant 0 : i32
        %ne3A_813 = arith.cmpi ne, %rem3A_811, %ne3A_812 : i32
        %and3A_814 = arith.andi %ne3A_810, %ne3A_813 : i1
        %sub3A_815 = arith.constant 1 : i32
        %sub3A_816 = arith.subi %div3A_795, %sub3A_815 : i32
        %select_n3A_817 = arith.select %and3A_814, %sub3A_816, %div3A_795 : i32
        %jit3A_818 = arith.constant 2 : i32
        %eq3A_819 = arith.constant 0 : i32
        %eq3A_820 = arith.cmpi eq, %jit3A_818, %eq3A_819 : i32
        %jit3A_821 = arith.constant 1 : i32
        %select_n3A_822 = arith.select %eq3A_820, %jit3A_821, %jit3A_818 : i32
        %rem3A_823 = arith.remsi %select_n3A_817, %select_n3A_822 : i32
        %ne3A_824 = arith.constant 0 : i32
        %ne3A_825 = arith.cmpi ne, %rem3A_823, %ne3A_824 : i32
        %lt3A_826 = arith.constant 0 : i32
        %lt3A_827 = arith.cmpi slt, %rem3A_823, %lt3A_826 : i32
        %lt3A_828 = arith.constant 0 : i32
        %lt3A_829 = arith.cmpi slt, %select_n3A_822, %lt3A_828 : i32
        %ne3A_830 = arith.xori %lt3A_827, %lt3A_829 : i1
        %and3A_831 = arith.andi %ne3A_830, %ne3A_825 : i1
        %add3A_832 = arith.addi %rem3A_823, %select_n3A_822 : i32
        %select_n3A_833 = arith.select %and3A_831, %add3A_832, %rem3A_823 : i32
        %jit3A_834 = arith.constant 256 : i32
        %eq3A_835 = arith.constant 0 : i32
        %eq3A_836 = arith.cmpi eq, %jit3A_834, %eq3A_835 : i32
        %jit3A_837 = arith.constant 1 : i32
        %select_n3A_838 = arith.select %eq3A_836, %jit3A_837, %jit3A_834 : i32
        %rem3A_839 = arith.remsi %add3A_793, %select_n3A_838 : i32
        %ne3A_840 = arith.constant 0 : i32
        %ne3A_841 = arith.cmpi ne, %rem3A_839, %ne3A_840 : i32
        %lt3A_842 = arith.constant 0 : i32
        %lt3A_843 = arith.cmpi slt, %rem3A_839, %lt3A_842 : i32
        %lt3A_844 = arith.constant 0 : i32
        %lt3A_845 = arith.cmpi slt, %select_n3A_838, %lt3A_844 : i32
        %ne3A_846 = arith.xori %lt3A_843, %lt3A_845 : i1
        %and3A_847 = arith.andi %ne3A_846, %ne3A_841 : i1
        %add3A_848 = arith.addi %rem3A_839, %select_n3A_838 : i32
        %select_n3A_849 = arith.select %and3A_847, %add3A_848, %rem3A_839 : i32
        %dma_start3A_850 = arith.constant 0 : i32
        %dma_start3A_851 = arith.constant 0 : i32
        %dma_start3A_852 = tpu.memref_slice %arg6[%dma_start3A_850, %dma_start3A_851] : memref<200x64xf32, #tpu.memory_space<vmem>> -> memref<100x64xf32, #tpu.memory_space<vmem>>
        %dma_start3A_853 = arith.constant 0 : i32
        %dma_start3A_854 = tpu.memref_slice %arg5[%select_n3A_833, %select_n3A_849, %dma_start3A_853] : memref<2x256x100xi32, #tpu.memory_space<vmem>> -> memref<1x1x100xi32, #tpu.memory_space<vmem>>
        %dma_start3A_855 = tpu.memref_squeeze %dma_start3A_854 : memref<1x1x100xi32, #tpu.memory_space<vmem>> -> memref<100xi32, #tpu.memory_space<vmem>>
        %dma_start3A_856 = arith.constant 0 : i32
        %dma_start3A_857 = arith.constant 0 : i32
        %dma_start3A_858 = tpu.memref_slice %arg3[%dma_start3A_856, %dma_start3A_857] : memref<1000000x64xf32, #tpu.memory_space<hbm>> -> memref<1000000x64xf32, #tpu.memory_space<hbm>>
        tpu.enqueue_indirect_dma source(%dma_start3A_858 : memref<1000000x64xf32, #tpu.memory_space<hbm>>) target(%dma_start3A_852 : memref<100x64xf32, #tpu.memory_space<vmem>>) offsets(%dma_start3A_855 : memref<100xi32, #tpu.memory_space<vmem>>) semaphore(%arg11 : memref<!tpu.dma_semaphore, #tpu.memory_space<semaphore_mem>>)
        %mul3A_859 = arith.constant 2 : i32
        %mul3A_860 = arith.muli %mul3A_859, %add3A_789 : i32
        %add3A_861 = arith.constant 1 : i32
        %add3A_862 = arith.addi %mul3A_860, %add3A_861 : i32
        %jit3A_863 = arith.constant 256 : i32
        %div3A_864 = arith.divsi %add3A_862, %jit3A_863 : i32
        %sign3A_865 = arith.constant 0 : i32
        %sign3A_866 = arith.cmpi sgt, %add3A_862, %sign3A_865 : i32
        %sign3A_867 = arith.extui %sign3A_866 : i1 to i32
        %sign3A_868 = arith.constant 0 : i32
        %sign3A_869 = arith.cmpi slt, %add3A_862, %sign3A_868 : i32
        %sign3A_870 = arith.extui %sign3A_869 : i1 to i32
        %sign3A_871 = arith.subi %sign3A_867, %sign3A_870 : i32
        %sign3A_872 = arith.constant 0 : i32
        %sign3A_873 = arith.cmpi sgt, %jit3A_863, %sign3A_872 : i32
        %sign3A_874 = arith.extui %sign3A_873 : i1 to i32
        %sign3A_875 = arith.constant 0 : i32
        %sign3A_876 = arith.cmpi slt, %jit3A_863, %sign3A_875 : i32
        %sign3A_877 = arith.extui %sign3A_876 : i1 to i32
        %sign3A_878 = arith.subi %sign3A_874, %sign3A_877 : i32
        %ne3A_879 = arith.cmpi ne, %sign3A_871, %sign3A_878 : i32
        %rem3A_880 = arith.remsi %add3A_862, %jit3A_863 : i32
        %ne3A_881 = arith.constant 0 : i32
        %ne3A_882 = arith.cmpi ne, %rem3A_880, %ne3A_881 : i32
        %and3A_883 = arith.andi %ne3A_879, %ne3A_882 : i1
        %sub3A_884 = arith.constant 1 : i32
        %sub3A_885 = arith.subi %div3A_864, %sub3A_884 : i32
        %select_n3A_886 = arith.select %and3A_883, %sub3A_885, %div3A_864 : i32
        %jit3A_887 = arith.constant 2 : i32
        %eq3A_888 = arith.constant 0 : i32
        %eq3A_889 = arith.cmpi eq, %jit3A_887, %eq3A_888 : i32
        %jit3A_890 = arith.constant 1 : i32
        %select_n3A_891 = arith.select %eq3A_889, %jit3A_890, %jit3A_887 : i32
        %rem3A_892 = arith.remsi %select_n3A_886, %select_n3A_891 : i32
        %ne3A_893 = arith.constant 0 : i32
        %ne3A_894 = arith.cmpi ne, %rem3A_892, %ne3A_893 : i32
        %lt3A_895 = arith.constant 0 : i32
        %lt3A_896 = arith.cmpi slt, %rem3A_892, %lt3A_895 : i32
        %lt3A_897 = arith.constant 0 : i32
        %lt3A_898 = arith.cmpi slt, %select_n3A_891, %lt3A_897 : i32
        %ne3A_899 = arith.xori %lt3A_896, %lt3A_898 : i1
        %and3A_900 = arith.andi %ne3A_899, %ne3A_894 : i1
        %add3A_901 = arith.addi %rem3A_892, %select_n3A_891 : i32
        %select_n3A_902 = arith.select %and3A_900, %add3A_901, %rem3A_892 : i32
        %jit3A_903 = arith.constant 256 : i32
        %eq3A_904 = arith.constant 0 : i32
        %eq3A_905 = arith.cmpi eq, %jit3A_903, %eq3A_904 : i32
        %jit3A_906 = arith.constant 1 : i32
        %select_n3A_907 = arith.select %eq3A_905, %jit3A_906, %jit3A_903 : i32
        %rem3A_908 = arith.remsi %add3A_862, %select_n3A_907 : i32
        %ne3A_909 = arith.constant 0 : i32
        %ne3A_910 = arith.cmpi ne, %rem3A_908, %ne3A_909 : i32
        %lt3A_911 = arith.constant 0 : i32
        %lt3A_912 = arith.cmpi slt, %rem3A_908, %lt3A_911 : i32
        %lt3A_913 = arith.constant 0 : i32
        %lt3A_914 = arith.cmpi slt, %select_n3A_907, %lt3A_913 : i32
        %ne3A_915 = arith.xori %lt3A_912, %lt3A_914 : i1
        %and3A_916 = arith.andi %ne3A_915, %ne3A_910 : i1
        %add3A_917 = arith.addi %rem3A_908, %select_n3A_907 : i32
        %select_n3A_918 = arith.select %and3A_916, %add3A_917, %rem3A_908 : i32
        %dma_start3A_919 = arith.constant 100 : i32
        %dma_start3A_920 = arith.constant 0 : i32
        %dma_start3A_921 = tpu.memref_slice %arg6[%dma_start3A_919, %dma_start3A_920] : memref<200x64xf32, #tpu.memory_space<vmem>> -> memref<100x64xf32, #tpu.memory_space<vmem>>
        %dma_start3A_922 = arith.constant 0 : i32
        %dma_start3A_923 = tpu.memref_slice %arg5[%select_n3A_902, %select_n3A_918, %dma_start3A_922] : memref<2x256x100xi32, #tpu.memory_space<vmem>> -> memref<1x1x100xi32, #tpu.memory_space<vmem>>
        %dma_start3A_924 = tpu.memref_squeeze %dma_start3A_923 : memref<1x1x100xi32, #tpu.memory_space<vmem>> -> memref<100xi32, #tpu.memory_space<vmem>>
        %dma_start3A_925 = arith.constant 0 : i32
        %dma_start3A_926 = arith.constant 0 : i32
        %dma_start3A_927 = tpu.memref_slice %arg3[%dma_start3A_925, %dma_start3A_926] : memref<1000000x64xf32, #tpu.memory_space<hbm>> -> memref<1000000x64xf32, #tpu.memory_space<hbm>>
        tpu.enqueue_indirect_dma source(%dma_start3A_927 : memref<1000000x64xf32, #tpu.memory_space<hbm>>) target(%dma_start3A_921 : memref<100x64xf32, #tpu.memory_space<vmem>>) offsets(%dma_start3A_924 : memref<100xi32, #tpu.memory_space<vmem>>) semaphore(%arg11 : memref<!tpu.dma_semaphore, #tpu.memory_space<semaphore_mem>>)
      } else {
      }
      %dma_wait3A_412 = arith.constant 0 : i32
      %dma_wait3A_413 = arith.constant 0 : i32
      %dma_wait3A_414 = tpu.memref_slice %arg3[%dma_wait3A_412, %dma_wait3A_413] : memref<1000000x64xf32, #tpu.memory_space<hbm>> -> memref<200x64xf32, #tpu.memory_space<hbm>>
      %dma_wait3A_415 = arith.constant 0 : i32
      %dma_wait3A_416 = arith.constant 0 : i32
      %dma_wait3A_417 = tpu.memref_slice %arg3[%dma_wait3A_415, %dma_wait3A_416] : memref<1000000x64xf32, #tpu.memory_space<hbm>> -> memref<200x64xf32, #tpu.memory_space<hbm>>
      tpu.wait_dma2 semaphore(%arg12 : memref<!tpu.dma_semaphore, #tpu.memory_space<semaphore_mem>>) src(%dma_wait3A_417 : memref<200x64xf32, #tpu.memory_space<hbm>>) dst(%arg7 : memref<200x64xf32, #tpu.memory_space<vmem>>)
      %add3A_418 = arith.constant 1 : i32
      %add3A_419 = arith.addi %mul3A_116, %add3A_418 : i32
      %broadcast_in_dim3A_420 = arith.constant 0.000000e+00 : f32
      %broadcast_in_dim3A_421 = vector.broadcast %broadcast_in_dim3A_420 : f32 to vector<16xf32>
      %scan3A_422 = arith.constant 0 : i32
      %scan3A_423 = arith.constant 25 : i32
      %scan3A_424 = arith.addi %scan3A_422, %scan3A_423 : i32
      %scan3A_425 = arith.constant 1 : i32
      %scan3A_426:8 = scf.for %scan3A_788 = %scan3A_422 to %scan3A_424 step %scan3A_425 iter_args(%scan3A_789 = %broadcast_in_dim3A_421, %scan3A_790 = %broadcast_in_dim3A_421, %scan3A_791 = %broadcast_in_dim3A_421, %scan3A_792 = %broadcast_in_dim3A_421, %scan3A_793 = %broadcast_in_dim3A_421, %scan3A_794 = %broadcast_in_dim3A_421, %scan3A_795 = %broadcast_in_dim3A_421, %scan3A_796 = %broadcast_in_dim3A_421) -> (vector<16xf32>, vector<16xf32>, vector<16xf32>, vector<16xf32>, vector<16xf32>, vector<16xf32>, vector<16xf32>, vector<16xf32>)  : i32 {
        %mul3A_797 = arith.constant 8 : i32
        %mul3A_798 = arith.muli %scan3A_788, %mul3A_797 : i32
        %add3A_799 = arith.constant 0 : i32
        %add3A_800 = arith.addi %mul3A_798, %add3A_799 : i32
        %get3A = arith.index_cast %add3A_800 : i32 to index
        %get3A_801 = arith.constant 0 : index
        %get3A_802 = tpu.vector_load %arg7[%get3A, %get3A_801] {strides = array<i32>} : memref<200x64xf32, #tpu.memory_space<vmem>>, vector<1x16xf32>,
        %get3A_803 = vector.shape_cast %get3A_802 : vector<1x16xf32> to vector<16xf32>
        %add3A_804 = arith.addf %scan3A_789, %get3A_803 : vector<16xf32>
        %get3A_805 = arith.index_cast %add3A_800 : i32 to index
        %get3A_806 = arith.constant 16 : index
        %get3A_807 = tpu.vector_load %arg7[%get3A_805, %get3A_806] {strides = array<i32>} : memref<200x64xf32, #tpu.memory_space<vmem>>, vector<1x16xf32>,
        %get3A_808 = vector.shape_cast %get3A_807 : vector<1x16xf32> to vector<16xf32>
        %add3A_809 = arith.addf %scan3A_790, %get3A_808 : vector<16xf32>
        %get3A_810 = arith.index_cast %add3A_800 : i32 to index
        %get3A_811 = arith.constant 32 : index
        %get3A_812 = tpu.vector_load %arg7[%get3A_810, %get3A_811] {strides = array<i32>} : memref<200x64xf32, #tpu.memory_space<vmem>>, vector<1x16xf32>,
        %get3A_813 = vector.shape_cast %get3A_812 : vector<1x16xf32> to vector<16xf32>
        %add3A_814 = arith.addf %scan3A_791, %get3A_813 : vector<16xf32>
        %get3A_815 = arith.index_cast %add3A_800 : i32 to index
        %get3A_816 = arith.constant 48 : index
        %get3A_817 = tpu.vector_load %arg7[%get3A_815, %get3A_816] {strides = array<i32>} : memref<200x64xf32, #tpu.memory_space<vmem>>, vector<1x16xf32>,
        %get3A_818 = vector.shape_cast %get3A_817 : vector<1x16xf32> to vector<16xf32>
        %add3A_819 = arith.addf %scan3A_792, %get3A_818 : vector<16xf32>
        %mul3A_820 = arith.constant 8 : i32
        %mul3A_821 = arith.muli %scan3A_788, %mul3A_820 : i32
        %add3A_822 = arith.constant 1 : i32
        %add3A_823 = arith.addi %mul3A_821, %add3A_822 : i32
        %get3A_824 = arith.index_cast %add3A_823 : i32 to index
        %get3A_825 = arith.constant 0 : index
        %get3A_826 = tpu.vector_load %arg7[%get3A_824, %get3A_825] {strides = array<i32>} : memref<200x64xf32, #tpu.memory_space<vmem>>, vector<1x16xf32>,
        %get3A_827 = vector.shape_cast %get3A_826 : vector<1x16xf32> to vector<16xf32>
        %add3A_828 = arith.addf %scan3A_793, %get3A_827 : vector<16xf32>
        %get3A_829 = arith.index_cast %add3A_823 : i32 to index
        %get3A_830 = arith.constant 16 : index
        %get3A_831 = tpu.vector_load %arg7[%get3A_829, %get3A_830] {strides = array<i32>} : memref<200x64xf32, #tpu.memory_space<vmem>>, vector<1x16xf32>,
        %get3A_832 = vector.shape_cast %get3A_831 : vector<1x16xf32> to vector<16xf32>
        %add3A_833 = arith.addf %scan3A_794, %get3A_832 : vector<16xf32>
        %get3A_834 = arith.index_cast %add3A_823 : i32 to index
        %get3A_835 = arith.constant 32 : index
        %get3A_836 = tpu.vector_load %arg7[%get3A_834, %get3A_835] {strides = array<i32>} : memref<200x64xf32, #tpu.memory_space<vmem>>, vector<1x16xf32>,
        %get3A_837 = vector.shape_cast %get3A_836 : vector<1x16xf32> to vector<16xf32>
        %add3A_838 = arith.addf %scan3A_795, %get3A_837 : vector<16xf32>
        %get3A_839 = arith.index_cast %add3A_823 : i32 to index
        %get3A_840 = arith.constant 48 : index
        %get3A_841 = tpu.vector_load %arg7[%get3A_839, %get3A_840] {strides = array<i32>} : memref<200x64xf32, #tpu.memory_space<vmem>>, vector<1x16xf32>,
        %get3A_842 = vector.shape_cast %get3A_841 : vector<1x16xf32> to vector<16xf32>
        %add3A_843 = arith.addf %scan3A_796, %get3A_842 : vector<16xf32>
        %mul3A_844 = arith.constant 8 : i32
        %mul3A_845 = arith.muli %scan3A_788, %mul3A_844 : i32
        %add3A_846 = arith.constant 2 : i32
        %add3A_847 = arith.addi %mul3A_845, %add3A_846 : i32
        %get3A_848 = arith.index_cast %add3A_847 : i32 to index
        %get3A_849 = arith.constant 0 : index
        %get3A_850 = tpu.vector_load %arg7[%get3A_848, %get3A_849] {strides = array<i32>} : memref<200x64xf32, #tpu.memory_space<vmem>>, vector<1x16xf32>,
        %get3A_851 = vector.shape_cast %get3A_850 : vector<1x16xf32> to vector<16xf32>
        %add3A_852 = arith.addf %add3A_804, %get3A_851 : vector<16xf32>
        %get3A_853 = arith.index_cast %add3A_847 : i32 to index
        %get3A_854 = arith.constant 16 : index
        %get3A_855 = tpu.vector_load %arg7[%get3A_853, %get3A_854] {strides = array<i32>} : memref<200x64xf32, #tpu.memory_space<vmem>>, vector<1x16xf32>,
        %get3A_856 = vector.shape_cast %get3A_855 : vector<1x16xf32> to vector<16xf32>
        %add3A_857 = arith.addf %add3A_809, %get3A_856 : vector<16xf32>
        %get3A_858 = arith.index_cast %add3A_847 : i32 to index
        %get3A_859 = arith.constant 32 : index
        %get3A_860 = tpu.vector_load %arg7[%get3A_858, %get3A_859] {strides = array<i32>} : memref<200x64xf32, #tpu.memory_space<vmem>>, vector<1x16xf32>,
        %get3A_861 = vector.shape_cast %get3A_860 : vector<1x16xf32> to vector<16xf32>
        %add3A_862 = arith.addf %add3A_814, %get3A_861 : vector<16xf32>
        %get3A_863 = arith.index_cast %add3A_847 : i32 to index
        %get3A_864 = arith.constant 48 : index
        %get3A_865 = tpu.vector_load %arg7[%get3A_863, %get3A_864] {strides = array<i32>} : memref<200x64xf32, #tpu.memory_space<vmem>>, vector<1x16xf32>,
        %get3A_866 = vector.shape_cast %get3A_865 : vector<1x16xf32> to vector<16xf32>
        %add3A_867 = arith.addf %add3A_819, %get3A_866 : vector<16xf32>
        %mul3A_868 = arith.constant 8 : i32
        %mul3A_869 = arith.muli %scan3A_788, %mul3A_868 : i32
        %add3A_870 = arith.constant 3 : i32
        %add3A_871 = arith.addi %mul3A_869, %add3A_870 : i32
        %get3A_872 = arith.index_cast %add3A_871 : i32 to index
        %get3A_873 = arith.constant 0 : index
        %get3A_874 = tpu.vector_load %arg7[%get3A_872, %get3A_873] {strides = array<i32>} : memref<200x64xf32, #tpu.memory_space<vmem>>, vector<1x16xf32>,
        %get3A_875 = vector.shape_cast %get3A_874 : vector<1x16xf32> to vector<16xf32>
        %add3A_876 = arith.addf %add3A_828, %get3A_875 : vector<16xf32>
        %get3A_877 = arith.index_cast %add3A_871 : i32 to index
        %get3A_878 = arith.constant 16 : index
        %get3A_879 = tpu.vector_load %arg7[%get3A_877, %get3A_878] {strides = array<i32>} : memref<200x64xf32, #tpu.memory_space<vmem>>, vector<1x16xf32>,
        %get3A_880 = vector.shape_cast %get3A_879 : vector<1x16xf32> to vector<16xf32>
        %add3A_881 = arith.addf %add3A_833, %get3A_880 : vector<16xf32>
        %get3A_882 = arith.index_cast %add3A_871 : i32 to index
        %get3A_883 = arith.constant 32 : index
        %get3A_884 = tpu.vector_load %arg7[%get3A_882, %get3A_883] {strides = array<i32>} : memref<200x64xf32, #tpu.memory_space<vmem>>, vector<1x16xf32>,
        %get3A_885 = vector.shape_cast %get3A_884 : vector<1x16xf32> to vector<16xf32>
        %add3A_886 = arith.addf %add3A_838, %get3A_885 : vector<16xf32>
        %get3A_887 = arith.index_cast %add3A_871 : i32 to index
        %get3A_888 = arith.constant 48 : index
        %get3A_889 = tpu.vector_load %arg7[%get3A_887, %get3A_888] {strides = array<i32>} : memref<200x64xf32, #tpu.memory_space<vmem>>, vector<1x16xf32>,
        %get3A_890 = vector.shape_cast %get3A_889 : vector<1x16xf32> to vector<16xf32>
        %add3A_891 = arith.addf %add3A_843, %get3A_890 : vector<16xf32>
        %mul3A_892 = arith.constant 8 : i32
        %mul3A_893 = arith.muli %scan3A_788, %mul3A_892 : i32
        %add3A_894 = arith.constant 4 : i32
        %add3A_895 = arith.addi %mul3A_893, %add3A_894 : i32
        %get3A_896 = arith.index_cast %add3A_895 : i32 to index
        %get3A_897 = arith.constant 0 : index
        %get3A_898 = tpu.vector_load %arg7[%get3A_896, %get3A_897] {strides = array<i32>} : memref<200x64xf32, #tpu.memory_space<vmem>>, vector<1x16xf32>,
        %get3A_899 = vector.shape_cast %get3A_898 : vector<1x16xf32> to vector<16xf32>
        %add3A_900 = arith.addf %add3A_852, %get3A_899 : vector<16xf32>
        %get3A_901 = arith.index_cast %add3A_895 : i32 to index
        %get3A_902 = arith.constant 16 : index
        %get3A_903 = tpu.vector_load %arg7[%get3A_901, %get3A_902] {strides = array<i32>} : memref<200x64xf32, #tpu.memory_space<vmem>>, vector<1x16xf32>,
        %get3A_904 = vector.shape_cast %get3A_903 : vector<1x16xf32> to vector<16xf32>
        %add3A_905 = arith.addf %add3A_857, %get3A_904 : vector<16xf32>
        %get3A_906 = arith.index_cast %add3A_895 : i32 to index
        %get3A_907 = arith.constant 32 : index
        %get3A_908 = tpu.vector_load %arg7[%get3A_906, %get3A_907] {strides = array<i32>} : memref<200x64xf32, #tpu.memory_space<vmem>>, vector<1x16xf32>,
        %get3A_909 = vector.shape_cast %get3A_908 : vector<1x16xf32> to vector<16xf32>
        %add3A_910 = arith.addf %add3A_862, %get3A_909 : vector<16xf32>
        %get3A_911 = arith.index_cast %add3A_895 : i32 to index
        %get3A_912 = arith.constant 48 : index
        %get3A_913 = tpu.vector_load %arg7[%get3A_911, %get3A_912] {strides = array<i32>} : memref<200x64xf32, #tpu.memory_space<vmem>>, vector<1x16xf32>,
        %get3A_914 = vector.shape_cast %get3A_913 : vector<1x16xf32> to vector<16xf32>
        %add3A_915 = arith.addf %add3A_867, %get3A_914 : vector<16xf32>
        %mul3A_916 = arith.constant 8 : i32
        %mul3A_917 = arith.muli %scan3A_788, %mul3A_916 : i32
        %add3A_918 = arith.constant 5 : i32
        %add3A_919 = arith.addi %mul3A_917, %add3A_918 : i32
        %get3A_920 = arith.index_cast %add3A_919 : i32 to index
        %get3A_921 = arith.constant 0 : index
        %get3A_922 = tpu.vector_load %arg7[%get3A_920, %get3A_921] {strides = array<i32>} : memref<200x64xf32, #tpu.memory_space<vmem>>, vector<1x16xf32>,
        %get3A_923 = vector.shape_cast %get3A_922 : vector<1x16xf32> to vector<16xf32>
        %add3A_924 = arith.addf %add3A_876, %get3A_923 : vector<16xf32>
        %get3A_925 = arith.index_cast %add3A_919 : i32 to index
        %get3A_926 = arith.constant 16 : index
        %get3A_927 = tpu.vector_load %arg7[%get3A_925, %get3A_926] {strides = array<i32>} : memref<200x64xf32, #tpu.memory_space<vmem>>, vector<1x16xf32>,
        %get3A_928 = vector.shape_cast %get3A_927 : vector<1x16xf32> to vector<16xf32>
        %add3A_929 = arith.addf %add3A_881, %get3A_928 : vector<16xf32>
        %get3A_930 = arith.index_cast %add3A_919 : i32 to index
        %get3A_931 = arith.constant 32 : index
        %get3A_932 = tpu.vector_load %arg7[%get3A_930, %get3A_931] {strides = array<i32>} : memref<200x64xf32, #tpu.memory_space<vmem>>, vector<1x16xf32>,
        %get3A_933 = vector.shape_cast %get3A_932 : vector<1x16xf32> to vector<16xf32>
        %add3A_934 = arith.addf %add3A_886, %get3A_933 : vector<16xf32>
        %get3A_935 = arith.index_cast %add3A_919 : i32 to index
        %get3A_936 = arith.constant 48 : index
        %get3A_937 = tpu.vector_load %arg7[%get3A_935, %get3A_936] {strides = array<i32>} : memref<200x64xf32, #tpu.memory_space<vmem>>, vector<1x16xf32>,
        %get3A_938 = vector.shape_cast %get3A_937 : vector<1x16xf32> to vector<16xf32>
        %add3A_939 = arith.addf %add3A_891, %get3A_938 : vector<16xf32>
        %mul3A_940 = arith.constant 8 : i32
        %mul3A_941 = arith.muli %scan3A_788, %mul3A_940 : i32
        %add3A_942 = arith.constant 6 : i32
        %add3A_943 = arith.addi %mul3A_941, %add3A_942 : i32
        %get3A_944 = arith.index_cast %add3A_943 : i32 to index
        %get3A_945 = arith.constant 0 : index
        %get3A_946 = tpu.vector_load %arg7[%get3A_944, %get3A_945] {strides = array<i32>} : memref<200x64xf32, #tpu.memory_space<vmem>>, vector<1x16xf32>,
        %get3A_947 = vector.shape_cast %get3A_946 : vector<1x16xf32> to vector<16xf32>
        %add3A_948 = arith.addf %add3A_900, %get3A_947 : vector<16xf32>
        %get3A_949 = arith.index_cast %add3A_943 : i32 to index
        %get3A_950 = arith.constant 16 : index
        %get3A_951 = tpu.vector_load %arg7[%get3A_949, %get3A_950] {strides = array<i32>} : memref<200x64xf32, #tpu.memory_space<vmem>>, vector<1x16xf32>,
        %get3A_952 = vector.shape_cast %get3A_951 : vector<1x16xf32> to vector<16xf32>
        %add3A_953 = arith.addf %add3A_905, %get3A_952 : vector<16xf32>
        %get3A_954 = arith.index_cast %add3A_943 : i32 to index
        %get3A_955 = arith.constant 32 : index
        %get3A_956 = tpu.vector_load %arg7[%get3A_954, %get3A_955] {strides = array<i32>} : memref<200x64xf32, #tpu.memory_space<vmem>>, vector<1x16xf32>,
        %get3A_957 = vector.shape_cast %get3A_956 : vector<1x16xf32> to vector<16xf32>
        %add3A_958 = arith.addf %add3A_910, %get3A_957 : vector<16xf32>
        %get3A_959 = arith.index_cast %add3A_943 : i32 to index
        %get3A_960 = arith.constant 48 : index
        %get3A_961 = tpu.vector_load %arg7[%get3A_959, %get3A_960] {strides = array<i32>} : memref<200x64xf32, #tpu.memory_space<vmem>>, vector<1x16xf32>,
        %get3A_962 = vector.shape_cast %get3A_961 : vector<1x16xf32> to vector<16xf32>
        %add3A_963 = arith.addf %add3A_915, %get3A_962 : vector<16xf32>
        %mul3A_964 = arith.constant 8 : i32
        %mul3A_965 = arith.muli %scan3A_788, %mul3A_964 : i32
        %add3A_966 = arith.constant 7 : i32
        %add3A_967 = arith.addi %mul3A_965, %add3A_966 : i32
        %get3A_968 = arith.index_cast %add3A_967 : i32 to index
        %get3A_969 = arith.constant 0 : index
        %get3A_970 = tpu.vector_load %arg7[%get3A_968, %get3A_969] {strides = array<i32>} : memref<200x64xf32, #tpu.memory_space<vmem>>, vector<1x16xf32>,
        %get3A_971 = vector.shape_cast %get3A_970 : vector<1x16xf32> to vector<16xf32>
        %add3A_972 = arith.addf %add3A_924, %get3A_971 : vector<16xf32>
        %get3A_973 = arith.index_cast %add3A_967 : i32 to index
        %get3A_974 = arith.constant 16 : index
        %get3A_975 = tpu.vector_load %arg7[%get3A_973, %get3A_974] {strides = array<i32>} : memref<200x64xf32, #tpu.memory_space<vmem>>, vector<1x16xf32>,
        %get3A_976 = vector.shape_cast %get3A_975 : vector<1x16xf32> to vector<16xf32>
        %add3A_977 = arith.addf %add3A_929, %get3A_976 : vector<16xf32>
        %get3A_978 = arith.index_cast %add3A_967 : i32 to index
        %get3A_979 = arith.constant 32 : index
        %get3A_980 = tpu.vector_load %arg7[%get3A_978, %get3A_979] {strides = array<i32>} : memref<200x64xf32, #tpu.memory_space<vmem>>, vector<1x16xf32>,
        %get3A_981 = vector.shape_cast %get3A_980 : vector<1x16xf32> to vector<16xf32>
        %add3A_982 = arith.addf %add3A_934, %get3A_981 : vector<16xf32>
        %get3A_983 = arith.index_cast %add3A_967 : i32 to index
        %get3A_984 = arith.constant 48 : index
        %get3A_985 = tpu.vector_load %arg7[%get3A_983, %get3A_984] {strides = array<i32>} : memref<200x64xf32, #tpu.memory_space<vmem>>, vector<1x16xf32>,
        %get3A_986 = vector.shape_cast %get3A_985 : vector<1x16xf32> to vector<16xf32>
        %add3A_987 = arith.addf %add3A_939, %get3A_986 : vector<16xf32>
        scf.yield %add3A_948, %add3A_953, %add3A_958, %add3A_963, %add3A_972, %add3A_977, %add3A_982, %add3A_987 : vector<16xf32>, vector<16xf32>, vector<16xf32>, vector<16xf32>, vector<16xf32>, vector<16xf32>, vector<16xf32>, vector<16xf32>
      }
      %scan3A_427 = arith.constant 25 : i32
      %add3A_428 = arith.addf %scan3A_426#0, %scan3A_426#4 : vector<16xf32>
      %add3A_429 = arith.addf %scan3A_426#1, %scan3A_426#5 : vector<16xf32>
      %add3A_430 = arith.addf %scan3A_426#2, %scan3A_426#6 : vector<16xf32>
      %add3A_431 = arith.addf %scan3A_426#3, %scan3A_426#7 : vector<16xf32>
      %mul3A_432 = vector.broadcast %scan3A : f32 to vector<16xf32>
      %mul3A_433 = arith.mulf %add3A_428, %mul3A_432 : vector<16xf32>
      %jit3A_434 = arith.constant 8 : i32
      %eq3A_435 = arith.constant 0 : i32
      %eq3A_436 = arith.cmpi eq, %jit3A_434, %eq3A_435 : i32
      %jit3A_437 = arith.constant 1 : i32
      %select_n3A_438 = arith.select %eq3A_436, %jit3A_437, %jit3A_434 : i32
      %rem3A_439 = arith.remsi %add3A_419, %select_n3A_438 : i32
      %ne3A_440 = arith.constant 0 : i32
      %ne3A_441 = arith.cmpi ne, %rem3A_439, %ne3A_440 : i32
      %lt3A_442 = arith.constant 0 : i32
      %lt3A_443 = arith.cmpi slt, %rem3A_439, %lt3A_442 : i32
      %lt3A_444 = arith.constant 0 : i32
      %lt3A_445 = arith.cmpi slt, %select_n3A_438, %lt3A_444 : i32
      %ne3A_446 = arith.xori %lt3A_443, %lt3A_445 : i1
      %and3A_447 = arith.andi %ne3A_446, %ne3A_441 : i1
      %add3A_448 = arith.addi %rem3A_439, %select_n3A_438 : i32
      %select_n3A_449 = arith.select %and3A_447, %add3A_448, %rem3A_439 : i32
      %swap3A_450 = arith.index_cast %select_n3A_449 : i32 to index
      %swap3A_451 = arith.constant 0 : index
      %swap3A_452 = tpu.vector_load %arg10[%swap3A_450, %swap3A_451] {strides = array<i32>} : memref<8x64xf32, #tpu.memory_space<vmem>>, vector<1x16xf32>,
      %swap3A_453 = vector.shape_cast %swap3A_452 : vector<1x16xf32> to vector<16xf32>
      %swap3A_454 = vector.shape_cast %mul3A_433 : vector<16xf32> to vector<1x16xf32>
      tpu.vector_store %arg10[%swap3A_450, %swap3A_451], %swap3A_454 {strides = array<i32>} : memref<8x64xf32, #tpu.memory_space<vmem>>, vector<1x16xf32>,
      %mul3A_455 = vector.broadcast %scan3A : f32 to vector<16xf32>
      %mul3A_456 = arith.mulf %add3A_429, %mul3A_455 : vector<16xf32>
      %jit3A_457 = arith.constant 8 : i32
      %eq3A_458 = arith.constant 0 : i32
      %eq3A_459 = arith.cmpi eq, %jit3A_457, %eq3A_458 : i32
      %jit3A_460 = arith.constant 1 : i32
      %select_n3A_461 = arith.select %eq3A_459, %jit3A_460, %jit3A_457 : i32
      %rem3A_462 = arith.remsi %add3A_419, %select_n3A_461 : i32
      %ne3A_463 = arith.constant 0 : i32
      %ne3A_464 = arith.cmpi ne, %rem3A_462, %ne3A_463 : i32
      %lt3A_465 = arith.constant 0 : i32
      %lt3A_466 = arith.cmpi slt, %rem3A_462, %lt3A_465 : i32
      %lt3A_467 = arith.constant 0 : i32
      %lt3A_468 = arith.cmpi slt, %select_n3A_461, %lt3A_467 : i32
      %ne3A_469 = arith.xori %lt3A_466, %lt3A_468 : i1
      %and3A_470 = arith.andi %ne3A_469, %ne3A_464 : i1
      %add3A_471 = arith.addi %rem3A_462, %select_n3A_461 : i32
      %select_n3A_472 = arith.select %and3A_470, %add3A_471, %rem3A_462 : i32
      %swap3A_473 = arith.index_cast %select_n3A_472 : i32 to index
      %swap3A_474 = arith.constant 16 : index
      %swap3A_475 = tpu.vector_load %arg10[%swap3A_473, %swap3A_474] {strides = array<i32>} : memref<8x64xf32, #tpu.memory_space<vmem>>, vector<1x16xf32>,
      %swap3A_476 = vector.shape_cast %swap3A_475 : vector<1x16xf32> to vector<16xf32>
      %swap3A_477 = vector.shape_cast %mul3A_456 : vector<16xf32> to vector<1x16xf32>
      tpu.vector_store %arg10[%swap3A_473, %swap3A_474], %swap3A_477 {strides = array<i32>} : memref<8x64xf32, #tpu.memory_space<vmem>>, vector<1x16xf32>,
      %mul3A_478 = vector.broadcast %scan3A : f32 to vector<16xf32>
      %mul3A_479 = arith.mulf %add3A_430, %mul3A_478 : vector<16xf32>
      %jit3A_480 = arith.constant 8 : i32
      %eq3A_481 = arith.constant 0 : i32
      %eq3A_482 = arith.cmpi eq, %jit3A_480, %eq3A_481 : i32
      %jit3A_483 = arith.constant 1 : i32
      %select_n3A_484 = arith.select %eq3A_482, %jit3A_483, %jit3A_480 : i32
      %rem3A_485 = arith.remsi %add3A_419, %select_n3A_484 : i32
      %ne3A_486 = arith.constant 0 : i32
      %ne3A_487 = arith.cmpi ne, %rem3A_485, %ne3A_486 : i32
      %lt3A_488 = arith.constant 0 : i32
      %lt3A_489 = arith.cmpi slt, %rem3A_485, %lt3A_488 : i32
      %lt3A_490 = arith.constant 0 : i32
      %lt3A_491 = arith.cmpi slt, %select_n3A_484, %lt3A_490 : i32
      %ne3A_492 = arith.xori %lt3A_489, %lt3A_491 : i1
      %and3A_493 = arith.andi %ne3A_492, %ne3A_487 : i1
      %add3A_494 = arith.addi %rem3A_485, %select_n3A_484 : i32
      %select_n3A_495 = arith.select %and3A_493, %add3A_494, %rem3A_485 : i32
      %swap3A_496 = arith.index_cast %select_n3A_495 : i32 to index
      %swap3A_497 = arith.constant 32 : index
      %swap3A_498 = tpu.vector_load %arg10[%swap3A_496, %swap3A_497] {strides = array<i32>} : memref<8x64xf32, #tpu.memory_space<vmem>>, vector<1x16xf32>,
      %swap3A_499 = vector.shape_cast %swap3A_498 : vector<1x16xf32> to vector<16xf32>
      %swap3A_500 = vector.shape_cast %mul3A_479 : vector<16xf32> to vector<1x16xf32>
      tpu.vector_store %arg10[%swap3A_496, %swap3A_497], %swap3A_500 {strides = array<i32>} : memref<8x64xf32, #tpu.memory_space<vmem>>, vector<1x16xf32>,
      %mul3A_501 = vector.broadcast %scan3A : f32 to vector<16xf32>
      %mul3A_502 = arith.mulf %add3A_431, %mul3A_501 : vector<16xf32>
      %jit3A_503 = arith.constant 8 : i32
      %eq3A_504 = arith.constant 0 : i32
      %eq3A_505 = arith.cmpi eq, %jit3A_503, %eq3A_504 : i32
      %jit3A_506 = arith.constant 1 : i32
      %select_n3A_507 = arith.select %eq3A_505, %jit3A_506, %jit3A_503 : i32
      %rem3A_508 = arith.remsi %add3A_419, %select_n3A_507 : i32
      %ne3A_509 = arith.constant 0 : i32
      %ne3A_510 = arith.cmpi ne, %rem3A_508, %ne3A_509 : i32
      %lt3A_511 = arith.constant 0 : i32
      %lt3A_512 = arith.cmpi slt, %rem3A_508, %lt3A_511 : i32
      %lt3A_513 = arith.constant 0 : i32
      %lt3A_514 = arith.cmpi slt, %select_n3A_507, %lt3A_513 : i32
      %ne3A_515 = arith.xori %lt3A_512, %lt3A_514 : i1
      %and3A_516 = arith.andi %ne3A_515, %ne3A_510 : i1
      %add3A_517 = arith.addi %rem3A_508, %select_n3A_507 : i32
      %select_n3A_518 = arith.select %and3A_516, %add3A_517, %rem3A_508 : i32
      %swap3A_519 = arith.index_cast %select_n3A_518 : i32 to index
      %swap3A_520 = arith.constant 48 : index
      %swap3A_521 = tpu.vector_load %arg10[%swap3A_519, %swap3A_520] {strides = array<i32>} : memref<8x64xf32, #tpu.memory_space<vmem>>, vector<1x16xf32>,
      %swap3A_522 = vector.shape_cast %swap3A_521 : vector<1x16xf32> to vector<16xf32>
      %swap3A_523 = vector.shape_cast %mul3A_502 : vector<16xf32> to vector<1x16xf32>
      tpu.vector_store %arg10[%swap3A_519, %swap3A_520], %swap3A_523 {strides = array<i32>} : memref<8x64xf32, #tpu.memory_space<vmem>>, vector<1x16xf32>,
      %lt3A_524 = arith.constant 127 : i32
      %lt3A_525 = arith.cmpi slt, %scan3A_113, %lt3A_524 : i32
      %convert_element_type3A_526 = arith.extui %lt3A_525 : i1 to i32
      %cond3A_527 = arith.constant 0 : i32
      %cond3A_528 = arith.cmpi ne, %convert_element_type3A_526, %cond3A_527 : i32
      scf.if %cond3A_528 {
        %add3A_788 = arith.constant 5 : i32
        %add3A_789 = arith.addi %mul3A_116, %add3A_788 : i32
        %mul3A_790 = arith.constant 2 : i32
        %mul3A_791 = arith.muli %mul3A_790, %add3A_789 : i32
        %add3A_792 = arith.constant 0 : i32
        %add3A_793 = arith.addi %mul3A_791, %add3A_792 : i32
        %jit3A_794 = arith.constant 256 : i32
        %div3A_795 = arith.divsi %add3A_793, %jit3A_794 : i32
        %sign3A_796 = arith.constant 0 : i32
        %sign3A_797 = arith.cmpi sgt, %add3A_793, %sign3A_796 : i32
        %sign3A_798 = arith.extui %sign3A_797 : i1 to i32
        %sign3A_799 = arith.constant 0 : i32
        %sign3A_800 = arith.cmpi slt, %add3A_793, %sign3A_799 : i32
        %sign3A_801 = arith.extui %sign3A_800 : i1 to i32
        %sign3A_802 = arith.subi %sign3A_798, %sign3A_801 : i32
        %sign3A_803 = arith.constant 0 : i32
        %sign3A_804 = arith.cmpi sgt, %jit3A_794, %sign3A_803 : i32
        %sign3A_805 = arith.extui %sign3A_804 : i1 to i32
        %sign3A_806 = arith.constant 0 : i32
        %sign3A_807 = arith.cmpi slt, %jit3A_794, %sign3A_806 : i32
        %sign3A_808 = arith.extui %sign3A_807 : i1 to i32
        %sign3A_809 = arith.subi %sign3A_805, %sign3A_808 : i32
        %ne3A_810 = arith.cmpi ne, %sign3A_802, %sign3A_809 : i32
        %rem3A_811 = arith.remsi %add3A_793, %jit3A_794 : i32
        %ne3A_812 = arith.constant 0 : i32
        %ne3A_813 = arith.cmpi ne, %rem3A_811, %ne3A_812 : i32
        %and3A_814 = arith.andi %ne3A_810, %ne3A_813 : i1
        %sub3A_815 = arith.constant 1 : i32
        %sub3A_816 = arith.subi %div3A_795, %sub3A_815 : i32
        %select_n3A_817 = arith.select %and3A_814, %sub3A_816, %div3A_795 : i32
        %jit3A_818 = arith.constant 2 : i32
        %eq3A_819 = arith.constant 0 : i32
        %eq3A_820 = arith.cmpi eq, %jit3A_818, %eq3A_819 : i32
        %jit3A_821 = arith.constant 1 : i32
        %select_n3A_822 = arith.select %eq3A_820, %jit3A_821, %jit3A_818 : i32
        %rem3A_823 = arith.remsi %select_n3A_817, %select_n3A_822 : i32
        %ne3A_824 = arith.constant 0 : i32
        %ne3A_825 = arith.cmpi ne, %rem3A_823, %ne3A_824 : i32
        %lt3A_826 = arith.constant 0 : i32
        %lt3A_827 = arith.cmpi slt, %rem3A_823, %lt3A_826 : i32
        %lt3A_828 = arith.constant 0 : i32
        %lt3A_829 = arith.cmpi slt, %select_n3A_822, %lt3A_828 : i32
        %ne3A_830 = arith.xori %lt3A_827, %lt3A_829 : i1
        %and3A_831 = arith.andi %ne3A_830, %ne3A_825 : i1
        %add3A_832 = arith.addi %rem3A_823, %select_n3A_822 : i32
        %select_n3A_833 = arith.select %and3A_831, %add3A_832, %rem3A_823 : i32
        %jit3A_834 = arith.constant 256 : i32
        %eq3A_835 = arith.constant 0 : i32
        %eq3A_836 = arith.cmpi eq, %jit3A_834, %eq3A_835 : i32
        %jit3A_837 = arith.constant 1 : i32
        %select_n3A_838 = arith.select %eq3A_836, %jit3A_837, %jit3A_834 : i32
        %rem3A_839 = arith.remsi %add3A_793, %select_n3A_838 : i32
        %ne3A_840 = arith.constant 0 : i32
        %ne3A_841 = arith.cmpi ne, %rem3A_839, %ne3A_840 : i32
        %lt3A_842 = arith.constant 0 : i32
        %lt3A_843 = arith.cmpi slt, %rem3A_839, %lt3A_842 : i32
        %lt3A_844 = arith.constant 0 : i32
        %lt3A_845 = arith.cmpi slt, %select_n3A_838, %lt3A_844 : i32
        %ne3A_846 = arith.xori %lt3A_843, %lt3A_845 : i1
        %and3A_847 = arith.andi %ne3A_846, %ne3A_841 : i1
        %add3A_848 = arith.addi %rem3A_839, %select_n3A_838 : i32
        %select_n3A_849 = arith.select %and3A_847, %add3A_848, %rem3A_839 : i32
        %dma_start3A_850 = arith.constant 0 : i32
        %dma_start3A_851 = arith.constant 0 : i32
        %dma_start3A_852 = tpu.memref_slice %arg7[%dma_start3A_850, %dma_start3A_851] : memref<200x64xf32, #tpu.memory_space<vmem>> -> memref<100x64xf32, #tpu.memory_space<vmem>>
        %dma_start3A_853 = arith.constant 0 : i32
        %dma_start3A_854 = tpu.memref_slice %arg5[%select_n3A_833, %select_n3A_849, %dma_start3A_853] : memref<2x256x100xi32, #tpu.memory_space<vmem>> -> memref<1x1x100xi32, #tpu.memory_space<vmem>>
        %dma_start3A_855 = tpu.memref_squeeze %dma_start3A_854 : memref<1x1x100xi32, #tpu.memory_space<vmem>> -> memref<100xi32, #tpu.memory_space<vmem>>
        %dma_start3A_856 = arith.constant 0 : i32
        %dma_start3A_857 = arith.constant 0 : i32
        %dma_start3A_858 = tpu.memref_slice %arg3[%dma_start3A_856, %dma_start3A_857] : memref<1000000x64xf32, #tpu.memory_space<hbm>> -> memref<1000000x64xf32, #tpu.memory_space<hbm>>
        tpu.enqueue_indirect_dma source(%dma_start3A_858 : memref<1000000x64xf32, #tpu.memory_space<hbm>>) target(%dma_start3A_852 : memref<100x64xf32, #tpu.memory_space<vmem>>) offsets(%dma_start3A_855 : memref<100xi32, #tpu.memory_space<vmem>>) semaphore(%arg12 : memref<!tpu.dma_semaphore, #tpu.memory_space<semaphore_mem>>)
        %mul3A_859 = arith.constant 2 : i32
        %mul3A_860 = arith.muli %mul3A_859, %add3A_789 : i32
        %add3A_861 = arith.constant 1 : i32
        %add3A_862 = arith.addi %mul3A_860, %add3A_861 : i32
        %jit3A_863 = arith.constant 256 : i32
        %div3A_864 = arith.divsi %add3A_862, %jit3A_863 : i32
        %sign3A_865 = arith.constant 0 : i32
        %sign3A_866 = arith.cmpi sgt, %add3A_862, %sign3A_865 : i32
        %sign3A_867 = arith.extui %sign3A_866 : i1 to i32
        %sign3A_868 = arith.constant 0 : i32
        %sign3A_869 = arith.cmpi slt, %add3A_862, %sign3A_868 : i32
        %sign3A_870 = arith.extui %sign3A_869 : i1 to i32
        %sign3A_871 = arith.subi %sign3A_867, %sign3A_870 : i32
        %sign3A_872 = arith.constant 0 : i32
        %sign3A_873 = arith.cmpi sgt, %jit3A_863, %sign3A_872 : i32
        %sign3A_874 = arith.extui %sign3A_873 : i1 to i32
        %sign3A_875 = arith.constant 0 : i32
        %sign3A_876 = arith.cmpi slt, %jit3A_863, %sign3A_875 : i32
        %sign3A_877 = arith.extui %sign3A_876 : i1 to i32
        %sign3A_878 = arith.subi %sign3A_874, %sign3A_877 : i32
        %ne3A_879 = arith.cmpi ne, %sign3A_871, %sign3A_878 : i32
        %rem3A_880 = arith.remsi %add3A_862, %jit3A_863 : i32
        %ne3A_881 = arith.constant 0 : i32
        %ne3A_882 = arith.cmpi ne, %rem3A_880, %ne3A_881 : i32
        %and3A_883 = arith.andi %ne3A_879, %ne3A_882 : i1
        %sub3A_884 = arith.constant 1 : i32
        %sub3A_885 = arith.subi %div3A_864, %sub3A_884 : i32
        %select_n3A_886 = arith.select %and3A_883, %sub3A_885, %div3A_864 : i32
        %jit3A_887 = arith.constant 2 : i32
        %eq3A_888 = arith.constant 0 : i32
        %eq3A_889 = arith.cmpi eq, %jit3A_887, %eq3A_888 : i32
        %jit3A_890 = arith.constant 1 : i32
        %select_n3A_891 = arith.select %eq3A_889, %jit3A_890, %jit3A_887 : i32
        %rem3A_892 = arith.remsi %select_n3A_886, %select_n3A_891 : i32
        %ne3A_893 = arith.constant 0 : i32
        %ne3A_894 = arith.cmpi ne, %rem3A_892, %ne3A_893 : i32
        %lt3A_895 = arith.constant 0 : i32
        %lt3A_896 = arith.cmpi slt, %rem3A_892, %lt3A_895 : i32
        %lt3A_897 = arith.constant 0 : i32
        %lt3A_898 = arith.cmpi slt, %select_n3A_891, %lt3A_897 : i32
        %ne3A_899 = arith.xori %lt3A_896, %lt3A_898 : i1
        %and3A_900 = arith.andi %ne3A_899, %ne3A_894 : i1
        %add3A_901 = arith.addi %rem3A_892, %select_n3A_891 : i32
        %select_n3A_902 = arith.select %and3A_900, %add3A_901, %rem3A_892 : i32
        %jit3A_903 = arith.constant 256 : i32
        %eq3A_904 = arith.constant 0 : i32
        %eq3A_905 = arith.cmpi eq, %jit3A_903, %eq3A_904 : i32
        %jit3A_906 = arith.constant 1 : i32
        %select_n3A_907 = arith.select %eq3A_905, %jit3A_906, %jit3A_903 : i32
        %rem3A_908 = arith.remsi %add3A_862, %select_n3A_907 : i32
        %ne3A_909 = arith.constant 0 : i32
        %ne3A_910 = arith.cmpi ne, %rem3A_908, %ne3A_909 : i32
        %lt3A_911 = arith.constant 0 : i32
        %lt3A_912 = arith.cmpi slt, %rem3A_908, %lt3A_911 : i32
        %lt3A_913 = arith.constant 0 : i32
        %lt3A_914 = arith.cmpi slt, %select_n3A_907, %lt3A_913 : i32
        %ne3A_915 = arith.xori %lt3A_912, %lt3A_914 : i1
        %and3A_916 = arith.andi %ne3A_915, %ne3A_910 : i1
        %add3A_917 = arith.addi %rem3A_908, %select_n3A_907 : i32
        %select_n3A_918 = arith.select %and3A_916, %add3A_917, %rem3A_908 : i32
        %dma_start3A_919 = arith.constant 100 : i32
        %dma_start3A_920 = arith.constant 0 : i32
        %dma_start3A_921 = tpu.memref_slice %arg7[%dma_start3A_919, %dma_start3A_920] : memref<200x64xf32, #tpu.memory_space<vmem>> -> memref<100x64xf32, #tpu.memory_space<vmem>>
        %dma_start3A_922 = arith.constant 0 : i32
        %dma_start3A_923 = tpu.memref_slice %arg5[%select_n3A_902, %select_n3A_918, %dma_start3A_922] : memref<2x256x100xi32, #tpu.memory_space<vmem>> -> memref<1x1x100xi32, #tpu.memory_space<vmem>>
        %dma_start3A_924 = tpu.memref_squeeze %dma_start3A_923 : memref<1x1x100xi32, #tpu.memory_space<vmem>> -> memref<100xi32, #tpu.memory_space<vmem>>
        %dma_start3A_925 = arith.constant 0 : i32
        %dma_start3A_926 = arith.constant 0 : i32
        %dma_start3A_927 = tpu.memref_slice %arg3[%dma_start3A_925, %dma_start3A_926] : memref<1000000x64xf32, #tpu.memory_space<hbm>> -> memref<1000000x64xf32, #tpu.memory_space<hbm>>
        tpu.enqueue_indirect_dma source(%dma_start3A_927 : memref<1000000x64xf32, #tpu.memory_space<hbm>>) target(%dma_start3A_921 : memref<100x64xf32, #tpu.memory_space<vmem>>) offsets(%dma_start3A_924 : memref<100xi32, #tpu.memory_space<vmem>>) semaphore(%arg12 : memref<!tpu.dma_semaphore, #tpu.memory_space<semaphore_mem>>)
      } else {
      }
      %dma_wait3A_529 = arith.constant 0 : i32
      %dma_wait3A_530 = arith.constant 0 : i32
      %dma_wait3A_531 = tpu.memref_slice %arg3[%dma_wait3A_529, %dma_wait3A_530] : memref<1000000x64xf32, #tpu.memory_space<hbm>> -> memref<200x64xf32, #tpu.memory_space<hbm>>
      %dma_wait3A_532 = arith.constant 0 : i32
      %dma_wait3A_533 = arith.constant 0 : i32
      %dma_wait3A_534 = tpu.memref_slice %arg3[%dma_wait3A_532, %dma_wait3A_533] : memref<1000000x64xf32, #tpu.memory_space<hbm>> -> memref<200x64xf32, #tpu.memory_space<hbm>>
      tpu.wait_dma2 semaphore(%arg13 : memref<!tpu.dma_semaphore, #tpu.memory_space<semaphore_mem>>) src(%dma_wait3A_534 : memref<200x64xf32, #tpu.memory_space<hbm>>) dst(%arg8 : memref<200x64xf32, #tpu.memory_space<vmem>>)
      %add3A_535 = arith.constant 2 : i32
      %add3A_536 = arith.addi %mul3A_116, %add3A_535 : i32
      %broadcast_in_dim3A_537 = arith.constant 0.000000e+00 : f32
      %broadcast_in_dim3A_538 = vector.broadcast %broadcast_in_dim3A_537 : f32 to vector<16xf32>
      %scan3A_539 = arith.constant 0 : i32
      %scan3A_540 = arith.constant 25 : i32
      %scan3A_541 = arith.addi %scan3A_539, %scan3A_540 : i32
      %scan3A_542 = arith.constant 1 : i32
      %scan3A_543:8 = scf.for %scan3A_788 = %scan3A_539 to %scan3A_541 step %scan3A_542 iter_args(%scan3A_789 = %broadcast_in_dim3A_538, %scan3A_790 = %broadcast_in_dim3A_538, %scan3A_791 = %broadcast_in_dim3A_538, %scan3A_792 = %broadcast_in_dim3A_538, %scan3A_793 = %broadcast_in_dim3A_538, %scan3A_794 = %broadcast_in_dim3A_538, %scan3A_795 = %broadcast_in_dim3A_538, %scan3A_796 = %broadcast_in_dim3A_538) -> (vector<16xf32>, vector<16xf32>, vector<16xf32>, vector<16xf32>, vector<16xf32>, vector<16xf32>, vector<16xf32>, vector<16xf32>)  : i32 {
        %mul3A_797 = arith.constant 8 : i32
        %mul3A_798 = arith.muli %scan3A_788, %mul3A_797 : i32
        %add3A_799 = arith.constant 0 : i32
        %add3A_800 = arith.addi %mul3A_798, %add3A_799 : i32
        %get3A = arith.index_cast %add3A_800 : i32 to index
        %get3A_801 = arith.constant 0 : index
        %get3A_802 = tpu.vector_load %arg8[%get3A, %get3A_801] {strides = array<i32>} : memref<200x64xf32, #tpu.memory_space<vmem>>, vector<1x16xf32>,
        %get3A_803 = vector.shape_cast %get3A_802 : vector<1x16xf32> to vector<16xf32>
        %add3A_804 = arith.addf %scan3A_789, %get3A_803 : vector<16xf32>
        %get3A_805 = arith.index_cast %add3A_800 : i32 to index
        %get3A_806 = arith.constant 16 : index
        %get3A_807 = tpu.vector_load %arg8[%get3A_805, %get3A_806] {strides = array<i32>} : memref<200x64xf32, #tpu.memory_space<vmem>>, vector<1x16xf32>,
        %get3A_808 = vector.shape_cast %get3A_807 : vector<1x16xf32> to vector<16xf32>
        %add3A_809 = arith.addf %scan3A_790, %get3A_808 : vector<16xf32>
        %get3A_810 = arith.index_cast %add3A_800 : i32 to index
        %get3A_811 = arith.constant 32 : index
        %get3A_812 = tpu.vector_load %arg8[%get3A_810, %get3A_811] {strides = array<i32>} : memref<200x64xf32, #tpu.memory_space<vmem>>, vector<1x16xf32>,
        %get3A_813 = vector.shape_cast %get3A_812 : vector<1x16xf32> to vector<16xf32>
        %add3A_814 = arith.addf %scan3A_791, %get3A_813 : vector<16xf32>
        %get3A_815 = arith.index_cast %add3A_800 : i32 to index
        %get3A_816 = arith.constant 48 : index
        %get3A_817 = tpu.vector_load %arg8[%get3A_815, %get3A_816] {strides = array<i32>} : memref<200x64xf32, #tpu.memory_space<vmem>>, vector<1x16xf32>,
        %get3A_818 = vector.shape_cast %get3A_817 : vector<1x16xf32> to vector<16xf32>
        %add3A_819 = arith.addf %scan3A_792, %get3A_818 : vector<16xf32>
        %mul3A_820 = arith.constant 8 : i32
        %mul3A_821 = arith.muli %scan3A_788, %mul3A_820 : i32
        %add3A_822 = arith.constant 1 : i32
        %add3A_823 = arith.addi %mul3A_821, %add3A_822 : i32
        %get3A_824 = arith.index_cast %add3A_823 : i32 to index
        %get3A_825 = arith.constant 0 : index
        %get3A_826 = tpu.vector_load %arg8[%get3A_824, %get3A_825] {strides = array<i32>} : memref<200x64xf32, #tpu.memory_space<vmem>>, vector<1x16xf32>,
        %get3A_827 = vector.shape_cast %get3A_826 : vector<1x16xf32> to vector<16xf32>
        %add3A_828 = arith.addf %scan3A_793, %get3A_827 : vector<16xf32>
        %get3A_829 = arith.index_cast %add3A_823 : i32 to index
        %get3A_830 = arith.constant 16 : index
        %get3A_831 = tpu.vector_load %arg8[%get3A_829, %get3A_830] {strides = array<i32>} : memref<200x64xf32, #tpu.memory_space<vmem>>, vector<1x16xf32>,
        %get3A_832 = vector.shape_cast %get3A_831 : vector<1x16xf32> to vector<16xf32>
        %add3A_833 = arith.addf %scan3A_794, %get3A_832 : vector<16xf32>
        %get3A_834 = arith.index_cast %add3A_823 : i32 to index
        %get3A_835 = arith.constant 32 : index
        %get3A_836 = tpu.vector_load %arg8[%get3A_834, %get3A_835] {strides = array<i32>} : memref<200x64xf32, #tpu.memory_space<vmem>>, vector<1x16xf32>,
        %get3A_837 = vector.shape_cast %get3A_836 : vector<1x16xf32> to vector<16xf32>
        %add3A_838 = arith.addf %scan3A_795, %get3A_837 : vector<16xf32>
        %get3A_839 = arith.index_cast %add3A_823 : i32 to index
        %get3A_840 = arith.constant 48 : index
        %get3A_841 = tpu.vector_load %arg8[%get3A_839, %get3A_840] {strides = array<i32>} : memref<200x64xf32, #tpu.memory_space<vmem>>, vector<1x16xf32>,
        %get3A_842 = vector.shape_cast %get3A_841 : vector<1x16xf32> to vector<16xf32>
        %add3A_843 = arith.addf %scan3A_796, %get3A_842 : vector<16xf32>
        %mul3A_844 = arith.constant 8 : i32
        %mul3A_845 = arith.muli %scan3A_788, %mul3A_844 : i32
        %add3A_846 = arith.constant 2 : i32
        %add3A_847 = arith.addi %mul3A_845, %add3A_846 : i32
        %get3A_848 = arith.index_cast %add3A_847 : i32 to index
        %get3A_849 = arith.constant 0 : index
        %get3A_850 = tpu.vector_load %arg8[%get3A_848, %get3A_849] {strides = array<i32>} : memref<200x64xf32, #tpu.memory_space<vmem>>, vector<1x16xf32>,
        %get3A_851 = vector.shape_cast %get3A_850 : vector<1x16xf32> to vector<16xf32>
        %add3A_852 = arith.addf %add3A_804, %get3A_851 : vector<16xf32>
        %get3A_853 = arith.index_cast %add3A_847 : i32 to index
        %get3A_854 = arith.constant 16 : index
        %get3A_855 = tpu.vector_load %arg8[%get3A_853, %get3A_854] {strides = array<i32>} : memref<200x64xf32, #tpu.memory_space<vmem>>, vector<1x16xf32>,
        %get3A_856 = vector.shape_cast %get3A_855 : vector<1x16xf32> to vector<16xf32>
        %add3A_857 = arith.addf %add3A_809, %get3A_856 : vector<16xf32>
        %get3A_858 = arith.index_cast %add3A_847 : i32 to index
        %get3A_859 = arith.constant 32 : index
        %get3A_860 = tpu.vector_load %arg8[%get3A_858, %get3A_859] {strides = array<i32>} : memref<200x64xf32, #tpu.memory_space<vmem>>, vector<1x16xf32>,
        %get3A_861 = vector.shape_cast %get3A_860 : vector<1x16xf32> to vector<16xf32>
        %add3A_862 = arith.addf %add3A_814, %get3A_861 : vector<16xf32>
        %get3A_863 = arith.index_cast %add3A_847 : i32 to index
        %get3A_864 = arith.constant 48 : index
        %get3A_865 = tpu.vector_load %arg8[%get3A_863, %get3A_864] {strides = array<i32>} : memref<200x64xf32, #tpu.memory_space<vmem>>, vector<1x16xf32>,
        %get3A_866 = vector.shape_cast %get3A_865 : vector<1x16xf32> to vector<16xf32>
        %add3A_867 = arith.addf %add3A_819, %get3A_866 : vector<16xf32>
        %mul3A_868 = arith.constant 8 : i32
        %mul3A_869 = arith.muli %scan3A_788, %mul3A_868 : i32
        %add3A_870 = arith.constant 3 : i32
        %add3A_871 = arith.addi %mul3A_869, %add3A_870 : i32
        %get3A_872 = arith.index_cast %add3A_871 : i32 to index
        %get3A_873 = arith.constant 0 : index
        %get3A_874 = tpu.vector_load %arg8[%get3A_872, %get3A_873] {strides = array<i32>} : memref<200x64xf32, #tpu.memory_space<vmem>>, vector<1x16xf32>,
        %get3A_875 = vector.shape_cast %get3A_874 : vector<1x16xf32> to vector<16xf32>
        %add3A_876 = arith.addf %add3A_828, %get3A_875 : vector<16xf32>
        %get3A_877 = arith.index_cast %add3A_871 : i32 to index
        %get3A_878 = arith.constant 16 : index
        %get3A_879 = tpu.vector_load %arg8[%get3A_877, %get3A_878] {strides = array<i32>} : memref<200x64xf32, #tpu.memory_space<vmem>>, vector<1x16xf32>,
        %get3A_880 = vector.shape_cast %get3A_879 : vector<1x16xf32> to vector<16xf32>
        %add3A_881 = arith.addf %add3A_833, %get3A_880 : vector<16xf32>
        %get3A_882 = arith.index_cast %add3A_871 : i32 to index
        %get3A_883 = arith.constant 32 : index
        %get3A_884 = tpu.vector_load %arg8[%get3A_882, %get3A_883] {strides = array<i32>} : memref<200x64xf32, #tpu.memory_space<vmem>>, vector<1x16xf32>,
        %get3A_885 = vector.shape_cast %get3A_884 : vector<1x16xf32> to vector<16xf32>
        %add3A_886 = arith.addf %add3A_838, %get3A_885 : vector<16xf32>
        %get3A_887 = arith.index_cast %add3A_871 : i32 to index
        %get3A_888 = arith.constant 48 : index
        %get3A_889 = tpu.vector_load %arg8[%get3A_887, %get3A_888] {strides = array<i32>} : memref<200x64xf32, #tpu.memory_space<vmem>>, vector<1x16xf32>,
        %get3A_890 = vector.shape_cast %get3A_889 : vector<1x16xf32> to vector<16xf32>
        %add3A_891 = arith.addf %add3A_843, %get3A_890 : vector<16xf32>
        %mul3A_892 = arith.constant 8 : i32
        %mul3A_893 = arith.muli %scan3A_788, %mul3A_892 : i32
        %add3A_894 = arith.constant 4 : i32
        %add3A_895 = arith.addi %mul3A_893, %add3A_894 : i32
        %get3A_896 = arith.index_cast %add3A_895 : i32 to index
        %get3A_897 = arith.constant 0 : index
        %get3A_898 = tpu.vector_load %arg8[%get3A_896, %get3A_897] {strides = array<i32>} : memref<200x64xf32, #tpu.memory_space<vmem>>, vector<1x16xf32>,
        %get3A_899 = vector.shape_cast %get3A_898 : vector<1x16xf32> to vector<16xf32>
        %add3A_900 = arith.addf %add3A_852, %get3A_899 : vector<16xf32>
        %get3A_901 = arith.index_cast %add3A_895 : i32 to index
        %get3A_902 = arith.constant 16 : index
        %get3A_903 = tpu.vector_load %arg8[%get3A_901, %get3A_902] {strides = array<i32>} : memref<200x64xf32, #tpu.memory_space<vmem>>, vector<1x16xf32>,
        %get3A_904 = vector.shape_cast %get3A_903 : vector<1x16xf32> to vector<16xf32>
        %add3A_905 = arith.addf %add3A_857, %get3A_904 : vector<16xf32>
        %get3A_906 = arith.index_cast %add3A_895 : i32 to index
        %get3A_907 = arith.constant 32 : index
        %get3A_908 = tpu.vector_load %arg8[%get3A_906, %get3A_907] {strides = array<i32>} : memref<200x64xf32, #tpu.memory_space<vmem>>, vector<1x16xf32>,
        %get3A_909 = vector.shape_cast %get3A_908 : vector<1x16xf32> to vector<16xf32>
        %add3A_910 = arith.addf %add3A_862, %get3A_909 : vector<16xf32>
        %get3A_911 = arith.index_cast %add3A_895 : i32 to index
        %get3A_912 = arith.constant 48 : index
        %get3A_913 = tpu.vector_load %arg8[%get3A_911, %get3A_912] {strides = array<i32>} : memref<200x64xf32, #tpu.memory_space<vmem>>, vector<1x16xf32>,
        %get3A_914 = vector.shape_cast %get3A_913 : vector<1x16xf32> to vector<16xf32>
        %add3A_915 = arith.addf %add3A_867, %get3A_914 : vector<16xf32>
        %mul3A_916 = arith.constant 8 : i32
        %mul3A_917 = arith.muli %scan3A_788, %mul3A_916 : i32
        %add3A_918 = arith.constant 5 : i32
        %add3A_919 = arith.addi %mul3A_917, %add3A_918 : i32
        %get3A_920 = arith.index_cast %add3A_919 : i32 to index
        %get3A_921 = arith.constant 0 : index
        %get3A_922 = tpu.vector_load %arg8[%get3A_920, %get3A_921] {strides = array<i32>} : memref<200x64xf32, #tpu.memory_space<vmem>>, vector<1x16xf32>,
        %get3A_923 = vector.shape_cast %get3A_922 : vector<1x16xf32> to vector<16xf32>
        %add3A_924 = arith.addf %add3A_876, %get3A_923 : vector<16xf32>
        %get3A_925 = arith.index_cast %add3A_919 : i32 to index
        %get3A_926 = arith.constant 16 : index
        %get3A_927 = tpu.vector_load %arg8[%get3A_925, %get3A_926] {strides = array<i32>} : memref<200x64xf32, #tpu.memory_space<vmem>>, vector<1x16xf32>,
        %get3A_928 = vector.shape_cast %get3A_927 : vector<1x16xf32> to vector<16xf32>
        %add3A_929 = arith.addf %add3A_881, %get3A_928 : vector<16xf32>
        %get3A_930 = arith.index_cast %add3A_919 : i32 to index
        %get3A_931 = arith.constant 32 : index
        %get3A_932 = tpu.vector_load %arg8[%get3A_930, %get3A_931] {strides = array<i32>} : memref<200x64xf32, #tpu.memory_space<vmem>>, vector<1x16xf32>,
        %get3A_933 = vector.shape_cast %get3A_932 : vector<1x16xf32> to vector<16xf32>
        %add3A_934 = arith.addf %add3A_886, %get3A_933 : vector<16xf32>
        %get3A_935 = arith.index_cast %add3A_919 : i32 to index
        %get3A_936 = arith.constant 48 : index
        %get3A_937 = tpu.vector_load %arg8[%get3A_935, %get3A_936] {strides = array<i32>} : memref<200x64xf32, #tpu.memory_space<vmem>>, vector<1x16xf32>,
        %get3A_938 = vector.shape_cast %get3A_937 : vector<1x16xf32> to vector<16xf32>
        %add3A_939 = arith.addf %add3A_891, %get3A_938 : vector<16xf32>
        %mul3A_940 = arith.constant 8 : i32
        %mul3A_941 = arith.muli %scan3A_788, %mul3A_940 : i32
        %add3A_942 = arith.constant 6 : i32
        %add3A_943 = arith.addi %mul3A_941, %add3A_942 : i32
        %get3A_944 = arith.index_cast %add3A_943 : i32 to index
        %get3A_945 = arith.constant 0 : index
        %get3A_946 = tpu.vector_load %arg8[%get3A_944, %get3A_945] {strides = array<i32>} : memref<200x64xf32, #tpu.memory_space<vmem>>, vector<1x16xf32>,
        %get3A_947 = vector.shape_cast %get3A_946 : vector<1x16xf32> to vector<16xf32>
        %add3A_948 = arith.addf %add3A_900, %get3A_947 : vector<16xf32>
        %get3A_949 = arith.index_cast %add3A_943 : i32 to index
        %get3A_950 = arith.constant 16 : index
        %get3A_951 = tpu.vector_load %arg8[%get3A_949, %get3A_950] {strides = array<i32>} : memref<200x64xf32, #tpu.memory_space<vmem>>, vector<1x16xf32>,
        %get3A_952 = vector.shape_cast %get3A_951 : vector<1x16xf32> to vector<16xf32>
        %add3A_953 = arith.addf %add3A_905, %get3A_952 : vector<16xf32>
        %get3A_954 = arith.index_cast %add3A_943 : i32 to index
        %get3A_955 = arith.constant 32 : index
        %get3A_956 = tpu.vector_load %arg8[%get3A_954, %get3A_955] {strides = array<i32>} : memref<200x64xf32, #tpu.memory_space<vmem>>, vector<1x16xf32>,
        %get3A_957 = vector.shape_cast %get3A_956 : vector<1x16xf32> to vector<16xf32>
        %add3A_958 = arith.addf %add3A_910, %get3A_957 : vector<16xf32>
        %get3A_959 = arith.index_cast %add3A_943 : i32 to index
        %get3A_960 = arith.constant 48 : index
        %get3A_961 = tpu.vector_load %arg8[%get3A_959, %get3A_960] {strides = array<i32>} : memref<200x64xf32, #tpu.memory_space<vmem>>, vector<1x16xf32>,
        %get3A_962 = vector.shape_cast %get3A_961 : vector<1x16xf32> to vector<16xf32>
        %add3A_963 = arith.addf %add3A_915, %get3A_962 : vector<16xf32>
        %mul3A_964 = arith.constant 8 : i32
        %mul3A_965 = arith.muli %scan3A_788, %mul3A_964 : i32
        %add3A_966 = arith.constant 7 : i32
        %add3A_967 = arith.addi %mul3A_965, %add3A_966 : i32
        %get3A_968 = arith.index_cast %add3A_967 : i32 to index
        %get3A_969 = arith.constant 0 : index
        %get3A_970 = tpu.vector_load %arg8[%get3A_968, %get3A_969] {strides = array<i32>} : memref<200x64xf32, #tpu.memory_space<vmem>>, vector<1x16xf32>,
        %get3A_971 = vector.shape_cast %get3A_970 : vector<1x16xf32> to vector<16xf32>
        %add3A_972 = arith.addf %add3A_924, %get3A_971 : vector<16xf32>
        %get3A_973 = arith.index_cast %add3A_967 : i32 to index
        %get3A_974 = arith.constant 16 : index
        %get3A_975 = tpu.vector_load %arg8[%get3A_973, %get3A_974] {strides = array<i32>} : memref<200x64xf32, #tpu.memory_space<vmem>>, vector<1x16xf32>,
        %get3A_976 = vector.shape_cast %get3A_975 : vector<1x16xf32> to vector<16xf32>
        %add3A_977 = arith.addf %add3A_929, %get3A_976 : vector<16xf32>
        %get3A_978 = arith.index_cast %add3A_967 : i32 to index
        %get3A_979 = arith.constant 32 : index
        %get3A_980 = tpu.vector_load %arg8[%get3A_978, %get3A_979] {strides = array<i32>} : memref<200x64xf32, #tpu.memory_space<vmem>>, vector<1x16xf32>,
        %get3A_981 = vector.shape_cast %get3A_980 : vector<1x16xf32> to vector<16xf32>
        %add3A_982 = arith.addf %add3A_934, %get3A_981 : vector<16xf32>
        %get3A_983 = arith.index_cast %add3A_967 : i32 to index
        %get3A_984 = arith.constant 48 : index
        %get3A_985 = tpu.vector_load %arg8[%get3A_983, %get3A_984] {strides = array<i32>} : memref<200x64xf32, #tpu.memory_space<vmem>>, vector<1x16xf32>,
        %get3A_986 = vector.shape_cast %get3A_985 : vector<1x16xf32> to vector<16xf32>
        %add3A_987 = arith.addf %add3A_939, %get3A_986 : vector<16xf32>
        scf.yield %add3A_948, %add3A_953, %add3A_958, %add3A_963, %add3A_972, %add3A_977, %add3A_982, %add3A_987 : vector<16xf32>, vector<16xf32>, vector<16xf32>, vector<16xf32>, vector<16xf32>, vector<16xf32>, vector<16xf32>, vector<16xf32>
      }
      %scan3A_544 = arith.constant 25 : i32
      %add3A_545 = arith.addf %scan3A_543#0, %scan3A_543#4 : vector<16xf32>
      %add3A_546 = arith.addf %scan3A_543#1, %scan3A_543#5 : vector<16xf32>
      %add3A_547 = arith.addf %scan3A_543#2, %scan3A_543#6 : vector<16xf32>
      %add3A_548 = arith.addf %scan3A_543#3, %scan3A_543#7 : vector<16xf32>
      %mul3A_549 = vector.broadcast %scan3A : f32 to vector<16xf32>
      %mul3A_550 = arith.mulf %add3A_545, %mul3A_549 : vector<16xf32>
      %jit3A_551 = arith.constant 8 : i32
      %eq3A_552 = arith.constant 0 : i32
      %eq3A_553 = arith.cmpi eq, %jit3A_551, %eq3A_552 : i32
      %jit3A_554 = arith.constant 1 : i32
      %select_n3A_555 = arith.select %eq3A_553, %jit3A_554, %jit3A_551 : i32
      %rem3A_556 = arith.remsi %add3A_536, %select_n3A_555 : i32
      %ne3A_557 = arith.constant 0 : i32
      %ne3A_558 = arith.cmpi ne, %rem3A_556, %ne3A_557 : i32
      %lt3A_559 = arith.constant 0 : i32
      %lt3A_560 = arith.cmpi slt, %rem3A_556, %lt3A_559 : i32
      %lt3A_561 = arith.constant 0 : i32
      %lt3A_562 = arith.cmpi slt, %select_n3A_555, %lt3A_561 : i32
      %ne3A_563 = arith.xori %lt3A_560, %lt3A_562 : i1
      %and3A_564 = arith.andi %ne3A_563, %ne3A_558 : i1
      %add3A_565 = arith.addi %rem3A_556, %select_n3A_555 : i32
      %select_n3A_566 = arith.select %and3A_564, %add3A_565, %rem3A_556 : i32
      %swap3A_567 = arith.index_cast %select_n3A_566 : i32 to index
      %swap3A_568 = arith.constant 0 : index
      %swap3A_569 = tpu.vector_load %arg10[%swap3A_567, %swap3A_568] {strides = array<i32>} : memref<8x64xf32, #tpu.memory_space<vmem>>, vector<1x16xf32>,
      %swap3A_570 = vector.shape_cast %swap3A_569 : vector<1x16xf32> to vector<16xf32>
      %swap3A_571 = vector.shape_cast %mul3A_550 : vector<16xf32> to vector<1x16xf32>
      tpu.vector_store %arg10[%swap3A_567, %swap3A_568], %swap3A_571 {strides = array<i32>} : memref<8x64xf32, #tpu.memory_space<vmem>>, vector<1x16xf32>,
      %mul3A_572 = vector.broadcast %scan3A : f32 to vector<16xf32>
      %mul3A_573 = arith.mulf %add3A_546, %mul3A_572 : vector<16xf32>
      %jit3A_574 = arith.constant 8 : i32
      %eq3A_575 = arith.constant 0 : i32
      %eq3A_576 = arith.cmpi eq, %jit3A_574, %eq3A_575 : i32
      %jit3A_577 = arith.constant 1 : i32
      %select_n3A_578 = arith.select %eq3A_576, %jit3A_577, %jit3A_574 : i32
      %rem3A_579 = arith.remsi %add3A_536, %select_n3A_578 : i32
      %ne3A_580 = arith.constant 0 : i32
      %ne3A_581 = arith.cmpi ne, %rem3A_579, %ne3A_580 : i32
      %lt3A_582 = arith.constant 0 : i32
      %lt3A_583 = arith.cmpi slt, %rem3A_579, %lt3A_582 : i32
      %lt3A_584 = arith.constant 0 : i32
      %lt3A_585 = arith.cmpi slt, %select_n3A_578, %lt3A_584 : i32
      %ne3A_586 = arith.xori %lt3A_583, %lt3A_585 : i1
      %and3A_587 = arith.andi %ne3A_586, %ne3A_581 : i1
      %add3A_588 = arith.addi %rem3A_579, %select_n3A_578 : i32
      %select_n3A_589 = arith.select %and3A_587, %add3A_588, %rem3A_579 : i32
      %swap3A_590 = arith.index_cast %select_n3A_589 : i32 to index
      %swap3A_591 = arith.constant 16 : index
      %swap3A_592 = tpu.vector_load %arg10[%swap3A_590, %swap3A_591] {strides = array<i32>} : memref<8x64xf32, #tpu.memory_space<vmem>>, vector<1x16xf32>,
      %swap3A_593 = vector.shape_cast %swap3A_592 : vector<1x16xf32> to vector<16xf32>
      %swap3A_594 = vector.shape_cast %mul3A_573 : vector<16xf32> to vector<1x16xf32>
      tpu.vector_store %arg10[%swap3A_590, %swap3A_591], %swap3A_594 {strides = array<i32>} : memref<8x64xf32, #tpu.memory_space<vmem>>, vector<1x16xf32>,
      %mul3A_595 = vector.broadcast %scan3A : f32 to vector<16xf32>
      %mul3A_596 = arith.mulf %add3A_547, %mul3A_595 : vector<16xf32>
      %jit3A_597 = arith.constant 8 : i32
      %eq3A_598 = arith.constant 0 : i32
      %eq3A_599 = arith.cmpi eq, %jit3A_597, %eq3A_598 : i32
      %jit3A_600 = arith.constant 1 : i32
      %select_n3A_601 = arith.select %eq3A_599, %jit3A_600, %jit3A_597 : i32
      %rem3A_602 = arith.remsi %add3A_536, %select_n3A_601 : i32
      %ne3A_603 = arith.constant 0 : i32
      %ne3A_604 = arith.cmpi ne, %rem3A_602, %ne3A_603 : i32
      %lt3A_605 = arith.constant 0 : i32
      %lt3A_606 = arith.cmpi slt, %rem3A_602, %lt3A_605 : i32
      %lt3A_607 = arith.constant 0 : i32
      %lt3A_608 = arith.cmpi slt, %select_n3A_601, %lt3A_607 : i32
      %ne3A_609 = arith.xori %lt3A_606, %lt3A_608 : i1
      %and3A_610 = arith.andi %ne3A_609, %ne3A_604 : i1
      %add3A_611 = arith.addi %rem3A_602, %select_n3A_601 : i32
      %select_n3A_612 = arith.select %and3A_610, %add3A_611, %rem3A_602 : i32
      %swap3A_613 = arith.index_cast %select_n3A_612 : i32 to index
      %swap3A_614 = arith.constant 32 : index
      %swap3A_615 = tpu.vector_load %arg10[%swap3A_613, %swap3A_614] {strides = array<i32>} : memref<8x64xf32, #tpu.memory_space<vmem>>, vector<1x16xf32>,
      %swap3A_616 = vector.shape_cast %swap3A_615 : vector<1x16xf32> to vector<16xf32>
      %swap3A_617 = vector.shape_cast %mul3A_596 : vector<16xf32> to vector<1x16xf32>
      tpu.vector_store %arg10[%swap3A_613, %swap3A_614], %swap3A_617 {strides = array<i32>} : memref<8x64xf32, #tpu.memory_space<vmem>>, vector<1x16xf32>,
      %mul3A_618 = vector.broadcast %scan3A : f32 to vector<16xf32>
      %mul3A_619 = arith.mulf %add3A_548, %mul3A_618 : vector<16xf32>
      %jit3A_620 = arith.constant 8 : i32
      %eq3A_621 = arith.constant 0 : i32
      %eq3A_622 = arith.cmpi eq, %jit3A_620, %eq3A_621 : i32
      %jit3A_623 = arith.constant 1 : i32
      %select_n3A_624 = arith.select %eq3A_622, %jit3A_623, %jit3A_620 : i32
      %rem3A_625 = arith.remsi %add3A_536, %select_n3A_624 : i32
      %ne3A_626 = arith.constant 0 : i32
      %ne3A_627 = arith.cmpi ne, %rem3A_625, %ne3A_626 : i32
      %lt3A_628 = arith.constant 0 : i32
      %lt3A_629 = arith.cmpi slt, %rem3A_625, %lt3A_628 : i32
      %lt3A_630 = arith.constant 0 : i32
      %lt3A_631 = arith.cmpi slt, %select_n3A_624, %lt3A_630 : i32
      %ne3A_632 = arith.xori %lt3A_629, %lt3A_631 : i1
      %and3A_633 = arith.andi %ne3A_632, %ne3A_627 : i1
      %add3A_634 = arith.addi %rem3A_625, %select_n3A_624 : i32
      %select_n3A_635 = arith.select %and3A_633, %add3A_634, %rem3A_625 : i32
      %swap3A_636 = arith.index_cast %select_n3A_635 : i32 to index
      %swap3A_637 = arith.constant 48 : index
      %swap3A_638 = tpu.vector_load %arg10[%swap3A_636, %swap3A_637] {strides = array<i32>} : memref<8x64xf32, #tpu.memory_space<vmem>>, vector<1x16xf32>,
      %swap3A_639 = vector.shape_cast %swap3A_638 : vector<1x16xf32> to vector<16xf32>
      %swap3A_640 = vector.shape_cast %mul3A_619 : vector<16xf32> to vector<1x16xf32>
      tpu.vector_store %arg10[%swap3A_636, %swap3A_637], %swap3A_640 {strides = array<i32>} : memref<8x64xf32, #tpu.memory_space<vmem>>, vector<1x16xf32>,
      %lt3A_641 = arith.constant 127 : i32
      %lt3A_642 = arith.cmpi slt, %scan3A_113, %lt3A_641 : i32
      %convert_element_type3A_643 = arith.extui %lt3A_642 : i1 to i32
      %cond3A_644 = arith.constant 0 : i32
      %cond3A_645 = arith.cmpi ne, %convert_element_type3A_643, %cond3A_644 : i32
      scf.if %cond3A_645 {
        %add3A_788 = arith.constant 6 : i32
        %add3A_789 = arith.addi %mul3A_116, %add3A_788 : i32
        %mul3A_790 = arith.constant 2 : i32
        %mul3A_791 = arith.muli %mul3A_790, %add3A_789 : i32
        %add3A_792 = arith.constant 0 : i32
        %add3A_793 = arith.addi %mul3A_791, %add3A_792 : i32
        %jit3A_794 = arith.constant 256 : i32
        %div3A_795 = arith.divsi %add3A_793, %jit3A_794 : i32
        %sign3A_796 = arith.constant 0 : i32
        %sign3A_797 = arith.cmpi sgt, %add3A_793, %sign3A_796 : i32
        %sign3A_798 = arith.extui %sign3A_797 : i1 to i32
        %sign3A_799 = arith.constant 0 : i32
        %sign3A_800 = arith.cmpi slt, %add3A_793, %sign3A_799 : i32
        %sign3A_801 = arith.extui %sign3A_800 : i1 to i32
        %sign3A_802 = arith.subi %sign3A_798, %sign3A_801 : i32
        %sign3A_803 = arith.constant 0 : i32
        %sign3A_804 = arith.cmpi sgt, %jit3A_794, %sign3A_803 : i32
        %sign3A_805 = arith.extui %sign3A_804 : i1 to i32
        %sign3A_806 = arith.constant 0 : i32
        %sign3A_807 = arith.cmpi slt, %jit3A_794, %sign3A_806 : i32
        %sign3A_808 = arith.extui %sign3A_807 : i1 to i32
        %sign3A_809 = arith.subi %sign3A_805, %sign3A_808 : i32
        %ne3A_810 = arith.cmpi ne, %sign3A_802, %sign3A_809 : i32
        %rem3A_811 = arith.remsi %add3A_793, %jit3A_794 : i32
        %ne3A_812 = arith.constant 0 : i32
        %ne3A_813 = arith.cmpi ne, %rem3A_811, %ne3A_812 : i32
        %and3A_814 = arith.andi %ne3A_810, %ne3A_813 : i1
        %sub3A_815 = arith.constant 1 : i32
        %sub3A_816 = arith.subi %div3A_795, %sub3A_815 : i32
        %select_n3A_817 = arith.select %and3A_814, %sub3A_816, %div3A_795 : i32
        %jit3A_818 = arith.constant 2 : i32
        %eq3A_819 = arith.constant 0 : i32
        %eq3A_820 = arith.cmpi eq, %jit3A_818, %eq3A_819 : i32
        %jit3A_821 = arith.constant 1 : i32
        %select_n3A_822 = arith.select %eq3A_820, %jit3A_821, %jit3A_818 : i32
        %rem3A_823 = arith.remsi %select_n3A_817, %select_n3A_822 : i32
        %ne3A_824 = arith.constant 0 : i32
        %ne3A_825 = arith.cmpi ne, %rem3A_823, %ne3A_824 : i32
        %lt3A_826 = arith.constant 0 : i32
        %lt3A_827 = arith.cmpi slt, %rem3A_823, %lt3A_826 : i32
        %lt3A_828 = arith.constant 0 : i32
        %lt3A_829 = arith.cmpi slt, %select_n3A_822, %lt3A_828 : i32
        %ne3A_830 = arith.xori %lt3A_827, %lt3A_829 : i1
        %and3A_831 = arith.andi %ne3A_830, %ne3A_825 : i1
        %add3A_832 = arith.addi %rem3A_823, %select_n3A_822 : i32
        %select_n3A_833 = arith.select %and3A_831, %add3A_832, %rem3A_823 : i32
        %jit3A_834 = arith.constant 256 : i32
        %eq3A_835 = arith.constant 0 : i32
        %eq3A_836 = arith.cmpi eq, %jit3A_834, %eq3A_835 : i32
        %jit3A_837 = arith.constant 1 : i32
        %select_n3A_838 = arith.select %eq3A_836, %jit3A_837, %jit3A_834 : i32
        %rem3A_839 = arith.remsi %add3A_793, %select_n3A_838 : i32
        %ne3A_840 = arith.constant 0 : i32
        %ne3A_841 = arith.cmpi ne, %rem3A_839, %ne3A_840 : i32
        %lt3A_842 = arith.constant 0 : i32
        %lt3A_843 = arith.cmpi slt, %rem3A_839, %lt3A_842 : i32
        %lt3A_844 = arith.constant 0 : i32
        %lt3A_845 = arith.cmpi slt, %select_n3A_838, %lt3A_844 : i32
        %ne3A_846 = arith.xori %lt3A_843, %lt3A_845 : i1
        %and3A_847 = arith.andi %ne3A_846, %ne3A_841 : i1
        %add3A_848 = arith.addi %rem3A_839, %select_n3A_838 : i32
        %select_n3A_849 = arith.select %and3A_847, %add3A_848, %rem3A_839 : i32
        %dma_start3A_850 = arith.constant 0 : i32
        %dma_start3A_851 = arith.constant 0 : i32
        %dma_start3A_852 = tpu.memref_slice %arg8[%dma_start3A_850, %dma_start3A_851] : memref<200x64xf32, #tpu.memory_space<vmem>> -> memref<100x64xf32, #tpu.memory_space<vmem>>
        %dma_start3A_853 = arith.constant 0 : i32
        %dma_start3A_854 = tpu.memref_slice %arg5[%select_n3A_833, %select_n3A_849, %dma_start3A_853] : memref<2x256x100xi32, #tpu.memory_space<vmem>> -> memref<1x1x100xi32, #tpu.memory_space<vmem>>
        %dma_start3A_855 = tpu.memref_squeeze %dma_start3A_854 : memref<1x1x100xi32, #tpu.memory_space<vmem>> -> memref<100xi32, #tpu.memory_space<vmem>>
        %dma_start3A_856 = arith.constant 0 : i32
        %dma_start3A_857 = arith.constant 0 : i32
        %dma_start3A_858 = tpu.memref_slice %arg3[%dma_start3A_856, %dma_start3A_857] : memref<1000000x64xf32, #tpu.memory_space<hbm>> -> memref<1000000x64xf32, #tpu.memory_space<hbm>>
        tpu.enqueue_indirect_dma source(%dma_start3A_858 : memref<1000000x64xf32, #tpu.memory_space<hbm>>) target(%dma_start3A_852 : memref<100x64xf32, #tpu.memory_space<vmem>>) offsets(%dma_start3A_855 : memref<100xi32, #tpu.memory_space<vmem>>) semaphore(%arg13 : memref<!tpu.dma_semaphore, #tpu.memory_space<semaphore_mem>>)
        %mul3A_859 = arith.constant 2 : i32
        %mul3A_860 = arith.muli %mul3A_859, %add3A_789 : i32
        %add3A_861 = arith.constant 1 : i32
        %add3A_862 = arith.addi %mul3A_860, %add3A_861 : i32
        %jit3A_863 = arith.constant 256 : i32
        %div3A_864 = arith.divsi %add3A_862, %jit3A_863 : i32
        %sign3A_865 = arith.constant 0 : i32
        %sign3A_866 = arith.cmpi sgt, %add3A_862, %sign3A_865 : i32
        %sign3A_867 = arith.extui %sign3A_866 : i1 to i32
        %sign3A_868 = arith.constant 0 : i32
        %sign3A_869 = arith.cmpi slt, %add3A_862, %sign3A_868 : i32
        %sign3A_870 = arith.extui %sign3A_869 : i1 to i32
        %sign3A_871 = arith.subi %sign3A_867, %sign3A_870 : i32
        %sign3A_872 = arith.constant 0 : i32
        %sign3A_873 = arith.cmpi sgt, %jit3A_863, %sign3A_872 : i32
        %sign3A_874 = arith.extui %sign3A_873 : i1 to i32
        %sign3A_875 = arith.constant 0 : i32
        %sign3A_876 = arith.cmpi slt, %jit3A_863, %sign3A_875 : i32
        %sign3A_877 = arith.extui %sign3A_876 : i1 to i32
        %sign3A_878 = arith.subi %sign3A_874, %sign3A_877 : i32
        %ne3A_879 = arith.cmpi ne, %sign3A_871, %sign3A_878 : i32
        %rem3A_880 = arith.remsi %add3A_862, %jit3A_863 : i32
        %ne3A_881 = arith.constant 0 : i32
        %ne3A_882 = arith.cmpi ne, %rem3A_880, %ne3A_881 : i32
        %and3A_883 = arith.andi %ne3A_879, %ne3A_882 : i1
        %sub3A_884 = arith.constant 1 : i32
        %sub3A_885 = arith.subi %div3A_864, %sub3A_884 : i32
        %select_n3A_886 = arith.select %and3A_883, %sub3A_885, %div3A_864 : i32
        %jit3A_887 = arith.constant 2 : i32
        %eq3A_888 = arith.constant 0 : i32
        %eq3A_889 = arith.cmpi eq, %jit3A_887, %eq3A_888 : i32
        %jit3A_890 = arith.constant 1 : i32
        %select_n3A_891 = arith.select %eq3A_889, %jit3A_890, %jit3A_887 : i32
        %rem3A_892 = arith.remsi %select_n3A_886, %select_n3A_891 : i32
        %ne3A_893 = arith.constant 0 : i32
        %ne3A_894 = arith.cmpi ne, %rem3A_892, %ne3A_893 : i32
        %lt3A_895 = arith.constant 0 : i32
        %lt3A_896 = arith.cmpi slt, %rem3A_892, %lt3A_895 : i32
        %lt3A_897 = arith.constant 0 : i32
        %lt3A_898 = arith.cmpi slt, %select_n3A_891, %lt3A_897 : i32
        %ne3A_899 = arith.xori %lt3A_896, %lt3A_898 : i1
        %and3A_900 = arith.andi %ne3A_899, %ne3A_894 : i1
        %add3A_901 = arith.addi %rem3A_892, %select_n3A_891 : i32
        %select_n3A_902 = arith.select %and3A_900, %add3A_901, %rem3A_892 : i32
        %jit3A_903 = arith.constant 256 : i32
        %eq3A_904 = arith.constant 0 : i32
        %eq3A_905 = arith.cmpi eq, %jit3A_903, %eq3A_904 : i32
        %jit3A_906 = arith.constant 1 : i32
        %select_n3A_907 = arith.select %eq3A_905, %jit3A_906, %jit3A_903 : i32
        %rem3A_908 = arith.remsi %add3A_862, %select_n3A_907 : i32
        %ne3A_909 = arith.constant 0 : i32
        %ne3A_910 = arith.cmpi ne, %rem3A_908, %ne3A_909 : i32
        %lt3A_911 = arith.constant 0 : i32
        %lt3A_912 = arith.cmpi slt, %rem3A_908, %lt3A_911 : i32
        %lt3A_913 = arith.constant 0 : i32
        %lt3A_914 = arith.cmpi slt, %select_n3A_907, %lt3A_913 : i32
        %ne3A_915 = arith.xori %lt3A_912, %lt3A_914 : i1
        %and3A_916 = arith.andi %ne3A_915, %ne3A_910 : i1
        %add3A_917 = arith.addi %rem3A_908, %select_n3A_907 : i32
        %select_n3A_918 = arith.select %and3A_916, %add3A_917, %rem3A_908 : i32
        %dma_start3A_919 = arith.constant 100 : i32
        %dma_start3A_920 = arith.constant 0 : i32
        %dma_start3A_921 = tpu.memref_slice %arg8[%dma_start3A_919, %dma_start3A_920] : memref<200x64xf32, #tpu.memory_space<vmem>> -> memref<100x64xf32, #tpu.memory_space<vmem>>
        %dma_start3A_922 = arith.constant 0 : i32
        %dma_start3A_923 = tpu.memref_slice %arg5[%select_n3A_902, %select_n3A_918, %dma_start3A_922] : memref<2x256x100xi32, #tpu.memory_space<vmem>> -> memref<1x1x100xi32, #tpu.memory_space<vmem>>
        %dma_start3A_924 = tpu.memref_squeeze %dma_start3A_923 : memref<1x1x100xi32, #tpu.memory_space<vmem>> -> memref<100xi32, #tpu.memory_space<vmem>>
        %dma_start3A_925 = arith.constant 0 : i32
        %dma_start3A_926 = arith.constant 0 : i32
        %dma_start3A_927 = tpu.memref_slice %arg3[%dma_start3A_925, %dma_start3A_926] : memref<1000000x64xf32, #tpu.memory_space<hbm>> -> memref<1000000x64xf32, #tpu.memory_space<hbm>>
        tpu.enqueue_indirect_dma source(%dma_start3A_927 : memref<1000000x64xf32, #tpu.memory_space<hbm>>) target(%dma_start3A_921 : memref<100x64xf32, #tpu.memory_space<vmem>>) offsets(%dma_start3A_924 : memref<100xi32, #tpu.memory_space<vmem>>) semaphore(%arg13 : memref<!tpu.dma_semaphore, #tpu.memory_space<semaphore_mem>>)
      } else {
      }
      %dma_wait3A_646 = arith.constant 0 : i32
      %dma_wait3A_647 = arith.constant 0 : i32
      %dma_wait3A_648 = tpu.memref_slice %arg3[%dma_wait3A_646, %dma_wait3A_647] : memref<1000000x64xf32, #tpu.memory_space<hbm>> -> memref<200x64xf32, #tpu.memory_space<hbm>>
      %dma_wait3A_649 = arith.constant 0 : i32
      %dma_wait3A_650 = arith.constant 0 : i32
      %dma_wait3A_651 = tpu.memref_slice %arg3[%dma_wait3A_649, %dma_wait3A_650] : memref<1000000x64xf32, #tpu.memory_space<hbm>> -> memref<200x64xf32, #tpu.memory_space<hbm>>
      tpu.wait_dma2 semaphore(%arg14 : memref<!tpu.dma_semaphore, #tpu.memory_space<semaphore_mem>>) src(%dma_wait3A_651 : memref<200x64xf32, #tpu.memory_space<hbm>>) dst(%arg9 : memref<200x64xf32, #tpu.memory_space<vmem>>)
      %add3A_652 = arith.constant 3 : i32
      %add3A_653 = arith.addi %mul3A_116, %add3A_652 : i32
      %broadcast_in_dim3A_654 = arith.constant 0.000000e+00 : f32
      %broadcast_in_dim3A_655 = vector.broadcast %broadcast_in_dim3A_654 : f32 to vector<16xf32>
      %scan3A_656 = arith.constant 0 : i32
      %scan3A_657 = arith.constant 25 : i32
      %scan3A_658 = arith.addi %scan3A_656, %scan3A_657 : i32
      %scan3A_659 = arith.constant 1 : i32
      %scan3A_660:8 = scf.for %scan3A_788 = %scan3A_656 to %scan3A_658 step %scan3A_659 iter_args(%scan3A_789 = %broadcast_in_dim3A_655, %scan3A_790 = %broadcast_in_dim3A_655, %scan3A_791 = %broadcast_in_dim3A_655, %scan3A_792 = %broadcast_in_dim3A_655, %scan3A_793 = %broadcast_in_dim3A_655, %scan3A_794 = %broadcast_in_dim3A_655, %scan3A_795 = %broadcast_in_dim3A_655, %scan3A_796 = %broadcast_in_dim3A_655) -> (vector<16xf32>, vector<16xf32>, vector<16xf32>, vector<16xf32>, vector<16xf32>, vector<16xf32>, vector<16xf32>, vector<16xf32>)  : i32 {
        %mul3A_797 = arith.constant 8 : i32
        %mul3A_798 = arith.muli %scan3A_788, %mul3A_797 : i32
        %add3A_799 = arith.constant 0 : i32
        %add3A_800 = arith.addi %mul3A_798, %add3A_799 : i32
        %get3A = arith.index_cast %add3A_800 : i32 to index
        %get3A_801 = arith.constant 0 : index
        %get3A_802 = tpu.vector_load %arg9[%get3A, %get3A_801] {strides = array<i32>} : memref<200x64xf32, #tpu.memory_space<vmem>>, vector<1x16xf32>,
        %get3A_803 = vector.shape_cast %get3A_802 : vector<1x16xf32> to vector<16xf32>
        %add3A_804 = arith.addf %scan3A_789, %get3A_803 : vector<16xf32>
        %get3A_805 = arith.index_cast %add3A_800 : i32 to index
        %get3A_806 = arith.constant 16 : index
        %get3A_807 = tpu.vector_load %arg9[%get3A_805, %get3A_806] {strides = array<i32>} : memref<200x64xf32, #tpu.memory_space<vmem>>, vector<1x16xf32>,
        %get3A_808 = vector.shape_cast %get3A_807 : vector<1x16xf32> to vector<16xf32>
        %add3A_809 = arith.addf %scan3A_790, %get3A_808 : vector<16xf32>
        %get3A_810 = arith.index_cast %add3A_800 : i32 to index
        %get3A_811 = arith.constant 32 : index
        %get3A_812 = tpu.vector_load %arg9[%get3A_810, %get3A_811] {strides = array<i32>} : memref<200x64xf32, #tpu.memory_space<vmem>>, vector<1x16xf32>,
        %get3A_813 = vector.shape_cast %get3A_812 : vector<1x16xf32> to vector<16xf32>
        %add3A_814 = arith.addf %scan3A_791, %get3A_813 : vector<16xf32>
        %get3A_815 = arith.index_cast %add3A_800 : i32 to index
        %get3A_816 = arith.constant 48 : index
        %get3A_817 = tpu.vector_load %arg9[%get3A_815, %get3A_816] {strides = array<i32>} : memref<200x64xf32, #tpu.memory_space<vmem>>, vector<1x16xf32>,
        %get3A_818 = vector.shape_cast %get3A_817 : vector<1x16xf32> to vector<16xf32>
        %add3A_819 = arith.addf %scan3A_792, %get3A_818 : vector<16xf32>
        %mul3A_820 = arith.constant 8 : i32
        %mul3A_821 = arith.muli %scan3A_788, %mul3A_820 : i32
        %add3A_822 = arith.constant 1 : i32
        %add3A_823 = arith.addi %mul3A_821, %add3A_822 : i32
        %get3A_824 = arith.index_cast %add3A_823 : i32 to index
        %get3A_825 = arith.constant 0 : index
        %get3A_826 = tpu.vector_load %arg9[%get3A_824, %get3A_825] {strides = array<i32>} : memref<200x64xf32, #tpu.memory_space<vmem>>, vector<1x16xf32>,
        %get3A_827 = vector.shape_cast %get3A_826 : vector<1x16xf32> to vector<16xf32>
        %add3A_828 = arith.addf %scan3A_793, %get3A_827 : vector<16xf32>
        %get3A_829 = arith.index_cast %add3A_823 : i32 to index
        %get3A_830 = arith.constant 16 : index
        %get3A_831 = tpu.vector_load %arg9[%get3A_829, %get3A_830] {strides = array<i32>} : memref<200x64xf32, #tpu.memory_space<vmem>>, vector<1x16xf32>,
        %get3A_832 = vector.shape_cast %get3A_831 : vector<1x16xf32> to vector<16xf32>
        %add3A_833 = arith.addf %scan3A_794, %get3A_832 : vector<16xf32>
        %get3A_834 = arith.index_cast %add3A_823 : i32 to index
        %get3A_835 = arith.constant 32 : index
        %get3A_836 = tpu.vector_load %arg9[%get3A_834, %get3A_835] {strides = array<i32>} : memref<200x64xf32, #tpu.memory_space<vmem>>, vector<1x16xf32>,
        %get3A_837 = vector.shape_cast %get3A_836 : vector<1x16xf32> to vector<16xf32>
        %add3A_838 = arith.addf %scan3A_795, %get3A_837 : vector<16xf32>
        %get3A_839 = arith.index_cast %add3A_823 : i32 to index
        %get3A_840 = arith.constant 48 : index
        %get3A_841 = tpu.vector_load %arg9[%get3A_839, %get3A_840] {strides = array<i32>} : memref<200x64xf32, #tpu.memory_space<vmem>>, vector<1x16xf32>,
        %get3A_842 = vector.shape_cast %get3A_841 : vector<1x16xf32> to vector<16xf32>
        %add3A_843 = arith.addf %scan3A_796, %get3A_842 : vector<16xf32>
        %mul3A_844 = arith.constant 8 : i32
        %mul3A_845 = arith.muli %scan3A_788, %mul3A_844 : i32
        %add3A_846 = arith.constant 2 : i32
        %add3A_847 = arith.addi %mul3A_845, %add3A_846 : i32
        %get3A_848 = arith.index_cast %add3A_847 : i32 to index
        %get3A_849 = arith.constant 0 : index
        %get3A_850 = tpu.vector_load %arg9[%get3A_848, %get3A_849] {strides = array<i32>} : memref<200x64xf32, #tpu.memory_space<vmem>>, vector<1x16xf32>,
        %get3A_851 = vector.shape_cast %get3A_850 : vector<1x16xf32> to vector<16xf32>
        %add3A_852 = arith.addf %add3A_804, %get3A_851 : vector<16xf32>
        %get3A_853 = arith.index_cast %add3A_847 : i32 to index
        %get3A_854 = arith.constant 16 : index
        %get3A_855 = tpu.vector_load %arg9[%get3A_853, %get3A_854] {strides = array<i32>} : memref<200x64xf32, #tpu.memory_space<vmem>>, vector<1x16xf32>,
        %get3A_856 = vector.shape_cast %get3A_855 : vector<1x16xf32> to vector<16xf32>
        %add3A_857 = arith.addf %add3A_809, %get3A_856 : vector<16xf32>
        %get3A_858 = arith.index_cast %add3A_847 : i32 to index
        %get3A_859 = arith.constant 32 : index
        %get3A_860 = tpu.vector_load %arg9[%get3A_858, %get3A_859] {strides = array<i32>} : memref<200x64xf32, #tpu.memory_space<vmem>>, vector<1x16xf32>,
        %get3A_861 = vector.shape_cast %get3A_860 : vector<1x16xf32> to vector<16xf32>
        %add3A_862 = arith.addf %add3A_814, %get3A_861 : vector<16xf32>
        %get3A_863 = arith.index_cast %add3A_847 : i32 to index
        %get3A_864 = arith.constant 48 : index
        %get3A_865 = tpu.vector_load %arg9[%get3A_863, %get3A_864] {strides = array<i32>} : memref<200x64xf32, #tpu.memory_space<vmem>>, vector<1x16xf32>,
        %get3A_866 = vector.shape_cast %get3A_865 : vector<1x16xf32> to vector<16xf32>
        %add3A_867 = arith.addf %add3A_819, %get3A_866 : vector<16xf32>
        %mul3A_868 = arith.constant 8 : i32
        %mul3A_869 = arith.muli %scan3A_788, %mul3A_868 : i32
        %add3A_870 = arith.constant 3 : i32
        %add3A_871 = arith.addi %mul3A_869, %add3A_870 : i32
        %get3A_872 = arith.index_cast %add3A_871 : i32 to index
        %get3A_873 = arith.constant 0 : index
        %get3A_874 = tpu.vector_load %arg9[%get3A_872, %get3A_873] {strides = array<i32>} : memref<200x64xf32, #tpu.memory_space<vmem>>, vector<1x16xf32>,
        %get3A_875 = vector.shape_cast %get3A_874 : vector<1x16xf32> to vector<16xf32>
        %add3A_876 = arith.addf %add3A_828, %get3A_875 : vector<16xf32>
        %get3A_877 = arith.index_cast %add3A_871 : i32 to index
        %get3A_878 = arith.constant 16 : index
        %get3A_879 = tpu.vector_load %arg9[%get3A_877, %get3A_878] {strides = array<i32>} : memref<200x64xf32, #tpu.memory_space<vmem>>, vector<1x16xf32>,
        %get3A_880 = vector.shape_cast %get3A_879 : vector<1x16xf32> to vector<16xf32>
        %add3A_881 = arith.addf %add3A_833, %get3A_880 : vector<16xf32>
        %get3A_882 = arith.index_cast %add3A_871 : i32 to index
        %get3A_883 = arith.constant 32 : index
        %get3A_884 = tpu.vector_load %arg9[%get3A_882, %get3A_883] {strides = array<i32>} : memref<200x64xf32, #tpu.memory_space<vmem>>, vector<1x16xf32>,
        %get3A_885 = vector.shape_cast %get3A_884 : vector<1x16xf32> to vector<16xf32>
        %add3A_886 = arith.addf %add3A_838, %get3A_885 : vector<16xf32>
        %get3A_887 = arith.index_cast %add3A_871 : i32 to index
        %get3A_888 = arith.constant 48 : index
        %get3A_889 = tpu.vector_load %arg9[%get3A_887, %get3A_888] {strides = array<i32>} : memref<200x64xf32, #tpu.memory_space<vmem>>, vector<1x16xf32>,
        %get3A_890 = vector.shape_cast %get3A_889 : vector<1x16xf32> to vector<16xf32>
        %add3A_891 = arith.addf %add3A_843, %get3A_890 : vector<16xf32>
        %mul3A_892 = arith.constant 8 : i32
        %mul3A_893 = arith.muli %scan3A_788, %mul3A_892 : i32
        %add3A_894 = arith.constant 4 : i32
        %add3A_895 = arith.addi %mul3A_893, %add3A_894 : i32
        %get3A_896 = arith.index_cast %add3A_895 : i32 to index
        %get3A_897 = arith.constant 0 : index
        %get3A_898 = tpu.vector_load %arg9[%get3A_896, %get3A_897] {strides = array<i32>} : memref<200x64xf32, #tpu.memory_space<vmem>>, vector<1x16xf32>,
        %get3A_899 = vector.shape_cast %get3A_898 : vector<1x16xf32> to vector<16xf32>
        %add3A_900 = arith.addf %add3A_852, %get3A_899 : vector<16xf32>
        %get3A_901 = arith.index_cast %add3A_895 : i32 to index
        %get3A_902 = arith.constant 16 : index
        %get3A_903 = tpu.vector_load %arg9[%get3A_901, %get3A_902] {strides = array<i32>} : memref<200x64xf32, #tpu.memory_space<vmem>>, vector<1x16xf32>,
        %get3A_904 = vector.shape_cast %get3A_903 : vector<1x16xf32> to vector<16xf32>
        %add3A_905 = arith.addf %add3A_857, %get3A_904 : vector<16xf32>
        %get3A_906 = arith.index_cast %add3A_895 : i32 to index
        %get3A_907 = arith.constant 32 : index
        %get3A_908 = tpu.vector_load %arg9[%get3A_906, %get3A_907] {strides = array<i32>} : memref<200x64xf32, #tpu.memory_space<vmem>>, vector<1x16xf32>,
        %get3A_909 = vector.shape_cast %get3A_908 : vector<1x16xf32> to vector<16xf32>
        %add3A_910 = arith.addf %add3A_862, %get3A_909 : vector<16xf32>
        %get3A_911 = arith.index_cast %add3A_895 : i32 to index
        %get3A_912 = arith.constant 48 : index
        %get3A_913 = tpu.vector_load %arg9[%get3A_911, %get3A_912] {strides = array<i32>} : memref<200x64xf32, #tpu.memory_space<vmem>>, vector<1x16xf32>,
        %get3A_914 = vector.shape_cast %get3A_913 : vector<1x16xf32> to vector<16xf32>
        %add3A_915 = arith.addf %add3A_867, %get3A_914 : vector<16xf32>
        %mul3A_916 = arith.constant 8 : i32
        %mul3A_917 = arith.muli %scan3A_788, %mul3A_916 : i32
        %add3A_918 = arith.constant 5 : i32
        %add3A_919 = arith.addi %mul3A_917, %add3A_918 : i32
        %get3A_920 = arith.index_cast %add3A_919 : i32 to index
        %get3A_921 = arith.constant 0 : index
        %get3A_922 = tpu.vector_load %arg9[%get3A_920, %get3A_921] {strides = array<i32>} : memref<200x64xf32, #tpu.memory_space<vmem>>, vector<1x16xf32>,
        %get3A_923 = vector.shape_cast %get3A_922 : vector<1x16xf32> to vector<16xf32>
        %add3A_924 = arith.addf %add3A_876, %get3A_923 : vector<16xf32>
        %get3A_925 = arith.index_cast %add3A_919 : i32 to index
        %get3A_926 = arith.constant 16 : index
        %get3A_927 = tpu.vector_load %arg9[%get3A_925, %get3A_926] {strides = array<i32>} : memref<200x64xf32, #tpu.memory_space<vmem>>, vector<1x16xf32>,
        %get3A_928 = vector.shape_cast %get3A_927 : vector<1x16xf32> to vector<16xf32>
        %add3A_929 = arith.addf %add3A_881, %get3A_928 : vector<16xf32>
        %get3A_930 = arith.index_cast %add3A_919 : i32 to index
        %get3A_931 = arith.constant 32 : index
        %get3A_932 = tpu.vector_load %arg9[%get3A_930, %get3A_931] {strides = array<i32>} : memref<200x64xf32, #tpu.memory_space<vmem>>, vector<1x16xf32>,
        %get3A_933 = vector.shape_cast %get3A_932 : vector<1x16xf32> to vector<16xf32>
        %add3A_934 = arith.addf %add3A_886, %get3A_933 : vector<16xf32>
        %get3A_935 = arith.index_cast %add3A_919 : i32 to index
        %get3A_936 = arith.constant 48 : index
        %get3A_937 = tpu.vector_load %arg9[%get3A_935, %get3A_936] {strides = array<i32>} : memref<200x64xf32, #tpu.memory_space<vmem>>, vector<1x16xf32>,
        %get3A_938 = vector.shape_cast %get3A_937 : vector<1x16xf32> to vector<16xf32>
        %add3A_939 = arith.addf %add3A_891, %get3A_938 : vector<16xf32>
        %mul3A_940 = arith.constant 8 : i32
        %mul3A_941 = arith.muli %scan3A_788, %mul3A_940 : i32
        %add3A_942 = arith.constant 6 : i32
        %add3A_943 = arith.addi %mul3A_941, %add3A_942 : i32
        %get3A_944 = arith.index_cast %add3A_943 : i32 to index
        %get3A_945 = arith.constant 0 : index
        %get3A_946 = tpu.vector_load %arg9[%get3A_944, %get3A_945] {strides = array<i32>} : memref<200x64xf32, #tpu.memory_space<vmem>>, vector<1x16xf32>,
        %get3A_947 = vector.shape_cast %get3A_946 : vector<1x16xf32> to vector<16xf32>
        %add3A_948 = arith.addf %add3A_900, %get3A_947 : vector<16xf32>
        %get3A_949 = arith.index_cast %add3A_943 : i32 to index
        %get3A_950 = arith.constant 16 : index
        %get3A_951 = tpu.vector_load %arg9[%get3A_949, %get3A_950] {strides = array<i32>} : memref<200x64xf32, #tpu.memory_space<vmem>>, vector<1x16xf32>,
        %get3A_952 = vector.shape_cast %get3A_951 : vector<1x16xf32> to vector<16xf32>
        %add3A_953 = arith.addf %add3A_905, %get3A_952 : vector<16xf32>
        %get3A_954 = arith.index_cast %add3A_943 : i32 to index
        %get3A_955 = arith.constant 32 : index
        %get3A_956 = tpu.vector_load %arg9[%get3A_954, %get3A_955] {strides = array<i32>} : memref<200x64xf32, #tpu.memory_space<vmem>>, vector<1x16xf32>,
        %get3A_957 = vector.shape_cast %get3A_956 : vector<1x16xf32> to vector<16xf32>
        %add3A_958 = arith.addf %add3A_910, %get3A_957 : vector<16xf32>
        %get3A_959 = arith.index_cast %add3A_943 : i32 to index
        %get3A_960 = arith.constant 48 : index
        %get3A_961 = tpu.vector_load %arg9[%get3A_959, %get3A_960] {strides = array<i32>} : memref<200x64xf32, #tpu.memory_space<vmem>>, vector<1x16xf32>,
        %get3A_962 = vector.shape_cast %get3A_961 : vector<1x16xf32> to vector<16xf32>
        %add3A_963 = arith.addf %add3A_915, %get3A_962 : vector<16xf32>
        %mul3A_964 = arith.constant 8 : i32
        %mul3A_965 = arith.muli %scan3A_788, %mul3A_964 : i32
        %add3A_966 = arith.constant 7 : i32
        %add3A_967 = arith.addi %mul3A_965, %add3A_966 : i32
        %get3A_968 = arith.index_cast %add3A_967 : i32 to index
        %get3A_969 = arith.constant 0 : index
        %get3A_970 = tpu.vector_load %arg9[%get3A_968, %get3A_969] {strides = array<i32>} : memref<200x64xf32, #tpu.memory_space<vmem>>, vector<1x16xf32>,
        %get3A_971 = vector.shape_cast %get3A_970 : vector<1x16xf32> to vector<16xf32>
        %add3A_972 = arith.addf %add3A_924, %get3A_971 : vector<16xf32>
        %get3A_973 = arith.index_cast %add3A_967 : i32 to index
        %get3A_974 = arith.constant 16 : index
        %get3A_975 = tpu.vector_load %arg9[%get3A_973, %get3A_974] {strides = array<i32>} : memref<200x64xf32, #tpu.memory_space<vmem>>, vector<1x16xf32>,
        %get3A_976 = vector.shape_cast %get3A_975 : vector<1x16xf32> to vector<16xf32>
        %add3A_977 = arith.addf %add3A_929, %get3A_976 : vector<16xf32>
        %get3A_978 = arith.index_cast %add3A_967 : i32 to index
        %get3A_979 = arith.constant 32 : index
        %get3A_980 = tpu.vector_load %arg9[%get3A_978, %get3A_979] {strides = array<i32>} : memref<200x64xf32, #tpu.memory_space<vmem>>, vector<1x16xf32>,
        %get3A_981 = vector.shape_cast %get3A_980 : vector<1x16xf32> to vector<16xf32>
        %add3A_982 = arith.addf %add3A_934, %get3A_981 : vector<16xf32>
        %get3A_983 = arith.index_cast %add3A_967 : i32 to index
        %get3A_984 = arith.constant 48 : index
        %get3A_985 = tpu.vector_load %arg9[%get3A_983, %get3A_984] {strides = array<i32>} : memref<200x64xf32, #tpu.memory_space<vmem>>, vector<1x16xf32>,
        %get3A_986 = vector.shape_cast %get3A_985 : vector<1x16xf32> to vector<16xf32>
        %add3A_987 = arith.addf %add3A_939, %get3A_986 : vector<16xf32>
        scf.yield %add3A_948, %add3A_953, %add3A_958, %add3A_963, %add3A_972, %add3A_977, %add3A_982, %add3A_987 : vector<16xf32>, vector<16xf32>, vector<16xf32>, vector<16xf32>, vector<16xf32>, vector<16xf32>, vector<16xf32>, vector<16xf32>
      }
      %scan3A_661 = arith.constant 25 : i32
      %add3A_662 = arith.addf %scan3A_660#0, %scan3A_660#4 : vector<16xf32>
      %add3A_663 = arith.addf %scan3A_660#1, %scan3A_660#5 : vector<16xf32>
      %add3A_664 = arith.addf %scan3A_660#2, %scan3A_660#6 : vector<16xf32>
      %add3A_665 = arith.addf %scan3A_660#3, %scan3A_660#7 : vector<16xf32>
      %mul3A_666 = vector.broadcast %scan3A : f32 to vector<16xf32>
      %mul3A_667 = arith.mulf %add3A_662, %mul3A_666 : vector<16xf32>
      %jit3A_668 = arith.constant 8 : i32
      %eq3A_669 = arith.constant 0 : i32
      %eq3A_670 = arith.cmpi eq, %jit3A_668, %eq3A_669 : i32
      %jit3A_671 = arith.constant 1 : i32
      %select_n3A_672 = arith.select %eq3A_670, %jit3A_671, %jit3A_668 : i32
      %rem3A_673 = arith.remsi %add3A_653, %select_n3A_672 : i32
      %ne3A_674 = arith.constant 0 : i32
      %ne3A_675 = arith.cmpi ne, %rem3A_673, %ne3A_674 : i32
      %lt3A_676 = arith.constant 0 : i32
      %lt3A_677 = arith.cmpi slt, %rem3A_673, %lt3A_676 : i32
      %lt3A_678 = arith.constant 0 : i32
      %lt3A_679 = arith.cmpi slt, %select_n3A_672, %lt3A_678 : i32
      %ne3A_680 = arith.xori %lt3A_677, %lt3A_679 : i1
      %and3A_681 = arith.andi %ne3A_680, %ne3A_675 : i1
      %add3A_682 = arith.addi %rem3A_673, %select_n3A_672 : i32
      %select_n3A_683 = arith.select %and3A_681, %add3A_682, %rem3A_673 : i32
      %swap3A_684 = arith.index_cast %select_n3A_683 : i32 to index
      %swap3A_685 = arith.constant 0 : index
      %swap3A_686 = tpu.vector_load %arg10[%swap3A_684, %swap3A_685] {strides = array<i32>} : memref<8x64xf32, #tpu.memory_space<vmem>>, vector<1x16xf32>,
      %swap3A_687 = vector.shape_cast %swap3A_686 : vector<1x16xf32> to vector<16xf32>
      %swap3A_688 = vector.shape_cast %mul3A_667 : vector<16xf32> to vector<1x16xf32>
      tpu.vector_store %arg10[%swap3A_684, %swap3A_685], %swap3A_688 {strides = array<i32>} : memref<8x64xf32, #tpu.memory_space<vmem>>, vector<1x16xf32>,
      %mul3A_689 = vector.broadcast %scan3A : f32 to vector<16xf32>
      %mul3A_690 = arith.mulf %add3A_663, %mul3A_689 : vector<16xf32>
      %jit3A_691 = arith.constant 8 : i32
      %eq3A_692 = arith.constant 0 : i32
      %eq3A_693 = arith.cmpi eq, %jit3A_691, %eq3A_692 : i32
      %jit3A_694 = arith.constant 1 : i32
      %select_n3A_695 = arith.select %eq3A_693, %jit3A_694, %jit3A_691 : i32
      %rem3A_696 = arith.remsi %add3A_653, %select_n3A_695 : i32
      %ne3A_697 = arith.constant 0 : i32
      %ne3A_698 = arith.cmpi ne, %rem3A_696, %ne3A_697 : i32
      %lt3A_699 = arith.constant 0 : i32
      %lt3A_700 = arith.cmpi slt, %rem3A_696, %lt3A_699 : i32
      %lt3A_701 = arith.constant 0 : i32
      %lt3A_702 = arith.cmpi slt, %select_n3A_695, %lt3A_701 : i32
      %ne3A_703 = arith.xori %lt3A_700, %lt3A_702 : i1
      %and3A_704 = arith.andi %ne3A_703, %ne3A_698 : i1
      %add3A_705 = arith.addi %rem3A_696, %select_n3A_695 : i32
      %select_n3A_706 = arith.select %and3A_704, %add3A_705, %rem3A_696 : i32
      %swap3A_707 = arith.index_cast %select_n3A_706 : i32 to index
      %swap3A_708 = arith.constant 16 : index
      %swap3A_709 = tpu.vector_load %arg10[%swap3A_707, %swap3A_708] {strides = array<i32>} : memref<8x64xf32, #tpu.memory_space<vmem>>, vector<1x16xf32>,
      %swap3A_710 = vector.shape_cast %swap3A_709 : vector<1x16xf32> to vector<16xf32>
      %swap3A_711 = vector.shape_cast %mul3A_690 : vector<16xf32> to vector<1x16xf32>
      tpu.vector_store %arg10[%swap3A_707, %swap3A_708], %swap3A_711 {strides = array<i32>} : memref<8x64xf32, #tpu.memory_space<vmem>>, vector<1x16xf32>,
      %mul3A_712 = vector.broadcast %scan3A : f32 to vector<16xf32>
      %mul3A_713 = arith.mulf %add3A_664, %mul3A_712 : vector<16xf32>
      %jit3A_714 = arith.constant 8 : i32
      %eq3A_715 = arith.constant 0 : i32
      %eq3A_716 = arith.cmpi eq, %jit3A_714, %eq3A_715 : i32
      %jit3A_717 = arith.constant 1 : i32
      %select_n3A_718 = arith.select %eq3A_716, %jit3A_717, %jit3A_714 : i32
      %rem3A_719 = arith.remsi %add3A_653, %select_n3A_718 : i32
      %ne3A_720 = arith.constant 0 : i32
      %ne3A_721 = arith.cmpi ne, %rem3A_719, %ne3A_720 : i32
      %lt3A_722 = arith.constant 0 : i32
      %lt3A_723 = arith.cmpi slt, %rem3A_719, %lt3A_722 : i32
      %lt3A_724 = arith.constant 0 : i32
      %lt3A_725 = arith.cmpi slt, %select_n3A_718, %lt3A_724 : i32
      %ne3A_726 = arith.xori %lt3A_723, %lt3A_725 : i1
      %and3A_727 = arith.andi %ne3A_726, %ne3A_721 : i1
      %add3A_728 = arith.addi %rem3A_719, %select_n3A_718 : i32
      %select_n3A_729 = arith.select %and3A_727, %add3A_728, %rem3A_719 : i32
      %swap3A_730 = arith.index_cast %select_n3A_729 : i32 to index
      %swap3A_731 = arith.constant 32 : index
      %swap3A_732 = tpu.vector_load %arg10[%swap3A_730, %swap3A_731] {strides = array<i32>} : memref<8x64xf32, #tpu.memory_space<vmem>>, vector<1x16xf32>,
      %swap3A_733 = vector.shape_cast %swap3A_732 : vector<1x16xf32> to vector<16xf32>
      %swap3A_734 = vector.shape_cast %mul3A_713 : vector<16xf32> to vector<1x16xf32>
      tpu.vector_store %arg10[%swap3A_730, %swap3A_731], %swap3A_734 {strides = array<i32>} : memref<8x64xf32, #tpu.memory_space<vmem>>, vector<1x16xf32>,
      %mul3A_735 = vector.broadcast %scan3A : f32 to vector<16xf32>
      %mul3A_736 = arith.mulf %add3A_665, %mul3A_735 : vector<16xf32>
      %jit3A_737 = arith.constant 8 : i32
      %eq3A_738 = arith.constant 0 : i32
      %eq3A_739 = arith.cmpi eq, %jit3A_737, %eq3A_738 : i32
      %jit3A_740 = arith.constant 1 : i32
      %select_n3A_741 = arith.select %eq3A_739, %jit3A_740, %jit3A_737 : i32
      %rem3A_742 = arith.remsi %add3A_653, %select_n3A_741 : i32
      %ne3A_743 = arith.constant 0 : i32
      %ne3A_744 = arith.cmpi ne, %rem3A_742, %ne3A_743 : i32
      %lt3A_745 = arith.constant 0 : i32
      %lt3A_746 = arith.cmpi slt, %rem3A_742, %lt3A_745 : i32
      %lt3A_747 = arith.constant 0 : i32
      %lt3A_748 = arith.cmpi slt, %select_n3A_741, %lt3A_747 : i32
      %ne3A_749 = arith.xori %lt3A_746, %lt3A_748 : i1
      %and3A_750 = arith.andi %ne3A_749, %ne3A_744 : i1
      %add3A_751 = arith.addi %rem3A_742, %select_n3A_741 : i32
      %select_n3A_752 = arith.select %and3A_750, %add3A_751, %rem3A_742 : i32
      %swap3A_753 = arith.index_cast %select_n3A_752 : i32 to index
      %swap3A_754 = arith.constant 48 : index
      %swap3A_755 = tpu.vector_load %arg10[%swap3A_753, %swap3A_754] {strides = array<i32>} : memref<8x64xf32, #tpu.memory_space<vmem>>, vector<1x16xf32>,
      %swap3A_756 = vector.shape_cast %swap3A_755 : vector<1x16xf32> to vector<16xf32>
      %swap3A_757 = vector.shape_cast %mul3A_736 : vector<16xf32> to vector<1x16xf32>
      tpu.vector_store %arg10[%swap3A_753, %swap3A_754], %swap3A_757 {strides = array<i32>} : memref<8x64xf32, #tpu.memory_space<vmem>>, vector<1x16xf32>,
      %jit3A_758 = arith.constant 2 : i32
      %eq3A_759 = arith.constant 0 : i32
      %eq3A_760 = arith.cmpi eq, %jit3A_758, %eq3A_759 : i32
      %jit3A_761 = arith.constant 1 : i32
      %select_n3A_762 = arith.select %eq3A_760, %jit3A_761, %jit3A_758 : i32
      %rem3A_763 = arith.remsi %scan3A_113, %select_n3A_762 : i32
      %ne3A_764 = arith.constant 0 : i32
      %ne3A_765 = arith.cmpi ne, %rem3A_763, %ne3A_764 : i32
      %lt3A_766 = arith.constant 0 : i32
      %lt3A_767 = arith.cmpi slt, %rem3A_763, %lt3A_766 : i32
      %lt3A_768 = arith.constant 0 : i32
      %lt3A_769 = arith.cmpi slt, %select_n3A_762, %lt3A_768 : i32
      %ne3A_770 = arith.xori %lt3A_767, %lt3A_769 : i1
      %and3A_771 = arith.andi %ne3A_770, %ne3A_765 : i1
      %add3A_772 = arith.addi %rem3A_763, %select_n3A_762 : i32
      %select_n3A_773 = arith.select %and3A_771, %add3A_772, %rem3A_763 : i32
      %mul3A_774 = arith.constant 4 : i32
      %mul3A_775 = arith.muli %select_n3A_773, %mul3A_774 : i32
      %mul3A_776 = arith.constant 512 : i32
      %mul3A_777 = arith.muli %add3A, %mul3A_776 : i32
      %add3A_778 = arith.addi %mul3A_777, %mul3A_116 : i32
      %dma_start3A_779 = arith.constant 0 : i32
      %dma_start3A_780 = tpu.memref_slice %arg10[%mul3A_775, %dma_start3A_779] : memref<8x64xf32, #tpu.memory_space<vmem>> -> memref<4x64xf32, #tpu.memory_space<vmem>>
      %dma_start3A_781 = arith.constant 0 : i32
      %dma_start3A_782 = tpu.memref_slice %arg4[%add3A_778, %dma_start3A_781] : memref<16384x64xf32, #tpu.memory_space<hbm>> -> memref<4x64xf32, #tpu.memory_space<hbm>>
      %dma_start3A_783 = arith.constant 0 : i32
      %dma_start3A_784 = tpu.memref_slice %arg4[%add3A_778, %dma_start3A_783] : memref<16384x64xf32, #tpu.memory_space<hbm>> -> memref<4x64xf32, #tpu.memory_space<hbm>>
      %dma_start3A_785 = arith.constant 0 : i32
      %dma_start3A_786 = tpu.memref_slice %arg10[%mul3A_775, %dma_start3A_785] : memref<8x64xf32, #tpu.memory_space<vmem>> -> memref<4x64xf32, #tpu.memory_space<vmem>>
      tpu.enqueue_dma source(%dma_start3A_786 : memref<4x64xf32, #tpu.memory_space<vmem>>) target(%dma_start3A_784 : memref<4x64xf32, #tpu.memory_space<hbm>>) target_semaphore(%arg16 : memref<!tpu.dma_semaphore, #tpu.memory_space<semaphore_mem>>)
      %scan3A_787 = arith.constant 0 : i32
      scf.yield %scan3A_787 : i32
    }
    %scan3A_89 = arith.constant 128 : i32
    %mul3A_90 = arith.constant 512 : i32
    %mul3A_91 = arith.muli %add3A, %mul3A_90 : i32
    %dma_wait3A = arith.constant 0 : i32
    %dma_wait3A_92 = arith.constant 0 : i32
    %dma_wait3A_93 = tpu.memref_slice %arg10[%dma_wait3A, %dma_wait3A_92] : memref<8x64xf32, #tpu.memory_space<vmem>> -> memref<4x64xf32, #tpu.memory_space<vmem>>
    %dma_wait3A_94 = arith.constant 0 : i32
    %dma_wait3A_95 = tpu.memref_slice %arg4[%mul3A_91, %dma_wait3A_94] : memref<16384x64xf32, #tpu.memory_space<hbm>> -> memref<4x64xf32, #tpu.memory_space<hbm>>
    %dma_wait3A_96 = arith.constant 0 : i32
    %dma_wait3A_97 = tpu.memref_slice %arg4[%mul3A_91, %dma_wait3A_96] : memref<16384x64xf32, #tpu.memory_space<hbm>> -> memref<4x64xf32, #tpu.memory_space<hbm>>
    %dma_wait3A_98 = arith.constant 0 : i32
    %dma_wait3A_99 = arith.constant 0 : i32
    %dma_wait3A_100 = tpu.memref_slice %arg10[%dma_wait3A_98, %dma_wait3A_99] : memref<8x64xf32, #tpu.memory_space<vmem>> -> memref<4x64xf32, #tpu.memory_space<vmem>>
    tpu.wait_dma2 semaphore(%arg16 : memref<!tpu.dma_semaphore, #tpu.memory_space<semaphore_mem>>) src(%dma_wait3A_100 : memref<4x64xf32, #tpu.memory_space<vmem>>) dst(%dma_wait3A_97 : memref<4x64xf32, #tpu.memory_space<hbm>>)
    %mul3A_101 = arith.constant 512 : i32
    %mul3A_102 = arith.muli %add3A, %mul3A_101 : i32
    %dma_wait3A_103 = arith.constant 0 : i32
    %dma_wait3A_104 = arith.constant 0 : i32
    %dma_wait3A_105 = tpu.memref_slice %arg10[%dma_wait3A_103, %dma_wait3A_104] : memref<8x64xf32, #tpu.memory_space<vmem>> -> memref<4x64xf32, #tpu.memory_space<vmem>>
    %dma_wait3A_106 = arith.constant 0 : i32
    %dma_wait3A_107 = tpu.memref_slice %arg4[%mul3A_102, %dma_wait3A_106] : memref<16384x64xf32, #tpu.memory_space<hbm>> -> memref<4x64xf32, #tpu.memory_space<hbm>>
    %dma_wait3A_108 = arith.constant 0 : i32
    %dma_wait3A_109 = tpu.memref_slice %arg4[%mul3A_102, %dma_wait3A_108] : memref<16384x64xf32, #tpu.memory_space<hbm>> -> memref<4x64xf32, #tpu.memory_space<hbm>>
    %dma_wait3A_110 = arith.constant 0 : i32
    %dma_wait3A_111 = arith.constant 0 : i32
    %dma_wait3A_112 = tpu.memref_slice %arg10[%dma_wait3A_110, %dma_wait3A_111] : memref<8x64xf32, #tpu.memory_space<vmem>> -> memref<4x64xf32, #tpu.memory_space<vmem>>
    tpu.wait_dma2 semaphore(%arg16 : memref<!tpu.dma_semaphore, #tpu.memory_space<semaphore_mem>>) src(%dma_wait3A_112 : memref<4x64xf32, #tpu.memory_space<vmem>>) dst(%dma_wait3A_109 : memref<4x64xf32, #tpu.memory_space<hbm>>)
    return
  }
}

module attributes {stable_mosaic.version = 14 : i64} {
  func.func @_mlp_body(%arg0: i32, %arg1: memref<1024x64xf32, #tpu.memory_space<vmem>>, %arg2: memref<64x512xf32, #tpu.memory_space<vmem>>, %arg3: memref<1x512xf32, #tpu.memory_space<vmem>>, %arg4: memref<512x256xf32, #tpu.memory_space<vmem>>, %arg5: memref<1x256xf32, #tpu.memory_space<vmem>>, %arg6: memref<256x128xf32, #tpu.memory_space<vmem>>, %arg7: memref<1x128xf32, #tpu.memory_space<vmem>>, %arg8: memref<1024x128xf32, #tpu.memory_space<vmem>>) attributes {dimension_semantics = [#tpu.dimension_semantics<arbitrary>], iteration_bounds = array<i64: 16>, scalar_prefetch = 0 : i64, scratch_operands = 0 : i64, tpu.core_type = #tpu.core_type<tc>, window_params = [{transform_indices = @transform_0, window_bounds = array<i64: 1024, 64>}, {pipeline_mode = #tpu.pipeline_mode<synchronous>, transform_indices = @transform_1, window_bounds = array<i64: 64, 512>}, {pipeline_mode = #tpu.pipeline_mode<synchronous>, transform_indices = @transform_2, window_bounds = array<i64: 1, 512>}, {pipeline_mode = #tpu.pipeline_mode<synchronous>, transform_indices = @transform_3, window_bounds = array<i64: 512, 256>}, {pipeline_mode = #tpu.pipeline_mode<synchronous>, transform_indices = @transform_4, window_bounds = array<i64: 1, 256>}, {pipeline_mode = #tpu.pipeline_mode<synchronous>, transform_indices = @transform_5, window_bounds = array<i64: 256, 128>}, {pipeline_mode = #tpu.pipeline_mode<synchronous>, transform_indices = @transform_6, window_bounds = array<i64: 1, 128>}, {transform_indices = @transform_7, window_bounds = array<i64: 1024, 128>}]} {
    %get3A = arith.constant 0 : index
    %get3A_0 = arith.constant 0 : index
    %get3A_1 = vector.load %arg1[%get3A, %get3A_0] : memref<1024x64xf32, #tpu.memory_space<vmem>>, vector<1024x64xf32>
    %get3A_2 = arith.constant 0 : index
    %get3A_3 = arith.constant 0 : index
    %get3A_4 = vector.load %arg2[%get3A_2, %get3A_3] : memref<64x512xf32, #tpu.memory_space<vmem>>, vector<64x512xf32>
    %dot_general3A = arith.constant dense<0.000000e+00> : vector<1024x512xf32>
    %dot_general3A_5 = tpu.matmul %get3A_1, %get3A_4, %dot_general3A {dimension_numbers = #tpu.dot_dimension_numbers<[1], [0], [0], [1], [0, 0, 1, 1], [], []>, transpose_lhs_hint = false} : vector<1024x64xf32>, vector<64x512xf32>, vector<1024x512xf32> -> vector<1024x512xf32>
    %get3A_6 = arith.constant 0 : index
    %get3A_7 = arith.constant 0 : index
    %get3A_8 = vector.load %arg3[%get3A_6, %get3A_7] : memref<1x512xf32, #tpu.memory_space<vmem>>, vector<1x512xf32>
    %add3A = vector.broadcast %get3A_8 : vector<1x512xf32> to vector<1024x512xf32>
    %add3A_9 = arith.addf %dot_general3A_5, %add3A : vector<1024x512xf32>
    %max3A = arith.constant 0.000000e+00 : f32
    %max3A_10 = vector.broadcast %max3A : f32 to vector<1024x512xf32>
    %max3A_11 = arith.maximumf %add3A_9, %max3A_10 : vector<1024x512xf32>
    %get3A_12 = arith.constant 0 : index
    %get3A_13 = arith.constant 0 : index
    %get3A_14 = vector.load %arg4[%get3A_12, %get3A_13] : memref<512x256xf32, #tpu.memory_space<vmem>>, vector<512x256xf32>
    %dot_general3A_15 = arith.constant dense<0.000000e+00> : vector<1024x256xf32>
    %dot_general3A_16 = tpu.matmul %max3A_11, %get3A_14, %dot_general3A_15 {dimension_numbers = #tpu.dot_dimension_numbers<[1], [0], [0], [1], [0, 0, 1, 1], [], []>, transpose_lhs_hint = false} : vector<1024x512xf32>, vector<512x256xf32>, vector<1024x256xf32> -> vector<1024x256xf32>
    %get3A_17 = arith.constant 0 : index
    %get3A_18 = arith.constant 0 : index
    %get3A_19 = vector.load %arg5[%get3A_17, %get3A_18] : memref<1x256xf32, #tpu.memory_space<vmem>>, vector<1x256xf32>
    %add3A_20 = vector.broadcast %get3A_19 : vector<1x256xf32> to vector<1024x256xf32>
    %add3A_21 = arith.addf %dot_general3A_16, %add3A_20 : vector<1024x256xf32>
    %max3A_22 = arith.constant 0.000000e+00 : f32
    %max3A_23 = vector.broadcast %max3A_22 : f32 to vector<1024x256xf32>
    %max3A_24 = arith.maximumf %add3A_21, %max3A_23 : vector<1024x256xf32>
    %get3A_25 = arith.constant 0 : index
    %get3A_26 = arith.constant 0 : index
    %get3A_27 = vector.load %arg6[%get3A_25, %get3A_26] : memref<256x128xf32, #tpu.memory_space<vmem>>, vector<256x128xf32>
    %dot_general3A_28 = arith.constant dense<0.000000e+00> : vector<1024x128xf32>
    %dot_general3A_29 = tpu.matmul %max3A_24, %get3A_27, %dot_general3A_28 {dimension_numbers = #tpu.dot_dimension_numbers<[1], [0], [0], [1], [0, 0, 1, 1], [], []>, transpose_lhs_hint = false} : vector<1024x256xf32>, vector<256x128xf32>, vector<1024x128xf32> -> vector<1024x128xf32>
    %get3A_30 = arith.constant 0 : index
    %get3A_31 = arith.constant 0 : index
    %get3A_32 = vector.load %arg7[%get3A_30, %get3A_31] : memref<1x128xf32, #tpu.memory_space<vmem>>, vector<1x128xf32>
    %add3A_33 = vector.broadcast %get3A_32 : vector<1x128xf32> to vector<1024x128xf32>
    %add3A_34 = arith.addf %dot_general3A_29, %add3A_33 : vector<1024x128xf32>
    %swap3A = arith.constant 0 : index
    %swap3A_35 = arith.constant 0 : index
    %swap3A_36 = vector.load %arg8[%swap3A, %swap3A_35] : memref<1024x128xf32, #tpu.memory_space<vmem>>, vector<1024x128xf32>
    tpu.vector_store %arg8[%swap3A, %swap3A_35], %add3A_34 {strides = array<i32>} : memref<1024x128xf32, #tpu.memory_space<vmem>>, vector<1024x128xf32>,
    return
  }
  func.func @transform_0(%arg0: i32) -> (i32, i32) {
    %c0_i32 = arith.constant 0 : i32
    %c0_i32_0 = arith.constant 0 : i32
    return %arg0, %c0_i32 : i32, i32
  }
  func.func @transform_1(%arg0: i32) -> (i32, i32) {
    %c0_i32 = arith.constant 0 : i32
    %c0_i32_0 = arith.constant 0 : i32
    %c0_i32_1 = arith.constant 0 : i32
    return %c0_i32, %c0_i32_0 : i32, i32
  }
  func.func @transform_2(%arg0: i32) -> (i32, i32) {
    %c0_i32 = arith.constant 0 : i32
    %c0_i32_0 = arith.constant 0 : i32
    %c0_i32_1 = arith.constant 0 : i32
    return %c0_i32, %c0_i32_0 : i32, i32
  }
  func.func @transform_3(%arg0: i32) -> (i32, i32) {
    %c0_i32 = arith.constant 0 : i32
    %c0_i32_0 = arith.constant 0 : i32
    %c0_i32_1 = arith.constant 0 : i32
    return %c0_i32, %c0_i32_0 : i32, i32
  }
  func.func @transform_4(%arg0: i32) -> (i32, i32) {
    %c0_i32 = arith.constant 0 : i32
    %c0_i32_0 = arith.constant 0 : i32
    %c0_i32_1 = arith.constant 0 : i32
    return %c0_i32, %c0_i32_0 : i32, i32
  }
  func.func @transform_5(%arg0: i32) -> (i32, i32) {
    %c0_i32 = arith.constant 0 : i32
    %c0_i32_0 = arith.constant 0 : i32
    %c0_i32_1 = arith.constant 0 : i32
    return %c0_i32, %c0_i32_0 : i32, i32
  }
  func.func @transform_6(%arg0: i32) -> (i32, i32) {
    %c0_i32 = arith.constant 0 : i32
    %c0_i32_0 = arith.constant 0 : i32
    %c0_i32_1 = arith.constant 0 : i32
    return %c0_i32, %c0_i32_0 : i32, i32
  }
  func.func @transform_7(%arg0: i32) -> (i32, i32) {
    %c0_i32 = arith.constant 0 : i32
    %c0_i32_0 = arith.constant 0 : i32
    return %arg0, %c0_i32 : i32, i32
  }
}

</mosaic_0001>

<sc_bundles>
// kernel: kernel.5.cloned.1.call-start
scs
__scs_entry_jumppad:
0x0: {  	(pc) =	sbr.rel $0x88, $3  }
0x1: {  	(tag) =	ssettag $0x0;
	lr =	simm.s32 $0x1  }
0x2: {  	[smem:$0x3F99] =	sst lr;
	_ =	strace $0xD0000000  }
0x3: {  	_ = 	snop  }
0x4: {  	_ = 	snop  }
0x5: {  	_ = 	snop  }
0x6: {  	_ = 	snop  }
0x7: {  	_ = 	snop  }
__scs_overlays_trampoline_lowered:
0x8: {  	[smem:$0x3FA8] =	sst s0  }
0x9: {  	[smem:$0x3FA9] =	sst s1  }
0xa: {  	[smem:$0x3FAA] =	sst s2  }
0xb: {  	[smem:$0x3FAB] =	sst s3  }
0xc: {  	[smem:$0x3FAC] =	sst s4  }
0xd: {  	[smem:$0x3FAD] =	sst s5  }
0xe: {  	[smem:$0x3FAE] =	sst s6  }
0xf: {  	[smem:$0x3FAF] =	sst s7  }
0x10: {  	[smem:$0x3FB0] =	sst s8  }
0x11: {  	[smem:$0x3FB1] =	sst s9;
	s0 =	simm.s32 @!p0 $0x0  }
0x12: {  	s1 =	sld [smem:$0x3F97];
	s0 =	simm.s32 @p0 $0x1  }
0x13: {  	[smem:$0x3FB2] =	sst s0;
	s0 =	simm.s32 @!p1 $0x0  }
0x14: {  	s2 =	sld [smem:$0x3F96];
	s0 =	simm.s32 @p1 $0x1  }
0x15: {  	[smem:$0x3FB3] =	sst s0;
	s0 =	simm.s32 @!p2 $0x0  }
0x16: {  	s3 =	sld [smem:$0x3FDB];
	s0 =	simm.s32 @p2 $0x1  }
0x17: {  	s4 =	simm.s32 $0x1BF5;
	[smem:$0x3FB5] =	sst s0  }
0x18: {  	s0 =	sld [smem:$0x3F98];
	_ =	swait.ge [sflag:s4], $0x0  }
0x19: {  	s7 =	sld [smem:$0x3F99]  }
0x1a: {  	s8 =	sadd.s32 $0xFFFFE003, lr  }
0x1b: {  	s9 =	sadd.s32 $0xFFFFFEF7, lr;
	s5 =	simm.s32 $0xFFFFFFFF;
	p2 =	slt.u32 s8, $0xFFFFF086  }
0x1c: {  	p1 =	slt.u32 s9, $0xF7A;
	s5 =	simm.s32 @!p2 $0x0  }
0x1d: {  	s5 =	simm.s32 @p1 $0x1;
	p0 =	seq.s32 s7, s2  }
0x1e: {  	s7 =	smul.u32 @!p0 $0xF7A, s2;
	p2 =	seq.s32 @!p0 s5, $0x0  }
0x1f: {  	s9 =	smul.u32 $0xF7A, s1;
	s8 =	simm.s32 @!p0 $0x1BF5;
	p2 =	por !p2, p0  }
0x20: {  	[sflag:s8] =	ssyncset.s32 @!p0 $0xFFFFF086;
	s6 =	sadd.s32 @!p0 s3, s7;
	s7 =	simm.s32 @!p0 $0x108  }
0x21: {  	s3 =	sadd.s32 s3, s9;
	s6 =	sadd.s32 @!p0 $0x88, s6;
	s7 =	simm.s32 @p2 $0x1082  }
0x22: {  	[simem:s7], [sflag:s8] =	dma.local @!p0 [hbm:s6], $0xF7A  }
0x23: {  	s9 =	sor.u32 $0xD0000000, s2;
	s6 =	simm.s32 $0x108;
	_ =	swait.ge @!p0 [sflag:s8], $0x0  }
0x24: {  	s3 =	sadd.s32 $0x88, s3;
	s6 =	simm.s32 @!p1 $0x1082;
	[sflag:s4] =	ssyncset.s32 $0xFFFFF086  }
0x25: {  	[simem:s6], [sflag:s4] =	dma.local [hbm:s3], $0xF7A  }
0x26: {  	[smem:$0x3F99] =	sst s1;
	(tag) =	ssettag s2;
	_ =	strace s9  }
0x27: {  	s1 =	sld [smem:$0x3FA9]  }
0x28: {  	s2 =	sld [smem:$0x3FAA]  }
0x29: {  	s4 =	sld [smem:$0x3FAC]  }
0x2a: {  	p0 =	seq.s32 s5, $0x0;
	s5 =	sld [smem:$0x3FAD]  }
0x2b: {  	s6 =	sld [smem:$0x3FAE]  }
0x2c: {  	s7 =	sld [smem:$0x3FAF]  }
0x2d: {  	s3 =	simm.s32 $0x108;
	s8 =	sld [smem:$0x3FB0]  }
0x2e: {  	s3 =	simm.s32 @!p0 $0x1082;
	s9 =	sld [smem:$0x3FB1]  }
0x2f: {  	lr =	sadd.s32 s0, s3;
	s0 =	sld [smem:$0x3FA8]  }
0x30: {  	s3 =	sld [smem:$0x3FAB]  }
0x31: {  	[smem:$0x3FB4] =	sst s10  }
0x32: {  	s10 =	sld [smem:$0x3FB2];
	_ =	sdelay $0x3  }
0x33: {  	p0 =	seq.s32 s10, $0x1;
	s10 =	sld [smem:$0x3FB4];
	_ =	sdelay $0x3  }
0x34: {  	[smem:$0x3FB4] =	sst s10  }
0x35: {  	s10 =	sld [smem:$0x3FB3];
	_ =	sdelay $0x3  }
0x36: {  	p1 =	seq.s32 s10, $0x1;
	s10 =	sld [smem:$0x3FB4];
	_ =	sdelay $0x3  }
0x37: {  	[smem:$0x3FB4] =	sst s10  }
0x38: {  	s10 =	sld [smem:$0x3FB5]  }
0x39: {  	_ = 	snop;
	(pc) =	sbr.ind lr, $3  }
0x3a: {  	_ = 	snop  }
0x3b: {  	_ = 	snop  }
0x3c: {  	p2 =	seq.s32 s10, $0x1;
	s10 =	sld [smem:$0x3FB4]  }
0x3d: {  	_ =	shalt  }
0x3e: {  	_ =	shalt  }
0x3f: {  	_ =	shalt  }
0x40: {  	_ =	shalt  }
0x41: {  	_ =	shalt  }
0x42: {  	_ =	shalt  }
0x43: {  	_ =	shalt  }
0x44: {  	_ =	shalt  }
0x45: {  	_ =	shalt  }
0x46: {  	_ =	shalt  }
0x47: {  	_ =	shalt  }
0x48: {  	_ =	shalt  }
0x49: {  	_ =	shalt  }
0x4a: {  	_ =	shalt  }
0x4b: {  	_ =	shalt  }
0x4c: {  	_ =	shalt  }
0x4d: {  	_ =	shalt  }
0x4e: {  	_ =	shalt  }
0x4f: {  	_ =	shalt  }
0x50: {  	_ =	shalt  }
0x51: {  	_ =	shalt  }
0x52: {  	_ =	shalt  }
0x53: {  	_ =	shalt  }
0x54: {  	_ =	shalt  }
0x55: {  	_ =	shalt  }
0x56: {  	_ =	shalt  }
0x57: {  	_ =	shalt  }
0x58: {  	_ =	shalt  }
0x59: {  	_ =	shalt  }
0x5a: {  	_ =	shalt  }
0x5b: {  	_ =	shalt  }
0x5c: {  	_ =	shalt  }
0x5d: {  	_ =	shalt  }
0x5e: {  	_ =	shalt  }
0x5f: {  	_ =	shalt  }
0x60: {  	_ =	shalt  }
0x61: {  	_ =	shalt  }
0x62: {  	_ =	shalt  }
0x63: {  	_ =	shalt  }
0x64: {  	_ =	shalt  }
0x65: {  	_ =	shalt  }
0x66: {  	_ =	shalt  }
0x67: {  	_ =	shalt  }
0x68: {  	_ =	shalt  }
0x69: {  	_ =	shalt  }
0x6a: {  	_ =	shalt  }
0x6b: {  	_ =	shalt  }
0x6c: {  	_ =	shalt  }
0x6d: {  	_ =	shalt  }
0x6e: {  	_ =	shalt  }
0x6f: {  	_ =	shalt  }
0x70: {  	_ =	shalt  }
0x71: {  	_ =	shalt  }
0x72: {  	_ =	shalt  }
0x73: {  	_ =	shalt  }
0x74: {  	_ =	shalt  }
0x75: {  	_ =	shalt  }
0x76: {  	_ =	shalt  }
0x77: {  	_ =	shalt  }
0x78: {  	_ =	shalt  }
0x79: {  	_ =	shalt  }
0x7a: {  	_ =	shalt  }
0x7b: {  	_ =	shalt  }
0x7c: {  	_ =	shalt  }
0x7d: {  	_ =	shalt  }
0x7e: {  	_ =	shalt  }
0x7f: {  	_ =	shalt  }
0x80: {  	_ =	shalt  }
0x81: {  	_ =	shalt  }
0x82: {  	_ =	shalt  }
0x83: {  	_ =	shalt  }
0x84: {  	_ =	shalt  }
0x85: {  	_ =	shalt  }
0x86: {  	_ =	shalt  }
0x87: {  	_ =	shalt  }
.Lfunc_end0:
.L_simem_size_0:
called_computation_lowered:
.L_overlay_start_0:
0x88: {  	s2 =	sld [smem:$0x3FD9]  }
0x89: {  	s3 =	sld [smem:$0x3FFE];
	_ =	sdelay $0x1  }
0x8a: {  	s1 =	srdreg.scid  }
0x8b: {  	s0 =	sand.u32 $0x1, s1  }
0x8c: {  	s17 =	sshll.u32 s0, $0xA;
	s2 =	sadd.s32 s3, s2  }
0x8d: {  	s2 =	sadd.s32 s2, s17  }
0x8e: {  	[smem:$0x3FC0] =	sst s2  }
0x8f: {  	_ = 	snop  }
0x90: {  	s2 =	sld [smem:$0x3FC8]  }
0x91: {  	s18 =	sld [smem:$0x3FD0];
	(tm) =	ssettm $0x1  }
0x92: {  	s4 =	sld [smem:$0x3FFB];
	_ =	sdelay $0x3  }
0x93: {  	_ =	strace s4  }
0x94: {  	s4 =	sld [smem:$0x3FFC];
	_ =	sdelay $0x3  }
0x95: {  	_ =	strace s4  }
0x96: {  	s4 =	sld [smem:$0x3FFD];
	_ =	sdelay $0x3  }
0x97: {  	_ =	strace s4  }
0x98: {  	_ =	strace $0x8FFFFFFF  }
0x99: {  	s19 =	sld [smem:$0x3FDB];
	_ =	sdelay $0x1  }
0x9a: {  	s5 =	simm.s32 $_scs_section_size  }
0x9b: {  	s6 =	simm.s32 $_size__tile_overlayer_lowered;
	s7 =	simm.s32 $_tile_overlayer_lowered  }
0x9c: {  	s22 =	simm.s32 $0x1BFF;
	s21 =	sshll.u32 s7, $0x1;
	s4 =	sadd.s32 s5, s19  }
0x9d: {  	s8 =	simm.s32 $0x0;
	s20 =	sshll.u32 s6, $0x1;
	s6 =	sadd.s32 s21, s4  }
0x9e: {  	[timem:s8], [sflag:s22] =	dma.local [hbm:s6], s20  }
0x9f: {  	_ =	swait.ge [sflag:s22], s20  }
0xa0: {  	s5 =	ssub.s32 $0x0, s20;
	[sflag:s22] =	ssyncset.done $0x0  }
0xa1: {  	[sflag:s22] =	ssyncadd.s32 s5;
	_ =	sdelay $0x1  }
0xa2: {  	s23 =	simm.s32 $0x1B8B  }
0xa3: {  	_ =	swait.ge [sflag:s23], $0x1  }
0xa4: {  	[sflag:s23] =	ssyncset.done $0x0  }
0xa5: {  	s25 =	simm.s32 $0x1B8E;
	s24 =	sld [smem:$0x3FFE];
	[sflag:s23] =	ssyncadd.s32 $0xFFFFFFFF  }
0xa6: {  	s26 =	simm.s32 $execute0_lowered;
	[smem:$0x3FD2] =	sst s25  }
0xa7: {  	s6 =	sshll.u32 s26, $0x1;
	_ =	strace $0x80000046;
	[dreg:$0x1] =	wrdreg $0xFFFFFFFF  }
0xa8: {  	s28 =	simm.s32 $_size_execute0_lowered;
	s4 =	sadd.s32 s4, s6;
	[dreg:$0x0] =	wrdreg $0x0  }
0xa9: {  	s6 =	sshll.u32 s28, $0x1;
	[dreg:$0x2] =	wrdreg s4  }
0xaa: {  	[dreg:$0x3] =	wrdreg s6  }
0xab: {  	[dreg:$0x4] =	wrdreg $0xC0  }
0xac: {  	_ =	task [dreg:s8], $0x5FFFF  }
0xad: {  	[dreg:$0x1] =	wrdreg $0xFFFFFFFF  }
0xae: {  	[dreg:$0x0] =	wrdreg $0x60  }
0xaf: {  	[dreg:$0x2] =	wrdreg s2  }
0xb0: {  	[dreg:$0x3] =	wrdreg s18  }
0xb1: {  	[dreg:$0x4] =	wrdreg s24  }
0xb2: {  	[dreg:$0x5] =	wrdreg $0x9  }
0xb3: {  	_ =	task.clear_ibuf [dreg:s8], $0x6FFFF;
	_ =	strace $0x90000046  }
0xb4: {  	s29 =	simm.s32 $0x9;
	_ =	strace $0x80000048  }
0xb5: {  	_ =	swait.ge [sflag:s29], $0x1  }
0xb6: {  	[sflag:s29] =	ssyncadd.s32 $0xFFFFFFFF  }
0xb7: {  	_ =	strace $0x90000048  }
0xb8: {  	_ =	sfence  }
0xb9: {  	s30 =	sld [smem:$0x0];
	_ =	sdelay $0x2  }
0xba: {  	s31 =	sshll.u32 s1, $0xD;
	s1 =	sshrl.u32 s1, $0x2  }
0xbb: {  	s3 =	sand.u32 $0x4000, s31;
	s1 =	sadd.s32 s1, s30  }
0xbc: {  	s0 =	sor.u32 s3, s0;
	s1 =	sshll.u32 s1, $0x11  }
0xbd: {  	s0 =	sor.u32 s1, s0  }
0xbe: {  	s0 =	sadd.s32 $0x8F2B, s0  }
0xbf: {  	[sflag:s0] =	ssyncadd.remote.s32 $0x1  }
0xc0: {  	_ =	sfence.sel $0xFFFF  }
0xc1: {  	[dreg:$0x0] =	wrdreg $0xFFFFFFFF;
	(pc) =	sbr.abs _section_cstart, $3  }
0xc2: {  	[dreg:$0x1] =	wrdreg $0xFFFFFFFF  }
0xc3: {  	_ =	task.clear_ibuf [dreg:s8], $0x2FFFF;
	_ =	strace $0x9FFFFFFF  }
0xc4: {  	(tm) =	ssettm $0x7FFFFFFF  }
0xc5: {  	_ =	shalt  }
tec
execute0_lowered:
.L_overlay_start_1:
0x0: {  	(tag) =	ssettag $0x1  }
0x1: {  	s9 =	rddreg [dreg:$0x0]  }
0x2: {  	s2 =	rddreg [dreg:$0x1];
	s1 =	srdreg.scid  }
0x3: {  	s0 =	stileid.u32;
	s10 =	rddreg [dreg:$0x2]  }
0x4: {  	s3 =	simm.s32 $0x0;
	s12 =	simm.s32 $0x400;
	s13 =	simm.s32 $0x7A1400  }
0x5: {  	s14 =	simm.s32 $0x2000;
	s15 =	simm.s32 $0x1;
	s16 =	simm.s32 $0x4000  }
0x6: {  	s17 =	simm.s32 $0x2;
	s18 =	simm.s32 $0x6000;
	s19 =	simm.s32 $0x3  }
0x7: {  	s20 =	simm.s32 $0x4;
	s5 =	sand.u32 $0x1, s1;
	s1 =	rddreg [dreg:$0x3]  }
0x8: {  	s21 =	simm.s32 $0x0;
	s4 =	sshll.u32 s0, $0x1;
	[smem:$0x7FF] =	sst s3  }
.Ltmp0:
0x9: {  	s6 =	sadd.s32 $0x1600, s10;
	s10 =	sadd.s32 $0x7A2600, s10;
	(pc) =	sbr.rel .LBB2_1-.Ltmp0, $4  }
0xa: {  	s4 =	sor.u32 s5, s4;
	s7 =	ssub.s32 $0x2, s5;
	_ =	strace $0x80000047  }
0xb: {  	s31 =	sshll.u32 s4, $0x7;
	s8 =	sshrl.u32 s7, $0x1;
	p0 =	sne.s32 s4, $0x0  }
0xc: {  	v0 =	vlaneseq.u32;
	s5 =	sadd.s32 s9, s31;
	s11 =	ssub.s32 s7, s8;
	s8 =	sadd.s32 $0x2000, s9  }
0xd: {  	v0 =	vmul.u32 $0x40, v0;
	s9 =	sadd.s32 $0x3000, s9;
	s7 =	sadd.s32 $0x1000, s5;
	s11 =	smax.u32 s11, $0x1  }
.LBB2_12:
0xe: {  	_ =	swait.ge [sflag:s19], $0x2000  }
0xf: {  	[sflag:s19] =	ssyncset.done $0x0  }
0x10: {  	[sflag:s19] =	ssyncadd.s32 $0xFFFFE000  }
0x11: {  	_ =	swait.ge [sflag:s20], $0x2000  }
0x12: {  	s22 =	simm.s32 @!p0 $0x0;
	[sflag:s20] =	ssyncset.done $0x0  }
0x13: {  	s23 =	simm.s32 @!p0 $0x8000;
	s24 =	simm.s32 @!p0 $0x5;
	[sflag:s20] =	ssyncadd.s32 $0xFFFFE000  }
0x14: {  	[tilespmem:s23], [sflag:$0x5] =	stream.linear.gather @!p0 [hbm4b:s2+s22], $0x1000, $0x38;
	[tilespmem:$0x9000] =	vst v63  }
0x15: {  	s21 =	sadd.s32 $0x1, s21;
	_ =	swait.ge @!p0 [sflag:s24], $0x1000  }
0x16: {  	p1 =	sne.s32 s21, s11;
	[sflag:s24] =	ssyncset.done @!p0 $0x0  }
.Ltmp1:
0x17: {  	[sflag:s24] =	ssyncadd.s32 @!p0 $0xFFFFF000;
	(pc) =	sbr.rel @!p1 .LBB2_13-.Ltmp1, $4  }
0x18: {  	[hbm4b:s10+s22] =	stream.linear.scatter @!p0 [tilespmem:s23], [sflag:$0x5], $0x1000, $0x38;
	[tilespmem:$0x9000] =	vst v63  }
0x19: {  	_ =	swait.ge @!p0 [sflag:s24], $0x1000  }
0x1a: {  	[sflag:s24] =	ssyncset.done @!p0 $0x0  }
0x1b: {  	[sflag:s24] =	ssyncadd.s32 @!p0 $0xFFFFF000  }
.LBB2_1:
.Ltmp2:
0x1c: {  	(pc) =	sbr.rel .LBB2_2-.Ltmp2, $4  }
0x1d: {  	_ = 	snop  }
0x1e: {  	[tilespmem:s3], [sflag:$0x1] =	stream.strided.gather [hbm4b:s5+s12], $0x2000, s13, s12, $0x38;
	[tilespmem:$0x9000] =	vst v63  }
0x1f: {  	s22 =	simm.s32 $0x0  }
0x20: {  	[tilespmem:s14], [sflag:$0x2] =	stream.strided.gather [hbm4b:s7+s12], $0x2000, s13, s12, $0x38;
	[tilespmem:$0x9000] =	vst v63  }
.LBB2_11:
0x21: {  	s22 =	sadd.s32 $0x1, s22  }
0x22: {  	p1 =	sne.s32 s22, $0x7B  }
.Ltmp3:
0x23: {  	_ = 	snop;
	(pc) =	sbr.rel @!p1 .LBB2_12-.Ltmp3, $1  }
0x24: {  	_ =	sdelay $0x3  }
.LBB2_2:
0x25: {  	s23 =	sshll.u32 s22, $0x6  }
0x26: {  	s23 =	sor.u32 s4, s23  }
0x27: {  	p1 =	sgt.u32 s23, $0x1E83  }
.Ltmp4:
0x28: {  	_ = 	snop;
	(pc) =	sbr.rel @p1 .LBB2_11-.Ltmp4, $1  }
0x29: {  	_ =	sdelay $0x3  }
0x2a: {  	_ =	swait.ge [sflag:s15], $0x2000  }
0x2b: {  	p1 =	seq.s32 s22, $0x0;
	[sflag:s15] =	ssyncset.done $0x0  }
0x2c: {  	s24 =	simm.s32 @!p1 $0x3;
	[sflag:s15] =	ssyncadd.s32 $0xFFFFE000  }
0x2d: {  	_ =	swait.ge @!p1 [sflag:s24], $0x2000  }
0x2e: {  	[sflag:s24] =	ssyncset.done @!p1 $0x0  }
0x2f: {  	s26 =	simm.s32 $0x0;
	s25 =	simm.s32 $0x40;
	[sflag:s24] =	ssyncadd.s32 @!p1 $0xFFFFE000  }
0x30: {  	s28 =	simm.s32 $0x1;
	v2 =	vor.u32 s26, v0;
	s24 =	sor.u32 $0x20, s23;
	v1 =	vld [tilespmem:s25+$0xFFFFFFC0]  }
.LBB2_4:
0x31: {  	p2 =	sne.s32 s28, $0x3F;
	_ =	sdelay $0x3  }
0x32: {  	s29 =	sadd.s32 $0x400, s26;
	[tilespmem:v2+s16+$0x0] =	vst.idx.msk $0xffff, v1  }
0x33: {  	v2 =	vor.u32 s29, v0;
	v1 =	vld [tilespmem:s25+$0xFFFFFFD0];
	_ =	sdelay $0x4  }
0x34: {  	s29 =	sadd.s32 $0x800, s26;
	[tilespmem:v2+s16+$0x0] =	vst.idx.msk $0xffff, v1  }
0x35: {  	v2 =	vor.u32 s29, v0;
	v1 =	vld [tilespmem:s25+$0xFFFFFFE0];
	_ =	sdelay $0x4  }
0x36: {  	s29 =	sadd.s32 $0xC00, s26;
	[tilespmem:v2+s16+$0x0] =	vst.idx.msk $0xffff, v1  }
0x37: {  	v2 =	vor.u32 s29, v0;
	v1 =	vld [tilespmem:s25+$0xFFFFFFF0];
	_ =	sdelay $0x4  }
0x38: {  	s29 =	sadd.s32 $0x1000, s26;
	[tilespmem:v2+s16+$0x0] =	vst.idx.msk $0xffff, v1  }
0x39: {  	v2 =	vor.u32 s29, v0;
	v1 =	vld [tilespmem:s25+$0x0];
	_ =	sdelay $0x4  }
0x3a: {  	s29 =	sadd.s32 $0x1400, s26;
	[tilespmem:v2+s16+$0x0] =	vst.idx.msk $0xffff, v1  }
0x3b: {  	v2 =	vor.u32 s29, v0;
	v1 =	vld [tilespmem:s25+$0x10];
	_ =	sdelay $0x4  }
0x3c: {  	s29 =	sadd.s32 $0x1800, s26;
	[tilespmem:v2+s16+$0x0] =	vst.idx.msk $0xffff, v1  }
0x3d: {  	v2 =	vor.u32 s29, v0;
	v1 =	vld [tilespmem:s25+$0x20];
	_ =	sdelay $0x4  }
0x3e: {  	s29 =	sadd.s32 $0x1C00, s26;
	s26 =	smov.u32 s28;
	[tilespmem:v2+s16+$0x0] =	vst.idx.msk $0xffff, v1  }
0x3f: {  	v2 =	vor.u32 s29, v0;
	v1 =	vld [tilespmem:s25+$0x30];
	_ =	sdelay $0x1  }
.Ltmp5:
0x40: {  	(pc) =	sbr.rel @p2 .LBB2_4-.Ltmp5, $3  }
0x41: {  	_ =	sdelay $0x1  }
0x42: {  	s25 =	sadd.s32 $0x80, s25;
	[tilespmem:v2+s16+$0x0] =	vst.idx.msk $0xffff, v1  }
0x43: {  	s28 =	sadd.s32 $0x1, s28;
	v2 =	vor.u32 s26, v0;
	v1 =	vld [tilespmem:s25+$0xFFFFFFC0]  }
0x44: {  	_ =	sdelay $0x3  }
0x45: {  	s28 =	sadd.s32 $0x400, s26;
	[tilespmem:v2+s16+$0x0] =	vst.idx.msk $0xffff, v1  }
0x46: {  	v2 =	vor.u32 s28, v0;
	v1 =	vld [tilespmem:s25+$0xFFFFFFD0];
	_ =	sdelay $0x4  }
0x47: {  	s31 =	sadd.s32 $0x800, s26;
	[tilespmem:v2+s16+$0x0] =	vst.idx.msk $0xffff, v1  }
0x48: {  	v2 =	vor.u32 s31, v0;
	v1 =	vld [tilespmem:s25+$0xFFFFFFE0];
	_ =	sdelay $0x4  }
0x49: {  	s29 =	sadd.s32 $0xC00, s26;
	[tilespmem:v2+s16+$0x0] =	vst.idx.msk $0xffff, v1  }
0x4a: {  	v2 =	vor.u32 s29, v0;
	v1 =	vld [tilespmem:s25+$0xFFFFFFF0];
	_ =	sdelay $0x4  }
0x4b: {  	s30 =	sadd.s32 $0x1000, s26;
	[tilespmem:v2+s16+$0x0] =	vst.idx.msk $0xffff, v1  }
0x4c: {  	v2 =	vor.u32 s30, v0;
	v1 =	vld [tilespmem:s25+$0x0];
	_ =	sdelay $0x4  }
0x4d: {  	s31 =	sadd.s32 $0x1400, s26;
	[tilespmem:v2+s16+$0x0] =	vst.idx.msk $0xffff, v1  }
0x4e: {  	v2 =	vor.u32 s31, v0;
	v1 =	vld [tilespmem:s25+$0x10];
	_ =	sdelay $0x4  }
0x4f: {  	s29 =	sadd.s32 $0x1800, s26;
	[tilespmem:v2+s16+$0x0] =	vst.idx.msk $0xffff, v1  }
0x50: {  	v2 =	vor.u32 s29, v0;
	v1 =	vld [tilespmem:s25+$0x20];
	_ =	sdelay $0x4  }
0x51: {  	s30 =	sadd.s32 $0x1C00, s26;
	[tilespmem:v2+s16+$0x0] =	vst.idx.msk $0xffff, v1  }
0x52: {  	v2 =	vor.u32 s30, v0;
	v1 =	vld [tilespmem:s25+$0x30]  }
0x53: {  	p2 =	sgt.u32 s23, $0x1E43  }
.Ltmp6:
0x54: {  	_ = 	snop;
	(pc) =	sbr.rel @p2 .LBB2_7-.Ltmp6, $4  }
0x55: {  	_ = 	snop  }
0x56: {  	s31 =	sshll.u32 s23, $0xA  }
0x57: {  	s25 =	sadd.s32 s6, s31;
	[tilespmem:v2+s16+$0x0] =	vst.idx.msk $0xffff, v1  }
0x58: {  	[hbm4b:s25+s3] =	stream.linear.scatter [tilespmem:s16], [sflag:$0x3], $0x2000, $0x38;
	[tilespmem:$0x9000] =	vst v63  }
.Ltmp7:
0x59: {  	(pc) =	sbr.rel .LBB2_8-.Ltmp7, $4  }
0x5a: {  	_ = 	snop  }
0x5b: {  	s25 =	sshll.u32 s23, $0x7  }
0x5c: {  	s25 =	sadd.s32 s25, s8  }
0x5d: {  	[tilespmem:s3], [sflag:$0x1] =	stream.strided.gather [hbm4b:s25+s12], $0x2000, s13, s12, $0x38;
	[tilespmem:$0x9000] =	vst v63  }
.LBB2_7:
0x5e: {  	p2 =	sgt.u32 s24, $0x1E83  }
.Ltmp8:
0x5f: {  	_ = 	snop;
	(pc) =	sbr.rel @p2 .LBB2_11-.Ltmp8, $1  }
0x60: {  	_ =	sdelay $0x3  }
.LBB2_8:
0x61: {  	_ =	swait.ge [sflag:s17], $0x2000  }
0x62: {  	[sflag:s17] =	ssyncset.done $0x0  }
0x63: {  	s25 =	simm.s32 @!p1 $0x4;
	[sflag:s17] =	ssyncadd.s32 $0xFFFFE000  }
0x64: {  	_ =	swait.ge @!p1 [sflag:s25], $0x2000  }
0x65: {  	[sflag:s25] =	ssyncset.done @!p1 $0x0  }
0x66: {  	s26 =	simm.s32 $0x0;
	[sflag:s25] =	ssyncadd.s32 @!p1 $0xFFFFE000;
	s25 =	simm.s32 $0x2040  }
0x67: {  	s28 =	simm.s32 $0x1;
	v2 =	vor.u32 s26, v0;
	v1 =	vld [tilespmem:s25+$0xFFFFFFC0]  }
.LBB2_9:
0x68: {  	p1 =	sne.s32 s28, $0x3F;
	_ =	sdelay $0x3  }
0x69: {  	s29 =	sadd.s32 $0x400, s26;
	[tilespmem:v2+s18+$0x0] =	vst.idx.msk $0xffff, v1  }
0x6a: {  	v2 =	vor.u32 s29, v0;
	v1 =	vld [tilespmem:s25+$0xFFFFFFD0];
	_ =	sdelay $0x4  }
0x6b: {  	s29 =	sadd.s32 $0x800, s26;
	[tilespmem:v2+s18+$0x0] =	vst.idx.msk $0xffff, v1  }
0x6c: {  	v2 =	vor.u32 s29, v0;
	v1 =	vld [tilespmem:s25+$0xFFFFFFE0];
	_ =	sdelay $0x4  }
0x6d: {  	s29 =	sadd.s32 $0xC00, s26;
	[tilespmem:v2+s18+$0x0] =	vst.idx.msk $0xffff, v1  }
0x6e: {  	v2 =	vor.u32 s29, v0;
	v1 =	vld [tilespmem:s25+$0xFFFFFFF0];
	_ =	sdelay $0x4  }
0x6f: {  	s29 =	sadd.s32 $0x1000, s26;
	[tilespmem:v2+s18+$0x0] =	vst.idx.msk $0xffff, v1  }
0x70: {  	v2 =	vor.u32 s29, v0;
	v1 =	vld [tilespmem:s25+$0x0];
	_ =	sdelay $0x4  }
0x71: {  	s29 =	sadd.s32 $0x1400, s26;
	[tilespmem:v2+s18+$0x0] =	vst.idx.msk $0xffff, v1  }
0x72: {  	v2 =	vor.u32 s29, v0;
	v1 =	vld [tilespmem:s25+$0x10];
	_ =	sdelay $0x4  }
0x73: {  	s29 =	sadd.s32 $0x1800, s26;
	[tilespmem:v2+s18+$0x0] =	vst.idx.msk $0xffff, v1  }
0x74: {  	v2 =	vor.u32 s29, v0;
	v1 =	vld [tilespmem:s25+$0x20];
	_ =	sdelay $0x4  }
0x75: {  	s29 =	sadd.s32 $0x1C00, s26;
	s26 =	smov.u32 s28;
	[tilespmem:v2+s18+$0x0] =	vst.idx.msk $0xffff, v1  }
0x76: {  	v2 =	vor.u32 s29, v0;
	v1 =	vld [tilespmem:s25+$0x30];
	_ =	sdelay $0x1  }
.Ltmp9:
0x77: {  	(pc) =	sbr.rel @p1 .LBB2_9-.Ltmp9, $3  }
0x78: {  	_ =	sdelay $0x1  }
0x79: {  	s25 =	sadd.s32 $0x80, s25;
	[tilespmem:v2+s18+$0x0] =	vst.idx.msk $0xffff, v1  }
0x7a: {  	s28 =	sadd.s32 $0x1, s28;
	v2 =	vor.u32 s26, v0;
	v1 =	vld [tilespmem:s25+$0xFFFFFFC0]  }
0x7b: {  	_ =	sdelay $0x3  }
0x7c: {  	s28 =	sadd.s32 $0x400, s26;
	[tilespmem:v2+s18+$0x0] =	vst.idx.msk $0xffff, v1  }
0x7d: {  	v2 =	vor.u32 s28, v0;
	v1 =	vld [tilespmem:s25+$0xFFFFFFD0];
	_ =	sdelay $0x4  }
0x7e: {  	s29 =	sadd.s32 $0x800, s26;
	[tilespmem:v2+s18+$0x0] =	vst.idx.msk $0xffff, v1  }
0x7f: {  	v2 =	vor.u32 s29, v0;
	v1 =	vld [tilespmem:s25+$0xFFFFFFE0];
	_ =	sdelay $0x4  }
0x80: {  	s30 =	sadd.s32 $0xC00, s26;
	[tilespmem:v2+s18+$0x0] =	vst.idx.msk $0xffff, v1  }
0x81: {  	v2 =	vor.u32 s30, v0;
	v1 =	vld [tilespmem:s25+$0xFFFFFFF0];
	_ =	sdelay $0x4  }
0x82: {  	s31 =	sadd.s32 $0x1000, s26;
	[tilespmem:v2+s18+$0x0] =	vst.idx.msk $0xffff, v1  }
0x83: {  	v2 =	vor.u32 s31, v0;
	v1 =	vld [tilespmem:s25+$0x0];
	_ =	sdelay $0x4  }
0x84: {  	s29 =	sadd.s32 $0x1400, s26;
	[tilespmem:v2+s18+$0x0] =	vst.idx.msk $0xffff, v1  }
0x85: {  	v2 =	vor.u32 s29, v0;
	v1 =	vld [tilespmem:s25+$0x10];
	_ =	sdelay $0x4  }
0x86: {  	s30 =	sadd.s32 $0x1800, s26;
	[tilespmem:v2+s18+$0x0] =	vst.idx.msk $0xffff, v1  }
0x87: {  	v2 =	vor.u32 s30, v0;
	v1 =	vld [tilespmem:s25+$0x20];
	_ =	sdelay $0x4  }
0x88: {  	s31 =	sadd.s32 $0x1C00, s26;
	[tilespmem:v2+s18+$0x0] =	vst.idx.msk $0xffff, v1  }
0x89: {  	v2 =	vor.u32 s31, v0;
	v1 =	vld [tilespmem:s25+$0x30];
	_ =	sdelay $0x2  }
0x8a: {  	p1 =	sgt.u32 s23, $0x1E23  }
.Ltmp10:
0x8b: {  	s24 =	sshll.u32 s24, $0xA;
	s23 =	sshll.u32 @!p1 s23, $0x7;
	(pc) =	sbr.rel .LBB2_11-.Ltmp10, $4  }
0x8c: {  	s24 =	sadd.s32 s6, s24;
	s23 =	sadd.s32 @!p1 s23, s9;
	[tilespmem:v2+s18+$0x0] =	vst.idx.msk $0xffff, v1  }
0x8d: {  	[hbm4b:s24+s3] =	stream.linear.scatter [tilespmem:s18], [sflag:$0x4], $0x2000, $0x38;
	[tilespmem:$0x9000] =	vst v63  }
0x8e: {  	s26 =	simm.s32 @!p1 $0x2000;
	s25 =	simm.s32 @!p1 $0x7A1400;
	s24 =	simm.s32 @!p1 $0x400  }
0x8f: {  	[tilespmem:s26], [sflag:$0x2] =	stream.strided.gather @!p1 [hbm4b:s23+s24], $0x2000, s25, s24, $0x38;
	[tilespmem:$0x9000] =	vst v63  }
.LBB2_13:
0x90: {  	_ =	sfence.sel $0x180000  }
0x91: {  	[bflag:$0x0] =	sbarrier.arrive $0xFFFF  }
0x92: {  	p0 =	sne.s32 s0, $0x0;
	_ =	strace $0x90000047  }
0x93: {  	s0 =	sadd.s32 @!p0 $0x100000, s1;
	[bflag:$0x2] =	sbarrier.arrive $0xFFFF  }
0x94: {  	[sflag:s0] =	ssyncadd.tile.s32 @!p0 $0x1;
	_ =	shalt  }
.Lfunc_end2:
_tile_overlayer_lowered:
.L_overlay_start_2:
0x95: {  	(tag) =	ssettag $0x2  }
0x96: {  	s0 =	rddreg [dreg:$0x0];
	s2 =	stileid.u32  }
0x97: {  	s1 =	rddreg [dreg:$0x1];
	p0 =	sne.s32 s2, $0x0  }
0x98: {  	s3 =	rddreg [dreg:$0x2];
	[bflag:$0x3] =	sbarrier.arrive $0xFFFF;
	s2 =	simm.s32 @!p0 $0x1C05  }
0x99: {  	[timem:s3], [sflag:s2] =	dma.local @!p0 [hbm:s0], s1  }
0x9a: {  	s0 =	simm.s32 @!p0 $0x5  }
0x9b: {  	_ =	swait.ge @!p0 [sflag:s0], s1  }
0x9c: {  	s1 =	ssub.s32 @!p0 $0x0, s1;
	[sflag:s0] =	ssyncset.done @!p0 $0x0  }
0x9d: {  	[sflag:s0] =	ssyncadd.s32 @!p0 s1  }
0x9e: {  	[bflag:$0x3] =	sbarrier.arrive $0xFFFF  }
0x9f: {  	_ =	shalt  }

// kernel: kernel.8.cloned.1.call-start
scs
__scs_entry_jumppad:
0x0: {  	(pc) =	sbr.rel $0x88, $3  }
0x1: {  	(tag) =	ssettag $0x0;
	lr =	simm.s32 $0x1  }
0x2: {  	[smem:$0x3F99] =	sst lr;
	_ =	strace $0xD0000000  }
0x3: {  	_ = 	snop  }
0x4: {  	_ = 	snop  }
0x5: {  	_ = 	snop  }
0x6: {  	_ = 	snop  }
0x7: {  	_ = 	snop  }
__scs_overlays_trampoline_lowered:
0x8: {  	[smem:$0x3FA8] =	sst s0  }
0x9: {  	[smem:$0x3FA9] =	sst s1  }
0xa: {  	[smem:$0x3FAA] =	sst s2  }
0xb: {  	[smem:$0x3FAB] =	sst s3  }
0xc: {  	[smem:$0x3FAC] =	sst s4  }
0xd: {  	[smem:$0x3FAD] =	sst s5  }
0xe: {  	[smem:$0x3FAE] =	sst s6  }
0xf: {  	[smem:$0x3FAF] =	sst s7  }
0x10: {  	[smem:$0x3FB0] =	sst s8  }
0x11: {  	[smem:$0x3FB1] =	sst s9;
	s0 =	simm.s32 @!p0 $0x0  }
0x12: {  	s1 =	sld [smem:$0x3F97];
	s0 =	simm.s32 @p0 $0x1  }
0x13: {  	[smem:$0x3FB2] =	sst s0;
	s0 =	simm.s32 @!p1 $0x0  }
0x14: {  	s2 =	sld [smem:$0x3F96];
	s0 =	simm.s32 @p1 $0x1  }
0x15: {  	[smem:$0x3FB3] =	sst s0;
	s0 =	simm.s32 @!p2 $0x0  }
0x16: {  	s3 =	sld [smem:$0x3FDB];
	s0 =	simm.s32 @p2 $0x1  }
0x17: {  	s4 =	simm.s32 $0x1BF5;
	[smem:$0x3FB5] =	sst s0  }
0x18: {  	s0 =	sld [smem:$0x3F98];
	_ =	swait.ge [sflag:s4], $0x0  }
0x19: {  	s7 =	sld [smem:$0x3F99]  }
0x1a: {  	s8 =	sadd.s32 $0xFFFFE003, lr  }
0x1b: {  	s9 =	sadd.s32 $0xFFFFFEF7, lr;
	s5 =	simm.s32 $0xFFFFFFFF;
	p2 =	slt.u32 s8, $0xFFFFF086  }
0x1c: {  	p1 =	slt.u32 s9, $0xF7A;
	s5 =	simm.s32 @!p2 $0x0  }
0x1d: {  	s5 =	simm.s32 @p1 $0x1;
	p0 =	seq.s32 s7, s2  }
0x1e: {  	s7 =	smul.u32 @!p0 $0xF7A, s2;
	p2 =	seq.s32 @!p0 s5, $0x0  }
0x1f: {  	s9 =	smul.u32 $0xF7A, s1;
	s8 =	simm.s32 @!p0 $0x1BF5;
	p2 =	por !p2, p0  }
0x20: {  	[sflag:s8] =	ssyncset.s32 @!p0 $0xFFFFF086;
	s6 =	sadd.s32 @!p0 s3, s7;
	s7 =	simm.s32 @!p0 $0x108  }
0x21: {  	s3 =	sadd.s32 s3, s9;
	s6 =	sadd.s32 @!p0 $0x88, s6;
	s7 =	simm.s32 @p2 $0x1082  }
0x22: {  	[simem:s7], [sflag:s8] =	dma.local @!p0 [hbm:s6], $0xF7A  }
0x23: {  	s9 =	sor.u32 $0xD0000000, s2;
	s6 =	simm.s32 $0x108;
	_ =	swait.ge @!p0 [sflag:s8], $0x0  }
0x24: {  	s3 =	sadd.s32 $0x88, s3;
	s6 =	simm.s32 @!p1 $0x1082;
	[sflag:s4] =	ssyncset.s32 $0xFFFFF086  }
0x25: {  	[simem:s6], [sflag:s4] =	dma.local [hbm:s3], $0xF7A  }
0x26: {  	[smem:$0x3F99] =	sst s1;
	(tag) =	ssettag s2;
	_ =	strace s9  }
0x27: {  	s1 =	sld [smem:$0x3FA9]  }
0x28: {  	s2 =	sld [smem:$0x3FAA]  }
0x29: {  	s4 =	sld [smem:$0x3FAC]  }
0x2a: {  	p0 =	seq.s32 s5, $0x0;
	s5 =	sld [smem:$0x3FAD]  }
0x2b: {  	s6 =	sld [smem:$0x3FAE]  }
0x2c: {  	s7 =	sld [smem:$0x3FAF]  }
0x2d: {  	s3 =	simm.s32 $0x108;
	s8 =	sld [smem:$0x3FB0]  }
0x2e: {  	s3 =	simm.s32 @!p0 $0x1082;
	s9 =	sld [smem:$0x3FB1]  }
0x2f: {  	lr =	sadd.s32 s0, s3;
	s0 =	sld [smem:$0x3FA8]  }
0x30: {  	s3 =	sld [smem:$0x3FAB]  }
0x31: {  	[smem:$0x3FB4] =	sst s10  }
0x32: {  	s10 =	sld [smem:$0x3FB2];
	_ =	sdelay $0x3  }
0x33: {  	p0 =	seq.s32 s10, $0x1;
	s10 =	sld [smem:$0x3FB4];
	_ =	sdelay $0x3  }
0x34: {  	[smem:$0x3FB4] =	sst s10  }
0x35: {  	s10 =	sld [smem:$0x3FB3];
	_ =	sdelay $0x3  }
0x36: {  	p1 =	seq.s32 s10, $0x1;
	s10 =	sld [smem:$0x3FB4];
	_ =	sdelay $0x3  }
0x37: {  	[smem:$0x3FB4] =	sst s10  }
0x38: {  	s10 =	sld [smem:$0x3FB5]  }
0x39: {  	_ = 	snop;
	(pc) =	sbr.ind lr, $3  }
0x3a: {  	_ = 	snop  }
0x3b: {  	_ = 	snop  }
0x3c: {  	p2 =	seq.s32 s10, $0x1;
	s10 =	sld [smem:$0x3FB4]  }
0x3d: {  	_ =	shalt  }
0x3e: {  	_ =	shalt  }
0x3f: {  	_ =	shalt  }
0x40: {  	_ =	shalt  }
0x41: {  	_ =	shalt  }
0x42: {  	_ =	shalt  }
0x43: {  	_ =	shalt  }
0x44: {  	_ =	shalt  }
0x45: {  	_ =	shalt  }
0x46: {  	_ =	shalt  }
0x47: {  	_ =	shalt  }
0x48: {  	_ =	shalt  }
0x49: {  	_ =	shalt  }
0x4a: {  	_ =	shalt  }
0x4b: {  	_ =	shalt  }
0x4c: {  	_ =	shalt  }
0x4d: {  	_ =	shalt  }
0x4e: {  	_ =	shalt  }
0x4f: {  	_ =	shalt  }
0x50: {  	_ =	shalt  }
0x51: {  	_ =	shalt  }
0x52: {  	_ =	shalt  }
0x53: {  	_ =	shalt  }
0x54: {  	_ =	shalt  }
0x55: {  	_ =	shalt  }
0x56: {  	_ =	shalt  }
0x57: {  	_ =	shalt  }
0x58: {  	_ =	shalt  }
0x59: {  	_ =	shalt  }
0x5a: {  	_ =	shalt  }
0x5b: {  	_ =	shalt  }
0x5c: {  	_ =	shalt  }
0x5d: {  	_ =	shalt  }
0x5e: {  	_ =	shalt  }
0x5f: {  	_ =	shalt  }
0x60: {  	_ =	shalt  }
0x61: {  	_ =	shalt  }
0x62: {  	_ =	shalt  }
0x63: {  	_ =	shalt  }
0x64: {  	_ =	shalt  }
0x65: {  	_ =	shalt  }
0x66: {  	_ =	shalt  }
0x67: {  	_ =	shalt  }
0x68: {  	_ =	shalt  }
0x69: {  	_ =	shalt  }
0x6a: {  	_ =	shalt  }
0x6b: {  	_ =	shalt  }
0x6c: {  	_ =	shalt  }
0x6d: {  	_ =	shalt  }
0x6e: {  	_ =	shalt  }
0x6f: {  	_ =	shalt  }
0x70: {  	_ =	shalt  }
0x71: {  	_ =	shalt  }
0x72: {  	_ =	shalt  }
0x73: {  	_ =	shalt  }
0x74: {  	_ =	shalt  }
0x75: {  	_ =	shalt  }
0x76: {  	_ =	shalt  }
0x77: {  	_ =	shalt  }
0x78: {  	_ =	shalt  }
0x79: {  	_ =	shalt  }
0x7a: {  	_ =	shalt  }
0x7b: {  	_ =	shalt  }
0x7c: {  	_ =	shalt  }
0x7d: {  	_ =	shalt  }
0x7e: {  	_ =	shalt  }
0x7f: {  	_ =	shalt  }
0x80: {  	_ =	shalt  }
0x81: {  	_ =	shalt  }
0x82: {  	_ =	shalt  }
0x83: {  	_ =	shalt  }
0x84: {  	_ =	shalt  }
0x85: {  	_ =	shalt  }
0x86: {  	_ =	shalt  }
0x87: {  	_ =	shalt  }
.Lfunc_end0:
.L_simem_size_0:
called_computation.1_lowered:
.L_overlay_start_0:
0x88: {  	s2 =	sld [smem:$0x3FD9]  }
0x89: {  	s3 =	sld [smem:$0x3FFE];
	_ =	sdelay $0x1  }
0x8a: {  	s1 =	srdreg.scid  }
0x8b: {  	s0 =	sand.u32 $0x1, s1  }
0x8c: {  	s17 =	sshll.u32 s0, $0xA;
	s2 =	sadd.s32 s3, s2  }
0x8d: {  	s2 =	sadd.s32 s2, s17  }
0x8e: {  	[smem:$0x3FC0] =	sst s2  }
0x8f: {  	_ = 	snop  }
0x90: {  	s2 =	sld [smem:$0x3FD0];
	(tm) =	ssettm $0x1  }
0x91: {  	s18 =	sld [smem:$0x3FFB];
	_ =	sdelay $0x3  }
0x92: {  	_ =	strace s18  }
0x93: {  	s3 =	sld [smem:$0x3FFC];
	_ =	sdelay $0x3  }
0x94: {  	_ =	strace s3  }
0x95: {  	s3 =	sld [smem:$0x3FFD];
	_ =	sdelay $0x3  }
0x96: {  	_ =	strace s3  }
0x97: {  	_ =	strace $0x8FFFFFFF  }
0x98: {  	s19 =	sld [smem:$0x3FDB];
	_ =	sdelay $0x1  }
0x99: {  	s4 =	simm.s32 $_scs_section_size  }
0x9a: {  	s5 =	simm.s32 $_size__tile_overlayer_lowered;
	s6 =	simm.s32 $_tile_overlayer_lowered  }
0x9b: {  	s22 =	simm.s32 $0x1BFF;
	s21 =	sshll.u32 s6, $0x1;
	s3 =	sadd.s32 s4, s19  }
0x9c: {  	s7 =	simm.s32 $0x0;
	s20 =	sshll.u32 s5, $0x1;
	s5 =	sadd.s32 s21, s3  }
0x9d: {  	[timem:s7], [sflag:s22] =	dma.local [hbm:s5], s20  }
0x9e: {  	_ =	swait.ge [sflag:s22], s20  }
0x9f: {  	s4 =	ssub.s32 $0x0, s20;
	[sflag:s22] =	ssyncset.done $0x0  }
0xa0: {  	[sflag:s22] =	ssyncadd.s32 s4;
	_ =	sdelay $0x1  }
0xa1: {  	s23 =	simm.s32 $0x1B8B  }
0xa2: {  	_ =	swait.ge [sflag:s23], $0x1  }
0xa3: {  	[sflag:s23] =	ssyncset.done $0x0  }
0xa4: {  	s25 =	simm.s32 $0x1B8E;
	s24 =	sld [smem:$0x3FFE];
	[sflag:s23] =	ssyncadd.s32 $0xFFFFFFFF  }
0xa5: {  	s26 =	simm.s32 $execute0_lowered;
	[smem:$0x3FD2] =	sst s25  }
0xa6: {  	s5 =	sshll.u32 s26, $0x1;
	_ =	strace $0x80000049;
	[dreg:$0x1] =	wrdreg $0xFFFFFFFF  }
0xa7: {  	s28 =	simm.s32 $_size_execute0_lowered;
	s3 =	sadd.s32 s3, s5;
	[dreg:$0x0] =	wrdreg $0x0  }
0xa8: {  	s5 =	sshll.u32 s28, $0x1;
	[dreg:$0x2] =	wrdreg s3  }
0xa9: {  	[dreg:$0x3] =	wrdreg s5  }
0xaa: {  	[dreg:$0x4] =	wrdreg $0xC0  }
0xab: {  	_ =	task [dreg:s7], $0x5FFFF  }
0xac: {  	[dreg:$0x1] =	wrdreg $0xFFFFFFFF  }
0xad: {  	[dreg:$0x0] =	wrdreg $0x60  }
0xae: {  	[dreg:$0x2] =	wrdreg s24  }
0xaf: {  	[dreg:$0x3] =	wrdreg s2  }
0xb0: {  	[dreg:$0x4] =	wrdreg $0x9  }
0xb1: {  	_ =	task.clear_ibuf [dreg:s7], $0x5FFFF;
	_ =	strace $0x90000049  }
0xb2: {  	s29 =	simm.s32 $0x9;
	_ =	strace $0x8000004B  }
0xb3: {  	_ =	swait.ge [sflag:s29], $0x1  }
0xb4: {  	[sflag:s29] =	ssyncadd.s32 $0xFFFFFFFF  }
0xb5: {  	_ =	strace $0x9000004B  }
0xb6: {  	_ =	sfence  }
0xb7: {  	s30 =	sld [smem:$0x0];
	_ =	sdelay $0x2  }
0xb8: {  	s31 =	sshll.u32 s1, $0xD;
	s1 =	sshrl.u32 s1, $0x2  }
0xb9: {  	s3 =	sand.u32 $0x4000, s31;
	s1 =	sadd.s32 s1, s30  }
0xba: {  	s0 =	sor.u32 s3, s0;
	s1 =	sshll.u32 s1, $0x11  }
0xbb: {  	s0 =	sor.u32 s1, s0  }
0xbc: {  	s0 =	sadd.s32 $0x8F2B, s0  }
0xbd: {  	[sflag:s0] =	ssyncadd.remote.s32 $0x1  }
0xbe: {  	_ =	sfence.sel $0xFFFF  }
0xbf: {  	[dreg:$0x0] =	wrdreg $0xFFFFFFFF;
	(pc) =	sbr.abs _section_cstart, $3  }
0xc0: {  	[dreg:$0x1] =	wrdreg $0xFFFFFFFF  }
0xc1: {  	_ =	task.clear_ibuf [dreg:s7], $0x2FFFF;
	_ =	strace $0x9FFFFFFF  }
0xc2: {  	(tm) =	ssettm $0x7FFFFFFF  }
0xc3: {  	_ =	shalt  }
tec
execute0_lowered:
.L_overlay_start_1:
0x0: {  	(tag) =	ssettag $0x1  }
0x1: {  	s0 =	rddreg [dreg:$0x0];
	s1 =	srdreg.scid  }
0x2: {  	s2 =	stileid.u32;
	s8 =	rddreg [dreg:$0x1]  }
0x3: {  	s10 =	simm.s32 $0x7;
	s12 =	simm.s32 $0x64;
	s19 =	simm.s32 $0x11B00  }
0x4: {  	s20 =	simm.s32 $0x1A0;
	s21 =	simm.s32 $0x13400;
	s22 =	simm.s32 $0x208  }
0x5: {  	s23 =	simm.s32 $0x14D00;
	s24 =	simm.s32 $0x16600;
	s28 =	simm.s32 $0x2  }
0x6: {  	s29 =	simm.s32 $0x3;
	s30 =	simm.s32 $0x4;
	s31 =	simm.s32 $0x6  }
0x7: {  	s1 =	sand.u32 $0x1, s1;
	s3 =	sshll.u32 s2, $0x1;
	s2 =	simm.s32 $0x0  }
0x8: {  	s4 =	sadd.s32 $0x7A2800, s0;
	s5 =	sadd.s32 $0x1600, s0;
	s9 =	sor.u32 s1, s3  }
0x9: {  	[smem:$0x7FF] =	sst s2;
	s1 =	ssub.s32 $0x2, s1;
	s3 =	smul.u32 $0x1A000, s9  }
0xa: {  	_ =	strace $0x8000004A;
	s25 =	sshrl.u32 s1, $0x1;
	s26 =	sshll.u32 s9, $0xC  }
0xb: {  	s0 =	ssub.s32 s1, s25;
	s8 =	sadd.s32 s8, s26;
	s6 =	sshrl.u32 s3, $0x3  }
0xc: {  	s25 =	simm.s32 $0x17F00;
	s26 =	simm.s32 $0x1;
	s6 =	sadd.s32 s4, s6  }
0xd: {  	s1 =	simm.s32 $0x0;
	s9 =	smax.u32 s0, $0x1;
	s7 =	sadd.s32 $0xD00, s6  }
.LBB2_1:
0xe: {  	[tilespmem:s2], [sflag:$0x7] =	stream.linear.gather [hbm4b:s6+s2], $0x6800, $0x38;
	[tilespmem:$0x19A00] =	vst v63  }
0xf: {  	_ =	swait.ge [sflag:s10], $0x6800  }
0x10: {  	[sflag:s10] =	ssyncset.done $0x0  }
0x11: {  	s0 =	simm.s32 $0x6800;
	[sflag:s10] =	ssyncadd.s32 $0xFFFF9800  }
0x12: {  	[tilespmem:s0], [sflag:$0x5] =	stream.linear.gather [hbm4b:s7+s2], $0x6800, $0x38;
	[tilespmem:$0x19A00] =	vst v63  }
0x13: {  	s14 =	simm.s32 $0xD000  }
0x14: {  	[tilespmem:s14], [sflag:$0x1] =	stream.indirect.gather [hbm4b:s5+s12], $0x40, s2, s12, $0xb8;
	[tilespmem:$0x19A00] =	vst v63  }
0x15: {  	s15 =	simm.s32 $0x68;
	s11 =	simm.s32 $0xE900  }
0x16: {  	[tilespmem:s11], [sflag:$0x1] =	stream.indirect.gather [hbm4b:s5+s12], $0x40, s15, s12, $0xb8;
	[tilespmem:$0x19A00] =	vst v63  }
0x17: {  	s16 =	simm.s32 $0xD0;
	s17 =	simm.s32 $0x10200  }
0x18: {  	[tilespmem:s17], [sflag:$0x2] =	stream.indirect.gather [hbm4b:s5+s12], $0x40, s16, s12, $0xb8;
	[tilespmem:$0x19A00] =	vst v63  }
0x19: {  	s18 =	simm.s32 $0x138  }
0x1a: {  	[tilespmem:s19], [sflag:$0x2] =	stream.indirect.gather [hbm4b:s5+s12], $0x40, s18, s12, $0xb8;
	[tilespmem:$0x19A00] =	vst v63  }
0x1b: {  	_ = 	snop  }
0x1c: {  	[tilespmem:s21], [sflag:$0x3] =	stream.indirect.gather [hbm4b:s5+s12], $0x40, s20, s12, $0xb8;
	[tilespmem:$0x19A00] =	vst v63  }
0x1d: {  	s0 =	simm.s32 $0x0  }
0x1e: {  	[tilespmem:s23], [sflag:$0x3] =	stream.indirect.gather [hbm4b:s5+s12], $0x40, s22, s12, $0xb8;
	[tilespmem:$0x19A00] =	vst v63  }
.LBB2_2:
0x1f: {  	s11 =	sand.u32 $0x1F, s0  }
0x20: {  	s14 =	sadd.s32 $0xFFFFFFFF, s0;
	p1 =	sne.s32 s11, $0x0  }
0x21: {  	p2 =	sgt.u32 @!p1 s14, $0x5E  }
0x22: {  	p1 =	por p1, p2  }
.Ltmp0:
0x23: {  	p0 =	slt.u32 s0, $0x2;
	(pc) =	sbr.rel @p1 .LBB2_4-.Ltmp0, $4  }
0x24: {  	s13 =	simm.s32 @!p0 $0x6  }
0x25: {  	_ =	swait.ge @!p0 [sflag:s13], $0x100  }
0x26: {  	[sflag:s13] =	ssyncset.done @!p0 $0x0  }
0x27: {  	[sflag:s13] =	ssyncadd.s32 @!p0 $0xFFFFFF00  }
0x28: {  	s11 =	sshrl.u32 s0, $0x5  }
0x29: {  	s11 =	sadd.s32 $0x1, s11  }
0x2a: {  	s13 =	smul.u32 $0x6800, s11  }
.Ltmp1:
0x2b: {  	_ = 	snop;
	(pc) =	sbr.rel .LBB2_5-.Ltmp1, $4  }
0x2c: {  	s11 =	sand.u32 $0x1, s11;
	s13 =	sadd.s32 s3, s13  }
0x2d: {  	p0 =	seq.s32 s11, $0x1;
	s11 =	simm.s32 $0x6800;
	s13 =	sshrl.u32 s13, $0x3  }
0x2e: {  	s11 =	simm.s32 @!p0 $0x0;
	p0 =	por $0x1, $0x1;
	s13 =	sadd.s32 s4, s13  }
0x2f: {  	[tilespmem:s11], [sflag:$0x5] =	stream.linear.gather [hbm4b:s13+s2], $0x6800, $0x38;
	[tilespmem:$0x19A00] =	vst v63  }
.LBB2_4:
0x30: {  	p1 =	seq.s32 s0, $0x7F  }
0x31: {  	p2 =	sne.s32 @!p1 s11, $0x1F  }
0x32: {  	p3 =	por p2, p1  }
0x33: {  	p0 =	sne.s32 s0, $0x7F;
	s11 =	simm.s32 @!p3 $0x5  }
0x34: {  	p2 =	por !p2, p1;
	p4 =	por @!p3 $0x1, $0x1;
	_ =	swait.ge @!p3 [sflag:s11], $0x6800  }
0x35: {  	p4 =	por @!p2 p0, p0;
	[sflag:s11] =	ssyncset.done @!p3 $0x0  }
0x36: {  	p0 =	por @!p1 p4, p4;
	[sflag:s11] =	ssyncadd.s32 @!p3 $0xFFFF9800  }
.LBB2_5:
0x37: {  	s11 =	sshll.u32 s0, $0x2  }
0x38: {  	s11 =	sor.u32 $0x3, s11  }
0x39: {  	s13 =	sshll.u32 s11, $0x1  }
0x3a: {  	s13 =	sand.u32 $0xFE, s13  }
0x3b: {  	s14 =	sshll.u32 s0, $0x1A;
	s13 =	smul.u32 $0x1A0, s13  }
0x3c: {  	s14 =	sshra.s32 s14, $0x1F  }
0x3d: {  	s14 =	sand.u32 $0x6800, s14;
	s13 =	sshrl.u32 s13, $0x2  }
0x3e: {  	s13 =	sadd.s32 s13, s14  }
0x3f: {  	[tilespmem:s24], [sflag:$0x4] =	stream.indirect.gather [hbm4b:s5+s12], $0x40, s13, s12, $0xb8;
	[tilespmem:$0x19A00] =	vst v63  }
0x40: {  	s13 =	sadd.s32 $0x68, s13  }
0x41: {  	[tilespmem:s25], [sflag:$0x4] =	stream.indirect.gather [hbm4b:s5+s12], $0x40, s13, s12, $0xb8;
	[tilespmem:$0x19A00] =	vst v63  }
0x42: {  	_ =	swait.ge [sflag:s26], $0x3200  }
0x43: {  	[sflag:s26] =	ssyncset.done $0x0  }
0x44: {  	s13 =	simm.s32 $0x0;
	[sflag:s26] =	ssyncadd.s32 $0xFFFFCE00  }
0x45: {  	v3 =	vld [tilespmem:s13+$0xD180]  }
0x46: {  	v4 =	vld [tilespmem:s13+$0xD190]  }
0x47: {  	v5 =	vld [tilespmem:s13+$0xD1A0]  }
0x48: {  	v6 =	vld [tilespmem:s13+$0xD1B0]  }
0x49: {  	v0 =	vld [tilespmem:s13+$0xD1C0]  }
0x4a: {  	v1 =	vld [tilespmem:s13+$0xD1D0]  }
0x4b: {  	v13 =	vld [tilespmem:s13+$0xD100]  }
0x4c: {  	v15 =	vld [tilespmem:s13+$0xD110]  }
0x4d: {  	v12 =	vld [tilespmem:s13+$0xD120]  }
0x4e: {  	v14 =	vld [tilespmem:s13+$0xD130]  }
0x4f: {  	v2 =	vld [tilespmem:s13+$0xD140]  }
0x50: {  	v9 =	vld [tilespmem:s13+$0xD080]  }
0x51: {  	v10 =	vld [tilespmem:s13+$0xD090]  }
0x52: {  	v11 =	vld [tilespmem:s13+$0xD000]  }
0x53: {  	v17 =	vld [tilespmem:s13+$0xD010]  }
0x54: {  	v18 =	vld [tilespmem:s13+$0xD020]  }
0x55: {  	v19 =	vld [tilespmem:s13+$0xD030]  }
0x56: {  	v20 =	vld [tilespmem:s13+$0xD0A0]  }
0x57: {  	v24 =	vld [tilespmem:s13+$0xD0B0]  }
0x58: {  	v8 =	vimm.f32 $0.0e+00;
	v7 =	vld [tilespmem:s13+$0xD150]  }
0x59: {  	v16 =	vld [tilespmem:s13+$0xD0C0];
	v11 =	vadd.f32 v11, v8;
	v22 =	vadd.f32 v17, v8  }
0x5a: {  	v17 =	vld [tilespmem:s13+$0xD0D0];
	v23 =	vadd.f32 v18, v8;
	v25 =	vadd.f32 v19, v8  }
0x5b: {  	v18 =	vld [tilespmem:s13+$0xD040];
	v21 =	vadd.f32 v9, v11;
	v22 =	vadd.f32 v10, v22  }
0x5c: {  	v19 =	vld [tilespmem:s13+$0xD050];
	v23 =	vadd.f32 v20, v23;
	v24 =	vadd.f32 v24, v25  }
0x5d: {  	s14 =	simm.s32 $0x800;
	v20 =	vld [tilespmem:s13+$0xD060];
	v11 =	vimm.f32 $0.0e+00;
	v10 =	vimm.f32 $0.0e+00;
	v9 =	vimm.f32 $0.0e+00  }
.LBB2_6:
0x5e: {  	p1 =	sne.s32 s14, $0xC000;
	v25 =	vld [tilespmem:s13+$0xD070];
	v13 =	vadd.f32 v13, v21;
	v15 =	vadd.f32 v15, v22  }
0x5f: {  	v21 =	vld [tilespmem:s13+$0xD0E0];
	v12 =	vadd.f32 v12, v23;
	v14 =	vadd.f32 v14, v24  }
0x60: {  	v22 =	vld [tilespmem:s13+$0xD0F0];
	v23 =	vadd.f32 v3, v13;
	v24 =	vadd.f32 v4, v15  }
0x61: {  	v13 =	vld [tilespmem:s13+$0xD160];
	v26 =	vadd.f32 v5, v12;
	v27 =	vadd.f32 v6, v14  }
0x62: {  	v3 =	vadd.f32 v18, v8;
	v4 =	vadd.f32 v19, v11;
	v6 =	vld [tilespmem:s13+$0xD170]  }
0x63: {  	v5 =	vadd.f32 v20, v10;
	v8 =	vadd.f32 v25, v9;
	v9 =	vld [tilespmem:s13+$0xD1E0]  }
0x64: {  	v10 =	vadd.f32 v16, v3;
	v11 =	vadd.f32 v17, v4;
	v12 =	vld [tilespmem:s13+$0xD1F0];
	s13 =	sshra.s32 s14, $0x2  }
0x65: {  	v14 =	vadd.f32 v21, v5;
	v3 =	vld [tilespmem:s13+$0xD180];
	v8 =	vadd.f32 v22, v8  }
0x66: {  	v2 =	vadd.f32 v2, v10;
	v7 =	vadd.f32 v7, v11;
	v4 =	vld [tilespmem:s13+$0xD190]  }
0x67: {  	v10 =	vadd.f32 v13, v14;
	v5 =	vld [tilespmem:s13+$0xD1A0];
	v13 =	vadd.f32 v6, v8  }
0x68: {  	v8 =	vadd.f32 v0, v2;
	v11 =	vadd.f32 v1, v7;
	v6 =	vld [tilespmem:s13+$0xD1B0]  }
0x69: {  	v10 =	vadd.f32 v9, v10;
	v0 =	vld [tilespmem:s13+$0xD1C0];
	v9 =	vadd.f32 v12, v13  }
0x6a: {  	v1 =	vld [tilespmem:s13+$0xD1D0]  }
0x6b: {  	v13 =	vld [tilespmem:s13+$0xD100]  }
0x6c: {  	v15 =	vld [tilespmem:s13+$0xD110]  }
0x6d: {  	v12 =	vld [tilespmem:s13+$0xD120]  }
0x6e: {  	v14 =	vld [tilespmem:s13+$0xD130]  }
0x6f: {  	v2 =	vld [tilespmem:s13+$0xD140]  }
0x70: {  	v7 =	vld [tilespmem:s13+$0xD150]  }
0x71: {  	v20 =	vld [tilespmem:s13+$0xD080]  }
0x72: {  	v22 =	vld [tilespmem:s13+$0xD090]  }
0x73: {  	v17 =	vld [tilespmem:s13+$0xD000]  }
0x74: {  	v18 =	vld [tilespmem:s13+$0xD010]  }
0x75: {  	v19 =	vld [tilespmem:s13+$0xD020]  }
0x76: {  	v21 =	vld [tilespmem:s13+$0xD030]  }
0x77: {  	v25 =	vld [tilespmem:s13+$0xD0A0]  }
0x78: {  	v28 =	vld [tilespmem:s13+$0xD0B0]  }
.Ltmp2:
0x79: {  	v16 =	vld [tilespmem:s13+$0xD0C0];
	(pc) =	sbr.rel @p1 .LBB2_6-.Ltmp2, $4  }
0x7a: {  	v23 =	vadd.f32 v17, v23;
	v24 =	vadd.f32 v18, v24;
	v17 =	vld [tilespmem:s13+$0xD0D0]  }
0x7b: {  	v26 =	vadd.f32 v19, v26;
	v27 =	vadd.f32 v21, v27;
	v18 =	vld [tilespmem:s13+$0xD040]  }
0x7c: {  	v21 =	vadd.f32 v20, v23;
	v22 =	vadd.f32 v22, v24;
	v19 =	vld [tilespmem:s13+$0xD050]  }
0x7d: {  	s14 =	sadd.s32 $0x800, s14;
	v23 =	vadd.f32 v25, v26;
	v20 =	vld [tilespmem:s13+$0xD060];
	v24 =	vadd.f32 v28, v27  }
0x7e: {  	v13 =	vadd.f32 v13, v21;
	v15 =	vadd.f32 v15, v22  }
0x7f: {  	v21 =	vld [tilespmem:s13+$0xD070];
	v12 =	vadd.f32 v12, v23;
	v14 =	vadd.f32 v14, v24  }
0x80: {  	v22 =	vld [tilespmem:s13+$0xD0E0];
	v3 =	vadd.f32 v3, v13;
	v4 =	vadd.f32 v4, v15  }
0x81: {  	v13 =	vld [tilespmem:s13+$0xD0F0];
	v8 =	vadd.f32 v18, v8;
	v5 =	vadd.f32 v5, v12  }
0x82: {  	v12 =	vld [tilespmem:s13+$0xD160];
	v6 =	vadd.f32 v6, v14;
	v11 =	vadd.f32 v19, v11  }
0x83: {  	v14 =	vld [tilespmem:s13+$0xD170];
	v10 =	vadd.f32 v20, v10;
	v8 =	vadd.f32 v16, v8  }
0x84: {  	v15 =	vld [tilespmem:s13+$0xD1E0];
	v9 =	vadd.f32 v21, v9;
	v11 =	vadd.f32 v17, v11  }
0x85: {  	v16 =	vld [tilespmem:s13+$0xD1F0];
	v10 =	vadd.f32 v22, v10;
	v2 =	vadd.f32 v2, v8  }
0x86: {  	v8 =	vadd.f32 v13, v9;
	v7 =	vadd.f32 v7, v11  }
0x87: {  	v9 =	vadd.f32 v12, v10;
	v0 =	vadd.f32 v0, v2  }
0x88: {  	v2 =	vadd.f32 v14, v8;
	v1 =	vadd.f32 v1, v7  }
0x89: {  	v7 =	vadd.f32 v15, v9;
	v0 =	vadd.f32 v0, v3  }
0x8a: {  	s14 =	sshll.u32 @p0 s0, $0x3;
	v2 =	vadd.f32 v16, v2;
	v1 =	vadd.f32 v1, v4  }
0x8b: {  	s18 =	sshll.u32 s0, $0x8;
	s16 =	sadd.s32 @p0 $0x8, s14;
	v3 =	vadd.f32 v7, v5;
	v0 =	vmul.f32 $4.999999890e-03, v0  }
0x8c: {  	s15 =	sand.u32 $0x100, s18;
	s13 =	sand.u32 @p0 $0xF8, s16;
	v2 =	vadd.f32 v2, v6;
	v1 =	vmul.f32 $4.999999890e-03, v1  }
0x8d: {  	s16 =	sshll.u32 @p0 s16, $0x17;
	s13 =	smul.u32 @p0 $0x1A0, s13;
	[tilespmem:s15+$0x19800] =	vst v0;
	v0 =	vmul.f32 $4.999999890e-03, v3  }
0x8e: {  	s16 =	sshra.s32 @p0 s16, $0x1F;
	[tilespmem:s15+$0x19810] =	vst v1;
	v1 =	vmul.f32 $4.999999890e-03, v2  }
0x8f: {  	s16 =	sand.u32 @p0 $0x6800, s16;
	s13 =	sshrl.u32 @p0 s13, $0x2;
	[tilespmem:s15+$0x19820] =	vst v0  }
0x90: {  	s17 =	simm.s32 @p0 $0xD000;
	s13 =	sadd.s32 @p0 s13, s16;
	s16 =	simm.s32 @p0 $0x64;
	[tilespmem:s15+$0x19830] =	vst v1  }
0x91: {  	[tilespmem:s17], [sflag:$0x1] =	stream.indirect.gather @p0 [hbm4b:s5+s16], $0x40, s13, s16, $0xb8;
	[tilespmem:$0x19A00] =	vst v63  }
0x92: {  	s13 =	sadd.s32 @p0 $0x9, s14  }
0x93: {  	s17 =	sand.u32 @p0 $0xF9, s13  }
0x94: {  	s13 =	sshll.u32 @p0 s13, $0x17;
	s17 =	smul.u32 @p0 $0x1A0, s17  }
0x95: {  	s13 =	sshra.s32 @p0 s13, $0x1F  }
0x96: {  	s13 =	sand.u32 @p0 $0x6800, s13;
	s17 =	sshrl.u32 @p0 s17, $0x2  }
0x97: {  	s13 =	sadd.s32 @p0 s17, s13;
	s17 =	simm.s32 @p0 $0xE900  }
0x98: {  	[tilespmem:s17], [sflag:$0x1] =	stream.indirect.gather @p0 [hbm4b:s5+s16], $0x40, s13, s16, $0xb8;
	[tilespmem:$0x19A00] =	vst v63  }
0x99: {  	_ =	swait.ge [sflag:s28], $0x3200  }
0x9a: {  	[sflag:s28] =	ssyncset.done $0x0  }
0x9b: {  	s16 =	simm.s32 $0x0;
	[sflag:s28] =	ssyncadd.s32 $0xFFFFCE00  }
0x9c: {  	v3 =	vld [tilespmem:s16+$0x10380]  }
0x9d: {  	v4 =	vld [tilespmem:s16+$0x10390]  }
0x9e: {  	v5 =	vld [tilespmem:s16+$0x103A0]  }
0x9f: {  	v6 =	vld [tilespmem:s16+$0x103B0]  }
0xa0: {  	v0 =	vld [tilespmem:s16+$0x103C0]  }
0xa1: {  	v1 =	vld [tilespmem:s16+$0x103D0]  }
0xa2: {  	v13 =	vld [tilespmem:s16+$0x10300]  }
0xa3: {  	v15 =	vld [tilespmem:s16+$0x10310]  }
0xa4: {  	v12 =	vld [tilespmem:s16+$0x10320]  }
0xa5: {  	v14 =	vld [tilespmem:s16+$0x10330]  }
0xa6: {  	v2 =	vld [tilespmem:s16+$0x10340]  }
0xa7: {  	v9 =	vld [tilespmem:s16+$0x10280]  }
0xa8: {  	v10 =	vld [tilespmem:s16+$0x10290]  }
0xa9: {  	v11 =	vld [tilespmem:s16+$0x10200]  }
0xaa: {  	v17 =	vld [tilespmem:s16+$0x10210]  }
0xab: {  	v18 =	vld [tilespmem:s16+$0x10220]  }
0xac: {  	v19 =	vld [tilespmem:s16+$0x10230]  }
0xad: {  	v20 =	vld [tilespmem:s16+$0x102A0]  }
0xae: {  	v24 =	vld [tilespmem:s16+$0x102B0]  }
0xaf: {  	v8 =	vimm.f32 $0.0e+00;
	v7 =	vld [tilespmem:s16+$0x10350]  }
0xb0: {  	v16 =	vld [tilespmem:s16+$0x102C0];
	v11 =	vadd.f32 v11, v8;
	v22 =	vadd.f32 v17, v8  }
0xb1: {  	v17 =	vld [tilespmem:s16+$0x102D0];
	v23 =	vadd.f32 v18, v8;
	v25 =	vadd.f32 v19, v8  }
0xb2: {  	v18 =	vld [tilespmem:s16+$0x10240];
	v21 =	vadd.f32 v9, v11;
	v22 =	vadd.f32 v10, v22  }
0xb3: {  	v19 =	vld [tilespmem:s16+$0x10250];
	v23 =	vadd.f32 v20, v23;
	v24 =	vadd.f32 v24, v25  }
0xb4: {  	s13 =	sor.u32 $0x19800, s15;
	s17 =	simm.s32 $0x800;
	v20 =	vld [tilespmem:s16+$0x10260];
	v11 =	vimm.f32 $0.0e+00;
	v10 =	vimm.f32 $0.0e+00;
	v9 =	vimm.f32 $0.0e+00  }
.LBB2_8:
0xb5: {  	p1 =	sne.s32 s17, $0xC000;
	v25 =	vld [tilespmem:s16+$0x10270];
	v13 =	vadd.f32 v13, v21;
	v15 =	vadd.f32 v15, v22  }
0xb6: {  	v21 =	vld [tilespmem:s16+$0x102E0];
	v12 =	vadd.f32 v12, v23;
	v14 =	vadd.f32 v14, v24  }
0xb7: {  	v22 =	vld [tilespmem:s16+$0x102F0];
	v23 =	vadd.f32 v3, v13;
	v24 =	vadd.f32 v4, v15  }
0xb8: {  	v13 =	vld [tilespmem:s16+$0x10360];
	v26 =	vadd.f32 v5, v12;
	v27 =	vadd.f32 v6, v14  }
0xb9: {  	v3 =	vadd.f32 v18, v8;
	v4 =	vadd.f32 v19, v11;
	v6 =	vld [tilespmem:s16+$0x10370]  }
0xba: {  	v5 =	vadd.f32 v20, v10;
	v8 =	vadd.f32 v25, v9;
	v9 =	vld [tilespmem:s16+$0x103E0]  }
0xbb: {  	v10 =	vadd.f32 v16, v3;
	v11 =	vadd.f32 v17, v4;
	v12 =	vld [tilespmem:s16+$0x103F0];
	s16 =	sshra.s32 s17, $0x2  }
0xbc: {  	v14 =	vadd.f32 v21, v5;
	v3 =	vld [tilespmem:s16+$0x10380];
	v8 =	vadd.f32 v22, v8  }
0xbd: {  	v2 =	vadd.f32 v2, v10;
	v7 =	vadd.f32 v7, v11;
	v4 =	vld [tilespmem:s16+$0x10390]  }
0xbe: {  	v10 =	vadd.f32 v13, v14;
	v5 =	vld [tilespmem:s16+$0x103A0];
	v13 =	vadd.f32 v6, v8  }
0xbf: {  	v8 =	vadd.f32 v0, v2;
	v11 =	vadd.f32 v1, v7;
	v6 =	vld [tilespmem:s16+$0x103B0]  }
0xc0: {  	v10 =	vadd.f32 v9, v10;
	v0 =	vld [tilespmem:s16+$0x103C0];
	v9 =	vadd.f32 v12, v13  }
0xc1: {  	v1 =	vld [tilespmem:s16+$0x103D0]  }
0xc2: {  	v13 =	vld [tilespmem:s16+$0x10300]  }
0xc3: {  	v15 =	vld [tilespmem:s16+$0x10310]  }
0xc4: {  	v12 =	vld [tilespmem:s16+$0x10320]  }
0xc5: {  	v14 =	vld [tilespmem:s16+$0x10330]  }
0xc6: {  	v2 =	vld [tilespmem:s16+$0x10340]  }
0xc7: {  	v7 =	vld [tilespmem:s16+$0x10350]  }
0xc8: {  	v20 =	vld [tilespmem:s16+$0x10280]  }
0xc9: {  	v22 =	vld [tilespmem:s16+$0x10290]  }
0xca: {  	v17 =	vld [tilespmem:s16+$0x10200]  }
0xcb: {  	v18 =	vld [tilespmem:s16+$0x10210]  }
0xcc: {  	v19 =	vld [tilespmem:s16+$0x10220]  }
0xcd: {  	v21 =	vld [tilespmem:s16+$0x10230]  }
0xce: {  	v25 =	vld [tilespmem:s16+$0x102A0]  }
0xcf: {  	v28 =	vld [tilespmem:s16+$0x102B0]  }
.Ltmp3:
0xd0: {  	v16 =	vld [tilespmem:s16+$0x102C0];
	(pc) =	sbr.rel @p1 .LBB2_8-.Ltmp3, $4  }
0xd1: {  	v23 =	vadd.f32 v17, v23;
	v24 =	vadd.f32 v18, v24;
	v17 =	vld [tilespmem:s16+$0x102D0]  }
0xd2: {  	v26 =	vadd.f32 v19, v26;
	v27 =	vadd.f32 v21, v27;
	v18 =	vld [tilespmem:s16+$0x10240]  }
0xd3: {  	v21 =	vadd.f32 v20, v23;
	v22 =	vadd.f32 v22, v24;
	v19 =	vld [tilespmem:s16+$0x10250]  }
0xd4: {  	s17 =	sadd.s32 $0x800, s17;
	v23 =	vadd.f32 v25, v26;
	v20 =	vld [tilespmem:s16+$0x10260];
	v24 =	vadd.f32 v28, v27  }
0xd5: {  	v13 =	vadd.f32 v13, v21;
	v15 =	vadd.f32 v15, v22  }
0xd6: {  	v21 =	vld [tilespmem:s16+$0x10270];
	v12 =	vadd.f32 v12, v23;
	v14 =	vadd.f32 v14, v24  }
0xd7: {  	v22 =	vld [tilespmem:s16+$0x102E0];
	v3 =	vadd.f32 v3, v13;
	v4 =	vadd.f32 v4, v15  }
0xd8: {  	v13 =	vld [tilespmem:s16+$0x102F0];
	v8 =	vadd.f32 v18, v8;
	v5 =	vadd.f32 v5, v12  }
0xd9: {  	v12 =	vld [tilespmem:s16+$0x10360];
	v6 =	vadd.f32 v6, v14;
	v11 =	vadd.f32 v19, v11  }
0xda: {  	v14 =	vld [tilespmem:s16+$0x10370];
	v10 =	vadd.f32 v20, v10;
	v8 =	vadd.f32 v16, v8  }
0xdb: {  	v15 =	vld [tilespmem:s16+$0x103E0];
	v9 =	vadd.f32 v21, v9;
	v11 =	vadd.f32 v17, v11  }
0xdc: {  	v16 =	vld [tilespmem:s16+$0x103F0];
	v10 =	vadd.f32 v22, v10;
	v2 =	vadd.f32 v2, v8  }
0xdd: {  	v8 =	vadd.f32 v13, v9;
	v7 =	vadd.f32 v7, v11  }
0xde: {  	v9 =	vadd.f32 v12, v10;
	v0 =	vadd.f32 v0, v2  }
0xdf: {  	v2 =	vadd.f32 v14, v8;
	v1 =	vadd.f32 v1, v7  }
0xe0: {  	v7 =	vadd.f32 v15, v9;
	v0 =	vadd.f32 v0, v3  }
0xe1: {  	v2 =	vadd.f32 v16, v2;
	v1 =	vadd.f32 v1, v4  }
0xe2: {  	s16 =	sadd.s32 @p0 $0xA, s14;
	v3 =	vadd.f32 v7, v5;
	v0 =	vmul.f32 $4.999999890e-03, v0  }
0xe3: {  	s17 =	sand.u32 @p0 $0xFA, s16;
	v2 =	vadd.f32 v2, v6;
	v1 =	vmul.f32 $4.999999890e-03, v1  }
0xe4: {  	s16 =	sshll.u32 @p0 s16, $0x17;
	s17 =	smul.u32 @p0 $0x1A0, s17;
	[tilespmem:s15+$0x19840] =	vst v0;
	v0 =	vmul.f32 $4.999999890e-03, v3  }
0xe5: {  	s16 =	sshra.s32 @p0 s16, $0x1F;
	[tilespmem:s15+$0x19850] =	vst v1;
	v1 =	vmul.f32 $4.999999890e-03, v2  }
0xe6: {  	s16 =	sand.u32 @p0 $0x6800, s16;
	s17 =	sshrl.u32 @p0 s17, $0x2;
	[tilespmem:s15+$0x19860] =	vst v0  }
0xe7: {  	s18 =	simm.s32 @p0 $0x10200;
	s16 =	sadd.s32 @p0 s17, s16;
	s17 =	simm.s32 @p0 $0x64;
	[tilespmem:s15+$0x19870] =	vst v1  }
0xe8: {  	[tilespmem:s18], [sflag:$0x2] =	stream.indirect.gather @p0 [hbm4b:s5+s17], $0x40, s16, s17, $0xb8;
	[tilespmem:$0x19A00] =	vst v63  }
0xe9: {  	s16 =	sadd.s32 @p0 $0xB, s14  }
0xea: {  	s18 =	sand.u32 @p0 $0xFB, s16  }
0xeb: {  	s16 =	sshll.u32 @p0 s16, $0x17;
	s18 =	smul.u32 @p0 $0x1A0, s18  }
0xec: {  	s16 =	sshra.s32 @p0 s16, $0x1F  }
0xed: {  	s16 =	sand.u32 @p0 $0x6800, s16;
	s18 =	sshrl.u32 @p0 s18, $0x2  }
0xee: {  	s16 =	sadd.s32 @p0 s18, s16;
	s18 =	simm.s32 @p0 $0x11B00  }
0xef: {  	[tilespmem:s18], [sflag:$0x2] =	stream.indirect.gather @p0 [hbm4b:s5+s17], $0x40, s16, s17, $0xb8;
	[tilespmem:$0x19A00] =	vst v63  }
0xf0: {  	_ =	swait.ge [sflag:s29], $0x3200  }
0xf1: {  	[sflag:s29] =	ssyncset.done $0x0  }
0xf2: {  	s16 =	simm.s32 $0x0;
	[sflag:s29] =	ssyncadd.s32 $0xFFFFCE00  }
0xf3: {  	v3 =	vld [tilespmem:s16+$0x13580]  }
0xf4: {  	v4 =	vld [tilespmem:s16+$0x13590]  }
0xf5: {  	v5 =	vld [tilespmem:s16+$0x135A0]  }
0xf6: {  	v6 =	vld [tilespmem:s16+$0x135B0]  }
0xf7: {  	v0 =	vld [tilespmem:s16+$0x135C0]  }
0xf8: {  	v1 =	vld [tilespmem:s16+$0x135D0]  }
0xf9: {  	v13 =	vld [tilespmem:s16+$0x13500]  }
0xfa: {  	v15 =	vld [tilespmem:s16+$0x13510]  }
0xfb: {  	v12 =	vld [tilespmem:s16+$0x13520]  }
0xfc: {  	v14 =	vld [tilespmem:s16+$0x13530]  }
0xfd: {  	v2 =	vld [tilespmem:s16+$0x13540]  }
0xfe: {  	v9 =	vld [tilespmem:s16+$0x13480]  }
0xff: {  	v10 =	vld [tilespmem:s16+$0x13490]  }
0x100: {  	v11 =	vld [tilespmem:s16+$0x13400]  }
0x101: {  	v17 =	vld [tilespmem:s16+$0x13410]  }
0x102: {  	v18 =	vld [tilespmem:s16+$0x13420]  }
0x103: {  	v19 =	vld [tilespmem:s16+$0x13430]  }
0x104: {  	v20 =	vld [tilespmem:s16+$0x134A0]  }
0x105: {  	v24 =	vld [tilespmem:s16+$0x134B0]  }
0x106: {  	v8 =	vimm.f32 $0.0e+00;
	v7 =	vld [tilespmem:s16+$0x13550]  }
0x107: {  	v16 =	vld [tilespmem:s16+$0x134C0];
	v11 =	vadd.f32 v11, v8;
	v22 =	vadd.f32 v17, v8  }
0x108: {  	v17 =	vld [tilespmem:s16+$0x134D0];
	v23 =	vadd.f32 v18, v8;
	v25 =	vadd.f32 v19, v8  }
0x109: {  	v18 =	vld [tilespmem:s16+$0x13440];
	v21 =	vadd.f32 v9, v11;
	v22 =	vadd.f32 v10, v22  }
0x10a: {  	v19 =	vld [tilespmem:s16+$0x13450];
	v23 =	vadd.f32 v20, v23;
	v24 =	vadd.f32 v24, v25  }
0x10b: {  	s17 =	simm.s32 $0x800;
	v20 =	vld [tilespmem:s16+$0x13460];
	v11 =	vimm.f32 $0.0e+00;
	v10 =	vimm.f32 $0.0e+00;
	v9 =	vimm.f32 $0.0e+00  }
.LBB2_10:
0x10c: {  	p1 =	sne.s32 s17, $0xC000;
	v25 =	vld [tilespmem:s16+$0x13470];
	v13 =	vadd.f32 v13, v21;
	v15 =	vadd.f32 v15, v22  }
0x10d: {  	v21 =	vld [tilespmem:s16+$0x134E0];
	v12 =	vadd.f32 v12, v23;
	v14 =	vadd.f32 v14, v24  }
0x10e: {  	v22 =	vld [tilespmem:s16+$0x134F0];
	v23 =	vadd.f32 v3, v13;
	v24 =	vadd.f32 v4, v15  }
0x10f: {  	v13 =	vld [tilespmem:s16+$0x13560];
	v26 =	vadd.f32 v5, v12;
	v27 =	vadd.f32 v6, v14  }
0x110: {  	v3 =	vadd.f32 v18, v8;
	v4 =	vadd.f32 v19, v11;
	v6 =	vld [tilespmem:s16+$0x13570]  }
0x111: {  	v5 =	vadd.f32 v20, v10;
	v8 =	vadd.f32 v25, v9;
	v9 =	vld [tilespmem:s16+$0x135E0]  }
0x112: {  	v10 =	vadd.f32 v16, v3;
	v11 =	vadd.f32 v17, v4;
	v12 =	vld [tilespmem:s16+$0x135F0];
	s16 =	sshra.s32 s17, $0x2  }
0x113: {  	v14 =	vadd.f32 v21, v5;
	v3 =	vld [tilespmem:s16+$0x13580];
	v8 =	vadd.f32 v22, v8  }
0x114: {  	v2 =	vadd.f32 v2, v10;
	v7 =	vadd.f32 v7, v11;
	v4 =	vld [tilespmem:s16+$0x13590]  }
0x115: {  	v10 =	vadd.f32 v13, v14;
	v5 =	vld [tilespmem:s16+$0x135A0];
	v13 =	vadd.f32 v6, v8  }
0x116: {  	v8 =	vadd.f32 v0, v2;
	v11 =	vadd.f32 v1, v7;
	v6 =	vld [tilespmem:s16+$0x135B0]  }
0x117: {  	v10 =	vadd.f32 v9, v10;
	v0 =	vld [tilespmem:s16+$0x135C0];
	v9 =	vadd.f32 v12, v13  }
0x118: {  	v1 =	vld [tilespmem:s16+$0x135D0]  }
0x119: {  	v13 =	vld [tilespmem:s16+$0x13500]  }
0x11a: {  	v15 =	vld [tilespmem:s16+$0x13510]  }
0x11b: {  	v12 =	vld [tilespmem:s16+$0x13520]  }
0x11c: {  	v14 =	vld [tilespmem:s16+$0x13530]  }
0x11d: {  	v2 =	vld [tilespmem:s16+$0x13540]  }
0x11e: {  	v7 =	vld [tilespmem:s16+$0x13550]  }
0x11f: {  	v20 =	vld [tilespmem:s16+$0x13480]  }
0x120: {  	v22 =	vld [tilespmem:s16+$0x13490]  }
0x121: {  	v17 =	vld [tilespmem:s16+$0x13400]  }
0x122: {  	v18 =	vld [tilespmem:s16+$0x13410]  }
0x123: {  	v19 =	vld [tilespmem:s16+$0x13420]  }
0x124: {  	v21 =	vld [tilespmem:s16+$0x13430]  }
0x125: {  	v25 =	vld [tilespmem:s16+$0x134A0]  }
0x126: {  	v28 =	vld [tilespmem:s16+$0x134B0]  }
.Ltmp4:
0x127: {  	v16 =	vld [tilespmem:s16+$0x134C0];
	(pc) =	sbr.rel @p1 .LBB2_10-.Ltmp4, $4  }
0x128: {  	v23 =	vadd.f32 v17, v23;
	v24 =	vadd.f32 v18, v24;
	v17 =	vld [tilespmem:s16+$0x134D0]  }
0x129: {  	v26 =	vadd.f32 v19, v26;
	v27 =	vadd.f32 v21, v27;
	v18 =	vld [tilespmem:s16+$0x13440]  }
0x12a: {  	v21 =	vadd.f32 v20, v23;
	v22 =	vadd.f32 v22, v24;
	v19 =	vld [tilespmem:s16+$0x13450]  }
0x12b: {  	s17 =	sadd.s32 $0x800, s17;
	v23 =	vadd.f32 v25, v26;
	v20 =	vld [tilespmem:s16+$0x13460];
	v24 =	vadd.f32 v28, v27  }
0x12c: {  	v13 =	vadd.f32 v13, v21;
	v15 =	vadd.f32 v15, v22  }
0x12d: {  	v21 =	vld [tilespmem:s16+$0x13470];
	v12 =	vadd.f32 v12, v23;
	v14 =	vadd.f32 v14, v24  }
0x12e: {  	v22 =	vld [tilespmem:s16+$0x134E0];
	v3 =	vadd.f32 v3, v13;
	v4 =	vadd.f32 v4, v15  }
0x12f: {  	v13 =	vld [tilespmem:s16+$0x134F0];
	v8 =	vadd.f32 v18, v8;
	v5 =	vadd.f32 v5, v12  }
0x130: {  	v12 =	vld [tilespmem:s16+$0x13560];
	v6 =	vadd.f32 v6, v14;
	v11 =	vadd.f32 v19, v11  }
0x131: {  	v14 =	vld [tilespmem:s16+$0x13570];
	v10 =	vadd.f32 v20, v10;
	v8 =	vadd.f32 v16, v8  }
0x132: {  	v15 =	vld [tilespmem:s16+$0x135E0];
	v9 =	vadd.f32 v21, v9;
	v11 =	vadd.f32 v17, v11  }
0x133: {  	v16 =	vld [tilespmem:s16+$0x135F0];
	v10 =	vadd.f32 v22, v10;
	v2 =	vadd.f32 v2, v8  }
0x134: {  	v8 =	vadd.f32 v13, v9;
	v7 =	vadd.f32 v7, v11  }
0x135: {  	v9 =	vadd.f32 v12, v10;
	v0 =	vadd.f32 v0, v2  }
0x136: {  	v2 =	vadd.f32 v14, v8;
	v1 =	vadd.f32 v1, v7  }
0x137: {  	v7 =	vadd.f32 v15, v9;
	v0 =	vadd.f32 v0, v3  }
0x138: {  	v2 =	vadd.f32 v16, v2;
	v1 =	vadd.f32 v1, v4  }
0x139: {  	s16 =	sadd.s32 @p0 $0xC, s14;
	v3 =	vadd.f32 v7, v5;
	v0 =	vmul.f32 $4.999999890e-03, v0  }
0x13a: {  	s17 =	sand.u32 @p0 $0xFC, s16;
	v2 =	vadd.f32 v2, v6;
	v1 =	vmul.f32 $4.999999890e-03, v1  }
0x13b: {  	s16 =	sshll.u32 @p0 s16, $0x17;
	s17 =	smul.u32 @p0 $0x1A0, s17;
	[tilespmem:s15+$0x19880] =	vst v0;
	v0 =	vmul.f32 $4.999999890e-03, v3  }
0x13c: {  	s16 =	sshra.s32 @p0 s16, $0x1F;
	[tilespmem:s15+$0x19890] =	vst v1;
	v1 =	vmul.f32 $4.999999890e-03, v2  }
0x13d: {  	s14 =	sadd.s32 @p0 $0xD, s14;
	s16 =	sand.u32 @p0 $0x6800, s16;
	s17 =	sshrl.u32 @p0 s17, $0x2;
	[tilespmem:s15+$0x198A0] =	vst v0  }
0x13e: {  	[tilespmem:s15+$0x198B0] =	vst v1;
	s15 =	sadd.s32 @p0 s17, s16;
	s16 =	simm.s32 @p0 $0x64;
	s17 =	simm.s32 @p0 $0x13400  }
0x13f: {  	[tilespmem:s17], [sflag:$0x3] =	stream.indirect.gather @p0 [hbm4b:s5+s16], $0x40, s15, s16, $0xb8;
	[tilespmem:$0x19A00] =	vst v63  }
0x140: {  	s15 =	sand.u32 @p0 $0xFD, s14  }
0x141: {  	s14 =	sshll.u32 @p0 s14, $0x17;
	s15 =	smul.u32 @p0 $0x1A0, s15  }
0x142: {  	s14 =	sshra.s32 @p0 s14, $0x1F  }
0x143: {  	s14 =	sand.u32 @p0 $0x6800, s14;
	s15 =	sshrl.u32 @p0 s15, $0x2  }
0x144: {  	s14 =	sadd.s32 @p0 s15, s14;
	s15 =	simm.s32 @p0 $0x14D00  }
0x145: {  	[tilespmem:s15], [sflag:$0x3] =	stream.indirect.gather @p0 [hbm4b:s5+s16], $0x40, s14, s16, $0xb8;
	[tilespmem:$0x19A00] =	vst v63  }
0x146: {  	_ =	swait.ge [sflag:s30], $0x3200  }
0x147: {  	[sflag:s30] =	ssyncset.done $0x0  }
0x148: {  	s14 =	simm.s32 $0x0;
	[sflag:s30] =	ssyncadd.s32 $0xFFFFCE00  }
0x149: {  	v3 =	vld [tilespmem:s14+$0x16780]  }
0x14a: {  	v4 =	vld [tilespmem:s14+$0x16790]  }
0x14b: {  	v5 =	vld [tilespmem:s14+$0x167A0]  }
0x14c: {  	v6 =	vld [tilespmem:s14+$0x167B0]  }
0x14d: {  	v0 =	vld [tilespmem:s14+$0x167C0]  }
0x14e: {  	v1 =	vld [tilespmem:s14+$0x167D0]  }
0x14f: {  	v13 =	vld [tilespmem:s14+$0x16700]  }
0x150: {  	v15 =	vld [tilespmem:s14+$0x16710]  }
0x151: {  	v12 =	vld [tilespmem:s14+$0x16720]  }
0x152: {  	v14 =	vld [tilespmem:s14+$0x16730]  }
0x153: {  	v2 =	vld [tilespmem:s14+$0x16740]  }
0x154: {  	v9 =	vld [tilespmem:s14+$0x16680]  }
0x155: {  	v10 =	vld [tilespmem:s14+$0x16690]  }
0x156: {  	v11 =	vld [tilespmem:s14+$0x16600]  }
0x157: {  	v17 =	vld [tilespmem:s14+$0x16610]  }
0x158: {  	v18 =	vld [tilespmem:s14+$0x16620]  }
0x159: {  	v19 =	vld [tilespmem:s14+$0x16630]  }
0x15a: {  	v20 =	vld [tilespmem:s14+$0x166A0]  }
0x15b: {  	v24 =	vld [tilespmem:s14+$0x166B0]  }
0x15c: {  	v8 =	vimm.f32 $0.0e+00;
	v7 =	vld [tilespmem:s14+$0x16750]  }
0x15d: {  	v16 =	vld [tilespmem:s14+$0x166C0];
	v11 =	vadd.f32 v11, v8;
	v22 =	vadd.f32 v17, v8  }
0x15e: {  	v17 =	vld [tilespmem:s14+$0x166D0];
	v23 =	vadd.f32 v18, v8;
	v25 =	vadd.f32 v19, v8  }
0x15f: {  	v18 =	vld [tilespmem:s14+$0x16640];
	v21 =	vadd.f32 v9, v11;
	v22 =	vadd.f32 v10, v22  }
0x160: {  	v19 =	vld [tilespmem:s14+$0x16650];
	v23 =	vadd.f32 v20, v23;
	v24 =	vadd.f32 v24, v25  }
0x161: {  	s15 =	simm.s32 $0x800;
	v20 =	vld [tilespmem:s14+$0x16660];
	v11 =	vimm.f32 $0.0e+00;
	v10 =	vimm.f32 $0.0e+00;
	v9 =	vimm.f32 $0.0e+00  }
.LBB2_12:
0x162: {  	p0 =	sne.s32 s15, $0xC000;
	v25 =	vld [tilespmem:s14+$0x16670];
	v13 =	vadd.f32 v13, v21;
	v15 =	vadd.f32 v15, v22  }
0x163: {  	v21 =	vld [tilespmem:s14+$0x166E0];
	v12 =	vadd.f32 v12, v23;
	v14 =	vadd.f32 v14, v24  }
0x164: {  	v22 =	vld [tilespmem:s14+$0x166F0];
	v23 =	vadd.f32 v3, v13;
	v24 =	vadd.f32 v4, v15  }
0x165: {  	v13 =	vld [tilespmem:s14+$0x16760];
	v26 =	vadd.f32 v5, v12;
	v27 =	vadd.f32 v6, v14  }
0x166: {  	v3 =	vadd.f32 v18, v8;
	v4 =	vadd.f32 v19, v11;
	v6 =	vld [tilespmem:s14+$0x16770]  }
0x167: {  	v5 =	vadd.f32 v20, v10;
	v8 =	vadd.f32 v25, v9;
	v9 =	vld [tilespmem:s14+$0x167E0]  }
0x168: {  	v10 =	vadd.f32 v16, v3;
	v11 =	vadd.f32 v17, v4;
	v12 =	vld [tilespmem:s14+$0x167F0];
	s14 =	sshra.s32 s15, $0x2  }
0x169: {  	v14 =	vadd.f32 v21, v5;
	v3 =	vld [tilespmem:s14+$0x16780];
	v8 =	vadd.f32 v22, v8  }
0x16a: {  	v2 =	vadd.f32 v2, v10;
	v7 =	vadd.f32 v7, v11;
	v4 =	vld [tilespmem:s14+$0x16790]  }
0x16b: {  	v10 =	vadd.f32 v13, v14;
	v5 =	vld [tilespmem:s14+$0x167A0];
	v13 =	vadd.f32 v6, v8  }
0x16c: {  	v8 =	vadd.f32 v0, v2;
	v11 =	vadd.f32 v1, v7;
	v6 =	vld [tilespmem:s14+$0x167B0]  }
0x16d: {  	v10 =	vadd.f32 v9, v10;
	v0 =	vld [tilespmem:s14+$0x167C0];
	v9 =	vadd.f32 v12, v13  }
0x16e: {  	v1 =	vld [tilespmem:s14+$0x167D0]  }
0x16f: {  	v13 =	vld [tilespmem:s14+$0x16700]  }
0x170: {  	v15 =	vld [tilespmem:s14+$0x16710]  }
0x171: {  	v12 =	vld [tilespmem:s14+$0x16720]  }
0x172: {  	v14 =	vld [tilespmem:s14+$0x16730]  }
0x173: {  	v2 =	vld [tilespmem:s14+$0x16740]  }
0x174: {  	v7 =	vld [tilespmem:s14+$0x16750]  }
0x175: {  	v20 =	vld [tilespmem:s14+$0x16680]  }
0x176: {  	v22 =	vld [tilespmem:s14+$0x16690]  }
0x177: {  	v17 =	vld [tilespmem:s14+$0x16600]  }
0x178: {  	v18 =	vld [tilespmem:s14+$0x16610]  }
0x179: {  	v19 =	vld [tilespmem:s14+$0x16620]  }
0x17a: {  	v21 =	vld [tilespmem:s14+$0x16630]  }
0x17b: {  	v25 =	vld [tilespmem:s14+$0x166A0]  }
0x17c: {  	v28 =	vld [tilespmem:s14+$0x166B0]  }
.Ltmp5:
0x17d: {  	v16 =	vld [tilespmem:s14+$0x166C0];
	(pc) =	sbr.rel @p0 .LBB2_12-.Ltmp5, $4  }
0x17e: {  	v23 =	vadd.f32 v17, v23;
	v24 =	vadd.f32 v18, v24;
	v17 =	vld [tilespmem:s14+$0x166D0]  }
0x17f: {  	v26 =	vadd.f32 v19, v26;
	v27 =	vadd.f32 v21, v27;
	v18 =	vld [tilespmem:s14+$0x16640]  }
0x180: {  	v21 =	vadd.f32 v20, v23;
	v22 =	vadd.f32 v22, v24;
	v19 =	vld [tilespmem:s14+$0x16650]  }
0x181: {  	s15 =	sadd.s32 $0x800, s15;
	v23 =	vadd.f32 v25, v26;
	v20 =	vld [tilespmem:s14+$0x16660];
	v24 =	vadd.f32 v28, v27  }
0x182: {  	v13 =	vadd.f32 v13, v21;
	v15 =	vadd.f32 v15, v22  }
0x183: {  	v50 =	vld [tilespmem:s14+$0x16670];
	v12 =	vadd.f32 v12, v23;
	v14 =	vadd.f32 v14, v24  }
0x184: {  	v51 =	vld [tilespmem:s14+$0x166E0];
	v3 =	vadd.f32 v3, v13;
	v4 =	vadd.f32 v4, v15  }
0x185: {  	v52 =	vld [tilespmem:s14+$0x166F0];
	v8 =	vadd.f32 v18, v8;
	v5 =	vadd.f32 v5, v12  }
0x186: {  	v53 =	vld [tilespmem:s14+$0x16760];
	v6 =	vadd.f32 v6, v14;
	v11 =	vadd.f32 v19, v11  }
0x187: {  	v54 =	vld [tilespmem:s14+$0x16770];
	v10 =	vadd.f32 v20, v10;
	v8 =	vadd.f32 v16, v8  }
0x188: {  	v55 =	vld [tilespmem:s14+$0x167E0];
	v9 =	vadd.f32 v50, v9;
	v11 =	vadd.f32 v17, v11  }
0x189: {  	v56 =	vld [tilespmem:s14+$0x167F0];
	v10 =	vadd.f32 v51, v10;
	v2 =	vadd.f32 v2, v8  }
0x18a: {  	v57 =	vadd.f32 v52, v9;
	v7 =	vadd.f32 v7, v11  }
0x18b: {  	v58 =	vadd.f32 v53, v10;
	v0 =	vadd.f32 v0, v2  }
0x18c: {  	v59 =	vadd.f32 v54, v57;
	v1 =	vadd.f32 v1, v7  }
0x18d: {  	v60 =	vadd.f32 v55, v58;
	v0 =	vadd.f32 v0, v3  }
0x18e: {  	v2 =	vadd.f32 v56, v59;
	v1 =	vadd.f32 v1, v4  }
0x18f: {  	s11 =	sshll.u32 s11, $0x6;
	s17 =	sshll.u32 s0, $0x5;
	s0 =	sadd.s32 $0x1, s0;
	v61 =	vadd.f32 v60, v5;
	v0 =	vmul.f32 $4.999999890e-03, v0  }
0x190: {  	s11 =	sand.u32 $0x1C0, s11;
	p0 =	sne.s32 s0, $0x80;
	v2 =	vadd.f32 v2, v6;
	v1 =	vmul.f32 $4.999999890e-03, v1  }
.Ltmp6:
0x191: {  	[tilespmem:s11+$0x19800] =	vst v0;
	v62 =	vmul.f32 $4.999999890e-03, v61;
	(pc) =	sbr.rel @p0 .LBB2_2-.Ltmp6, $4  }
0x192: {  	[tilespmem:s11+$0x19810] =	vst v1;
	v63 =	vmul.f32 $4.999999890e-03, v2  }
0x193: {  	[tilespmem:s11+$0x19820] =	vst v62  }
0x194: {  	s18 =	sadd.s32 s17, s8;
	[tilespmem:s11+$0x19830] =	vst v63  }
0x195: {  	[hbm4b:s18+s2] =	stream.linear.scatter [tilespmem:s13], [sflag:$0x6], $0x100, $0x38;
	[tilespmem:$0x19A00] =	vst v63  }
0x196: {  	s1 =	sadd.s32 $0x1, s1  }
0x197: {  	_ =	swait.ge [sflag:s31], $0x100;
	p0 =	sne.s32 s1, s9  }
.Ltmp7:
0x198: {  	[sflag:s31] =	ssyncset.done $0x0;
	(pc) =	sbr.rel @p0 .LBB2_1-.Ltmp7, $4  }
0x199: {  	[sflag:s31] =	ssyncadd.s32 $0xFFFFFF00  }
0x19a: {  	_ =	swait.ge [sflag:s31], $0x100  }
0x19b: {  	[sflag:s31] =	ssyncset.done $0x0  }
0x19c: {  	[sflag:s31] =	ssyncadd.s32 $0xFFFFFF00  }
0x19d: {  	_ =	sfence.sel $0x180000  }
0x19e: {  	[bflag:$0x0] =	sbarrier.arrive $0xFFFF  }
0x19f: {  	_ =	strace $0x9000004A  }
0x1a0: {  	s0 =	stileid.u32;
	[bflag:$0x2] =	sbarrier.arrive $0xFFFF  }
0x1a1: {  	p0 =	sne.s32 s0, $0x0;
	s0 =	rddreg [dreg:$0x2]  }
0x1a2: {  	s0 =	sadd.s32 @!p0 $0x100000, s0  }
0x1a3: {  	[sflag:s0] =	ssyncadd.tile.s32 @!p0 $0x1;
	_ =	shalt  }
.Lfunc_end2:
_tile_overlayer_lowered:
.L_overlay_start_2:
0x1a4: {  	(tag) =	ssettag $0x2  }
0x1a5: {  	s0 =	rddreg [dreg:$0x0];
	s2 =	stileid.u32  }
0x1a6: {  	s1 =	rddreg [dreg:$0x1];
	p0 =	sne.s32 s2, $0x0  }
0x1a7: {  	s3 =	rddreg [dreg:$0x2];
	[bflag:$0x3] =	sbarrier.arrive $0xFFFF;
	s2 =	simm.s32 @!p0 $0x1C07  }
0x1a8: {  	[timem:s3], [sflag:s2] =	dma.local @!p0 [hbm:s0], s1  }
0x1a9: {  	s0 =	simm.s32 @!p0 $0x7  }
0x1aa: {  	_ =	swait.ge @!p0 [sflag:s0], s1  }
0x1ab: {  	s1 =	ssub.s32 @!p0 $0x0, s1;
	[sflag:s0] =	ssyncset.done @!p0 $0x0  }
0x1ac: {  	[sflag:s0] =	ssyncadd.s32 @!p0 s1  }
0x1ad: {  	[bflag:$0x3] =	sbarrier.arrive $0xFFFF  }
0x1ae: {  	_ =	shalt  }

</sc_bundles>
